<compile_context>
chip_gen: v7x
topology: tpu7x:2x2x1
jax: 0.10.2.dev20260603
libtpu: 0.0.44.dev20260713+nightly
codegen_flags: <defaults>
</compile_context>

<pallas_src>
import jax
import jax.numpy as jnp
from jax import lax
from jax.experimental import pallas as pl
from jax.experimental.pallas import tpu as pltpu
from jax.experimental.pallas import tpu_sc as plsc

B = 1024
F = 26
LH = 50
D = 64
NC, NS = 2, 16
NW = NC * NS
BPW = B // NW
KV = D // 16
CPR = F // 2
NCHUNK = BPW * CPR
NBUF = 4


def _rsqrt_vec(s_vec):
    i = plsc.bitcast(s_vec, jnp.int32)
    i = 0x5F3759DF - lax.shift_right_logical(i, 1)
    y = plsc.bitcast(i, jnp.float32)
    for _ in range(3):
        y = y * (1.5 - 0.5 * s_vec * y * y)
    return y


def _sc_body(uidx_hbm, sidx_hbm, utab_hbm, stab_hbm, out_hbm,
             uidx_v, sidx_v, ustage, accs, bufs,
             sem_u, sem_g, sem_o):
    wid = lax.axis_index("s") * NC + lax.axis_index("c")
    base = wid * BPW
    pltpu.sync_copy(uidx_hbm.at[pl.ds(base, BPW)], uidx_v)
    pltpu.sync_copy(sidx_hbm.at[pl.ds(base, BPW)], sidx_v)

    for b in range(2):
        pltpu.async_copy(utab_hbm.at[uidx_v.at[b]], ustage.at[b], sem_u.at[b])
    def start_chunk(b, c, slot):
        pltpu.async_copy(stab_hbm.at[sidx_v.at[b, 2 * c]],
                         bufs.at[slot, pl.ds(0, LH)], sem_g.at[slot])
        pltpu.async_copy(stab_hbm.at[sidx_v.at[b, 2 * c + 1]],
                         bufs.at[slot, pl.ds(LH, LH)], sem_g.at[slot])

    for j in range(NBUF):
        start_chunk(0, j, j)

    def chunk_step(g, sq_in):
        b = g // CPR
        c = g - b * CPR
        slot = lax.rem(g, NBUF)
        par = lax.rem(b, 2)

        @pl.when((c == 0) & (b >= 2))
        def _():
            pltpu.make_async_copy(out_hbm.at[0], accs.at[0], sem_o.at[par]).wait()

        @pl.when(c == 0)
        def _():
            pltpu.make_async_copy(utab_hbm.at[pl.ds(0, F)], ustage.at[0],
                                  sem_u.at[par]).wait()

        pltpu.make_async_copy(stab_hbm.at[pl.ds(0, 2 * LH)], bufs.at[slot],
                              sem_g.at[slot]).wait()

        sq = jnp.where(c == 0, jnp.zeros((16,), jnp.float32), sq_in)
        for half in range(2):
            f = 2 * c + half
            v = [ustage[par, f, pl.ds(k * 16, 16)] for k in range(KV)]
            for l in range(LH):
                for k in range(KV):
                    v[k] = v[k] + bufs[slot, half * LH + l, pl.ds(k * 16, 16)]
            col = f * D
            for k in range(KV):
                accs[par, pl.ds(col + k * 16, 16)] = v[k]
                sq = sq + v[k] * v[k]

        @pl.when(g < NCHUNK - NBUF)
        def _():
            g2 = g + NBUF
            b2 = g2 // CPR
            c2 = g2 - b2 * CPR
            start_chunk(b2, c2, slot)

        @pl.when((c == CPR - 1) & (b < BPW - 2))
        def _():
            pltpu.async_copy(utab_hbm.at[uidx_v.at[b + 2]], ustage.at[par],
                             sem_u.at[par])

        @pl.when(c == CPR - 1)
        def _():
            s = jnp.maximum(jnp.sum(sq), 1e-24)
            y = _rsqrt_vec(jnp.full((16,), s, jnp.float32))

            def scale(j, carry):
                accs[par, pl.ds(j * 16, 16)] = accs[par, pl.ds(j * 16, 16)] * y
                return carry

            lax.fori_loop(0, F * KV, scale, 0)
            pltpu.async_copy(accs.at[par], out_hbm.at[base + b], sem_o.at[par])

        return sq

    lax.fori_loop(0, NCHUNK, chunk_step, jnp.zeros((16,), jnp.float32))
    pltpu.make_async_copy(out_hbm.at[0], accs.at[0], sem_o.at[0]).wait()
    pltpu.make_async_copy(out_hbm.at[0], accs.at[0], sem_o.at[1]).wait()


@jax.jit
def kernel(user_idx, seq_idx, user_table, seq_table):
    mesh = plsc.VectorSubcoreMesh(core_axis_name="c", subcore_axis_name="s")
    run = pl.kernel(
        _sc_body,
        out_type=jax.ShapeDtypeStruct((B, F * D), jnp.float32),
        mesh=mesh,
        scratch_types=[
            pltpu.VMEM((BPW, F), jnp.int32),
            pltpu.VMEM((BPW, F, LH), jnp.int32),
            pltpu.VMEM((2, F, D), jnp.float32),
            pltpu.VMEM((2, F * D), jnp.float32),
            pltpu.VMEM((NBUF, 2 * LH, D), jnp.float32),
            pltpu.SemaphoreType.DMA((2,)),
            pltpu.SemaphoreType.DMA((NBUF,)),
            pltpu.SemaphoreType.DMA((2,)),
        ],
        compiler_params=pltpu.CompilerParams(
            use_tc_tiling_on_sc=False, needs_layout_passes=False),
    )
    return run(user_idx, seq_idx, user_table, seq_table)

# --- scband reference (transcript-rebuilt; emitter-appended) ---
"""Pipeline reference for scband-hrmuser-module-82995948027922 (READ-ONLY COPY).

The authoritative reference and input builder live on the scoring server;
editing this copy changes nothing except your own understanding.
"""

import jax, jax.numpy as jnp
import numpy as np

B = 1024      # batch
F = 26        # n_sparse_fields (shared between user and seq schemas so concat dims match)
L = 50        # hist_len per sequence feature
V = 100000    # vocab (hash-table rows)
D = 64        # embedding_dim


def setup_inputs(seed: int = 0) -> dict:
    key = jax.random.key(seed)
    k1, k2, k3, k4 = jax.random.split(key, 4)
    user_idx = jax.random.randint(k1, (B, F), 0, V, dtype=jnp.int64 if jax.config.jax_enable_x64 else jnp.int32).astype(jnp.int32)
    seq_idx = jax.random.randint(k2, (B, F, L), 0, V, dtype=jnp.int64 if jax.config.jax_enable_x64 else jnp.int32).astype(jnp.int32)
    # NormalTensorInitializer(var=1e-4) -> std = 1e-2
    user_table = jax.random.normal(k3, (V, D), dtype=jnp.float32) * 0.01
    seq_table = jax.random.normal(k4, (V, D), dtype=jnp.float32) * 0.01
    return {"user_idx": user_idx, "seq_idx": seq_idx,
            "user_table": user_table, "seq_table": seq_table}


def reference(user_idx, seq_idx, user_table, seq_table):
    b = user_idx.shape[0]
    # user_sparse: EmbeddingSumConcat, one id per field, sum-pool (trivial bag of 1), concat fields -> [B, F*D]
    user_emb = jnp.take(user_table, user_idx, axis=0).reshape(b, -1)
    # seq_sparse: EmbeddingSumConcat, L ids per field, sum-pool over bag, concat fields -> [B, F*D]
    seq_emb = jnp.take(seq_table, seq_idx, axis=0).sum(axis=2).reshape(b, -1)
    # torch.cat([u.unsqueeze(1), s.unsqueeze(1)], dim=1) -> [B, 2, F*D]
    hybrid = jnp.concatenate([user_emb[:, None, :], seq_emb[:, None, :]], axis=1)
    # pooling_type_layer_2 = 'sum' over dim=1
    pooled = jnp.sum(hybrid, axis=1)
    # F.normalize: L2 along last dim with eps=1e-12
    norm = jnp.maximum(jnp.linalg.norm(pooled, axis=-1, keepdims=True), 1e-12)
    return pooled / norm

if __name__ == "__main__":
    import jax
    _d = setup_inputs()
    print(jax.jit(kernel)(*tuple(_d.values())))

</pallas_src>

<mosaic_0001>
#map = affine_map<(d0, d1) -> (0, 0)>
#map1 = affine_map<(d0, d1) -> (0, 0, 0)>
module attributes {stable_mosaic.version = 14 : i64} {
  func.func @_sc_body(%arg0: i32, %arg1: i32, %arg2: memref<1024x26xi32, #tpu.memory_space<hbm>>, %arg3: memref<1024x26x50xi32, #tpu.memory_space<hbm>>, %arg4: memref<100000x64xf32, #tpu.memory_space<hbm>>, %arg5: memref<100000x64xf32, #tpu.memory_space<hbm>>, %arg6: memref<1024x1664xf32, #tpu.memory_space<hbm>>, %arg7: memref<32x26xi32, #tpu.memory_space<vmem>>, %arg8: memref<32x26x50xi32, #tpu.memory_space<vmem>>, %arg9: memref<2x26x64xf32, #tpu.memory_space<vmem>>, %arg10: memref<2x1664xf32, #tpu.memory_space<vmem>>, %arg11: memref<4x100x64xf32, #tpu.memory_space<vmem>>, %arg12: memref<2x!tpu.dma_semaphore, #tpu.memory_space<semaphore_mem>>, %arg13: memref<4x!tpu.dma_semaphore, #tpu.memory_space<semaphore_mem>>, %arg14: memref<2x!tpu.dma_semaphore, #tpu.memory_space<semaphore_mem>>) attributes {dimension_semantics = [#tpu.dimension_semantics<core_parallel>, #tpu.dimension_semantics<subcore_parallel>], iteration_bounds = array<i64: 2, 16>, scalar_prefetch = 0 : i64, scratch_operands = 8 : i64, tpu.core_type = #tpu.core_type<sc_vector_subcore>, window_params = [{transform_indices = #map}, {transform_indices = #map1}, {transform_indices = #map}, {transform_indices = #map}, {transform_indices = #map}]} {
    %mul3A = arith.constant 2 : i32
    %mul3A_0 = arith.muli %arg1, %mul3A : i32
    %add3A = arith.addi %mul3A_0, %arg0 : i32
    %mul3A_1 = arith.constant 32 : i32
    %mul3A_2 = arith.muli %add3A, %mul3A_1 : i32
    "tpu.region"() ({
      %run_scoped3A = tpu.sem_alloc : memref<!tpu.dma_semaphore, #tpu.memory_space<semaphore_mem>>
      %dma_start3A_199 = arith.constant 0 : i32
      %dma_start3A_200 = tpu.memref_slice %arg2[%mul3A_2, %dma_start3A_199] : memref<1024x26xi32, #tpu.memory_space<hbm>> -> memref<32x26xi32, #tpu.memory_space<hbm>>
      %dma_start3A_201 = arith.constant 0 : i32
      %dma_start3A_202 = tpu.memref_slice %arg2[%mul3A_2, %dma_start3A_201] : memref<1024x26xi32, #tpu.memory_space<hbm>> -> memref<32x26xi32, #tpu.memory_space<hbm>>
      tpu.enqueue_dma source(%dma_start3A_202 : memref<32x26xi32, #tpu.memory_space<hbm>>) target(%arg7 : memref<32x26xi32, #tpu.memory_space<vmem>>) target_semaphore(%run_scoped3A : memref<!tpu.dma_semaphore, #tpu.memory_space<semaphore_mem>>)
      %dma_wait3A_203 = arith.constant 0 : i32
      %dma_wait3A_204 = tpu.memref_slice %arg2[%mul3A_2, %dma_wait3A_203] : memref<1024x26xi32, #tpu.memory_space<hbm>> -> memref<32x26xi32, #tpu.memory_space<hbm>>
      %dma_wait3A_205 = arith.constant 0 : i32
      %dma_wait3A_206 = tpu.memref_slice %arg2[%mul3A_2, %dma_wait3A_205] : memref<1024x26xi32, #tpu.memory_space<hbm>> -> memref<32x26xi32, #tpu.memory_space<hbm>>
      tpu.wait_dma2 semaphore(%run_scoped3A : memref<!tpu.dma_semaphore, #tpu.memory_space<semaphore_mem>>) src(%dma_wait3A_206 : memref<32x26xi32, #tpu.memory_space<hbm>>) dst(%arg7 : memref<32x26xi32, #tpu.memory_space<vmem>>)
      tpu.yield
    }) : () -> ()
    "tpu.region"() ({
      %run_scoped3A = tpu.sem_alloc : memref<!tpu.dma_semaphore, #tpu.memory_space<semaphore_mem>>
      %dma_start3A_199 = arith.constant 0 : i32
      %dma_start3A_200 = arith.constant 0 : i32
      %dma_start3A_201 = tpu.memref_slice %arg3[%mul3A_2, %dma_start3A_199, %dma_start3A_200] : memref<1024x26x50xi32, #tpu.memory_space<hbm>> -> memref<32x26x50xi32, #tpu.memory_space<hbm>>
      %dma_start3A_202 = arith.constant 0 : i32
      %dma_start3A_203 = arith.constant 0 : i32
      %dma_start3A_204 = tpu.memref_slice %arg3[%mul3A_2, %dma_start3A_202, %dma_start3A_203] : memref<1024x26x50xi32, #tpu.memory_space<hbm>> -> memref<32x26x50xi32, #tpu.memory_space<hbm>>
      tpu.enqueue_dma source(%dma_start3A_204 : memref<32x26x50xi32, #tpu.memory_space<hbm>>) target(%arg8 : memref<32x26x50xi32, #tpu.memory_space<vmem>>) target_semaphore(%run_scoped3A : memref<!tpu.dma_semaphore, #tpu.memory_space<semaphore_mem>>)
      %dma_wait3A_205 = arith.constant 0 : i32
      %dma_wait3A_206 = arith.constant 0 : i32
      %dma_wait3A_207 = tpu.memref_slice %arg3[%mul3A_2, %dma_wait3A_205, %dma_wait3A_206] : memref<1024x26x50xi32, #tpu.memory_space<hbm>> -> memref<32x26x50xi32, #tpu.memory_space<hbm>>
      %dma_wait3A_208 = arith.constant 0 : i32
      %dma_wait3A_209 = arith.constant 0 : i32
      %dma_wait3A_210 = tpu.memref_slice %arg3[%mul3A_2, %dma_wait3A_208, %dma_wait3A_209] : memref<1024x26x50xi32, #tpu.memory_space<hbm>> -> memref<32x26x50xi32, #tpu.memory_space<hbm>>
      tpu.wait_dma2 semaphore(%run_scoped3A : memref<!tpu.dma_semaphore, #tpu.memory_space<semaphore_mem>>) src(%dma_wait3A_210 : memref<32x26x50xi32, #tpu.memory_space<hbm>>) dst(%arg8 : memref<32x26x50xi32, #tpu.memory_space<vmem>>)
      tpu.yield
    }) : () -> ()
    %dma_start3A = arith.constant 0 : i32
    %dma_start3A_3 = arith.constant 0 : i32
    %dma_start3A_4 = arith.constant 0 : i32
    %dma_start3A_5 = arith.constant 0 : i32
    %dma_start3A_6 = arith.constant 0 : i32
    %dma_start3A_7 = tpu.memref_slice %arg9[%dma_start3A_3, %dma_start3A_5, %dma_start3A_6] : memref<2x26x64xf32, #tpu.memory_space<vmem>> -> memref<1x26x64xf32, #tpu.memory_space<vmem>>
    %dma_start3A_8 = tpu.memref_squeeze %dma_start3A_7 : memref<1x26x64xf32, #tpu.memory_space<vmem>> -> memref<26x64xf32, #tpu.memory_space<vmem>>
    %dma_start3A_9 = arith.constant 0 : i32
    %dma_start3A_10 = tpu.memref_slice %arg7[%dma_start3A, %dma_start3A_9] : memref<32x26xi32, #tpu.memory_space<vmem>> -> memref<1x26xi32, #tpu.memory_space<vmem>>
    %dma_start3A_11 = tpu.memref_squeeze %dma_start3A_10 : memref<1x26xi32, #tpu.memory_space<vmem>> -> memref<26xi32, #tpu.memory_space<vmem>>
    %dma_start3A_12 = arith.constant 0 : i32
    %dma_start3A_13 = arith.constant 0 : i32
    %dma_start3A_14 = tpu.memref_slice %arg4[%dma_start3A_12, %dma_start3A_13] : memref<100000x64xf32, #tpu.memory_space<hbm>> -> memref<100000x64xf32, #tpu.memory_space<hbm>>
    %dma_start3A_15 = tpu.memref_slice %arg12[%dma_start3A_4] : memref<2x!tpu.dma_semaphore, #tpu.memory_space<semaphore_mem>> -> memref<1x!tpu.dma_semaphore, #tpu.memory_space<semaphore_mem>>
    %dma_start3A_16 = tpu.memref_squeeze %dma_start3A_15 : memref<1x!tpu.dma_semaphore, #tpu.memory_space<semaphore_mem>> -> memref<!tpu.dma_semaphore, #tpu.memory_space<semaphore_mem>>
    tpu.enqueue_indirect_dma source(%dma_start3A_14 : memref<100000x64xf32, #tpu.memory_space<hbm>>) target(%dma_start3A_8 : memref<26x64xf32, #tpu.memory_space<vmem>>) offsets(%dma_start3A_11 : memref<26xi32, #tpu.memory_space<vmem>>) semaphore(%dma_start3A_16 : memref<!tpu.dma_semaphore, #tpu.memory_space<semaphore_mem>>)
    %dma_start3A_17 = arith.constant 1 : i32
    %dma_start3A_18 = arith.constant 1 : i32
    %dma_start3A_19 = arith.constant 1 : i32
    %dma_start3A_20 = arith.constant 0 : i32
    %dma_start3A_21 = arith.constant 0 : i32
    %dma_start3A_22 = tpu.memref_slice %arg9[%dma_start3A_18, %dma_start3A_20, %dma_start3A_21] : memref<2x26x64xf32, #tpu.memory_space<vmem>> -> memref<1x26x64xf32, #tpu.memory_space<vmem>>
    %dma_start3A_23 = tpu.memref_squeeze %dma_start3A_22 : memref<1x26x64xf32, #tpu.memory_space<vmem>> -> memref<26x64xf32, #tpu.memory_space<vmem>>
    %dma_start3A_24 = arith.constant 0 : i32
    %dma_start3A_25 = tpu.memref_slice %arg7[%dma_start3A_17, %dma_start3A_24] : memref<32x26xi32, #tpu.memory_space<vmem>> -> memref<1x26xi32, #tpu.memory_space<vmem>>
    %dma_start3A_26 = tpu.memref_squeeze %dma_start3A_25 : memref<1x26xi32, #tpu.memory_space<vmem>> -> memref<26xi32, #tpu.memory_space<vmem>>
    %dma_start3A_27 = arith.constant 0 : i32
    %dma_start3A_28 = arith.constant 0 : i32
    %dma_start3A_29 = tpu.memref_slice %arg4[%dma_start3A_27, %dma_start3A_28] : memref<100000x64xf32, #tpu.memory_space<hbm>> -> memref<100000x64xf32, #tpu.memory_space<hbm>>
    %dma_start3A_30 = tpu.memref_slice %arg12[%dma_start3A_19] : memref<2x!tpu.dma_semaphore, #tpu.memory_space<semaphore_mem>> -> memref<1x!tpu.dma_semaphore, #tpu.memory_space<semaphore_mem>>
    %dma_start3A_31 = tpu.memref_squeeze %dma_start3A_30 : memref<1x!tpu.dma_semaphore, #tpu.memory_space<semaphore_mem>> -> memref<!tpu.dma_semaphore, #tpu.memory_space<semaphore_mem>>
    tpu.enqueue_indirect_dma source(%dma_start3A_29 : memref<100000x64xf32, #tpu.memory_space<hbm>>) target(%dma_start3A_23 : memref<26x64xf32, #tpu.memory_space<vmem>>) offsets(%dma_start3A_26 : memref<26xi32, #tpu.memory_space<vmem>>) semaphore(%dma_start3A_31 : memref<!tpu.dma_semaphore, #tpu.memory_space<semaphore_mem>>)
    %dma_start3A_32 = arith.constant 0 : i32
    %dma_start3A_33 = arith.constant 0 : i32
    %dma_start3A_34 = arith.constant 0 : i32
    %dma_start3A_35 = arith.constant 0 : i32
    %dma_start3A_36 = arith.constant 0 : i32
    %dma_start3A_37 = arith.constant 0 : i32
    %dma_start3A_38 = tpu.memref_slice %arg11[%dma_start3A_34, %dma_start3A_36, %dma_start3A_37] : memref<4x100x64xf32, #tpu.memory_space<vmem>> -> memref<1x50x64xf32, #tpu.memory_space<vmem>>
    %dma_start3A_39 = tpu.memref_squeeze %dma_start3A_38 : memref<1x50x64xf32, #tpu.memory_space<vmem>> -> memref<50x64xf32, #tpu.memory_space<vmem>>
    %dma_start3A_40 = arith.constant 0 : i32
    %dma_start3A_41 = tpu.memref_slice %arg8[%dma_start3A_32, %dma_start3A_33, %dma_start3A_40] : memref<32x26x50xi32, #tpu.memory_space<vmem>> -> memref<1x1x50xi32, #tpu.memory_space<vmem>>
    %dma_start3A_42 = tpu.memref_squeeze %dma_start3A_41 : memref<1x1x50xi32, #tpu.memory_space<vmem>> -> memref<50xi32, #tpu.memory_space<vmem>>
    %dma_start3A_43 = arith.constant 0 : i32
    %dma_start3A_44 = arith.constant 0 : i32
    %dma_start3A_45 = tpu.memref_slice %arg5[%dma_start3A_43, %dma_start3A_44] : memref<100000x64xf32, #tpu.memory_space<hbm>> -> memref<100000x64xf32, #tpu.memory_space<hbm>>
    %dma_start3A_46 = tpu.memref_slice %arg13[%dma_start3A_35] : memref<4x!tpu.dma_semaphore, #tpu.memory_space<semaphore_mem>> -> memref<1x!tpu.dma_semaphore, #tpu.memory_space<semaphore_mem>>
    %dma_start3A_47 = tpu.memref_squeeze %dma_start3A_46 : memref<1x!tpu.dma_semaphore, #tpu.memory_space<semaphore_mem>> -> memref<!tpu.dma_semaphore, #tpu.memory_space<semaphore_mem>>
    tpu.enqueue_indirect_dma source(%dma_start3A_45 : memref<100000x64xf32, #tpu.memory_space<hbm>>) target(%dma_start3A_39 : memref<50x64xf32, #tpu.memory_space<vmem>>) offsets(%dma_start3A_42 : memref<50xi32, #tpu.memory_space<vmem>>) semaphore(%dma_start3A_47 : memref<!tpu.dma_semaphore, #tpu.memory_space<semaphore_mem>>)
    %dma_start3A_48 = arith.constant 0 : i32
    %dma_start3A_49 = arith.constant 1 : i32
    %dma_start3A_50 = arith.constant 0 : i32
    %dma_start3A_51 = arith.constant 0 : i32
    %dma_start3A_52 = arith.constant 50 : i32
    %dma_start3A_53 = arith.constant 0 : i32
    %dma_start3A_54 = tpu.memref_slice %arg11[%dma_start3A_50, %dma_start3A_52, %dma_start3A_53] : memref<4x100x64xf32, #tpu.memory_space<vmem>> -> memref<1x50x64xf32, #tpu.memory_space<vmem>>
    %dma_start3A_55 = tpu.memref_squeeze %dma_start3A_54 : memref<1x50x64xf32, #tpu.memory_space<vmem>> -> memref<50x64xf32, #tpu.memory_space<vmem>>
    %dma_start3A_56 = arith.constant 0 : i32
    %dma_start3A_57 = tpu.memref_slice %arg8[%dma_start3A_48, %dma_start3A_49, %dma_start3A_56] : memref<32x26x50xi32, #tpu.memory_space<vmem>> -> memref<1x1x50xi32, #tpu.memory_space<vmem>>
    %dma_start3A_58 = tpu.memref_squeeze %dma_start3A_57 : memref<1x1x50xi32, #tpu.memory_space<vmem>> -> memref<50xi32, #tpu.memory_space<vmem>>
    %dma_start3A_59 = arith.constant 0 : i32
    %dma_start3A_60 = arith.constant 0 : i32
    %dma_start3A_61 = tpu.memref_slice %arg5[%dma_start3A_59, %dma_start3A_60] : memref<100000x64xf32, #tpu.memory_space<hbm>> -> memref<100000x64xf32, #tpu.memory_space<hbm>>
    %dma_start3A_62 = tpu.memref_slice %arg13[%dma_start3A_51] : memref<4x!tpu.dma_semaphore, #tpu.memory_space<semaphore_mem>> -> memref<1x!tpu.dma_semaphore, #tpu.memory_space<semaphore_mem>>
    %dma_start3A_63 = tpu.memref_squeeze %dma_start3A_62 : memref<1x!tpu.dma_semaphore, #tpu.memory_space<semaphore_mem>> -> memref<!tpu.dma_semaphore, #tpu.memory_space<semaphore_mem>>
    tpu.enqueue_indirect_dma source(%dma_start3A_61 : memref<100000x64xf32, #tpu.memory_space<hbm>>) target(%dma_start3A_55 : memref<50x64xf32, #tpu.memory_space<vmem>>) offsets(%dma_start3A_58 : memref<50xi32, #tpu.memory_space<vmem>>) semaphore(%dma_start3A_63 : memref<!tpu.dma_semaphore, #tpu.memory_space<semaphore_mem>>)
    %dma_start3A_64 = arith.constant 0 : i32
    %dma_start3A_65 = arith.constant 2 : i32
    %dma_start3A_66 = arith.constant 1 : i32
    %dma_start3A_67 = arith.constant 1 : i32
    %dma_start3A_68 = arith.constant 0 : i32
    %dma_start3A_69 = arith.constant 0 : i32
    %dma_start3A_70 = tpu.memref_slice %arg11[%dma_start3A_66, %dma_start3A_68, %dma_start3A_69] : memref<4x100x64xf32, #tpu.memory_space<vmem>> -> memref<1x50x64xf32, #tpu.memory_space<vmem>>
    %dma_start3A_71 = tpu.memref_squeeze %dma_start3A_70 : memref<1x50x64xf32, #tpu.memory_space<vmem>> -> memref<50x64xf32, #tpu.memory_space<vmem>>
    %dma_start3A_72 = arith.constant 0 : i32
    %dma_start3A_73 = tpu.memref_slice %arg8[%dma_start3A_64, %dma_start3A_65, %dma_start3A_72] : memref<32x26x50xi32, #tpu.memory_space<vmem>> -> memref<1x1x50xi32, #tpu.memory_space<vmem>>
    %dma_start3A_74 = tpu.memref_squeeze %dma_start3A_73 : memref<1x1x50xi32, #tpu.memory_space<vmem>> -> memref<50xi32, #tpu.memory_space<vmem>>
    %dma_start3A_75 = arith.constant 0 : i32
    %dma_start3A_76 = arith.constant 0 : i32
    %dma_start3A_77 = tpu.memref_slice %arg5[%dma_start3A_75, %dma_start3A_76] : memref<100000x64xf32, #tpu.memory_space<hbm>> -> memref<100000x64xf32, #tpu.memory_space<hbm>>
    %dma_start3A_78 = tpu.memref_slice %arg13[%dma_start3A_67] : memref<4x!tpu.dma_semaphore, #tpu.memory_space<semaphore_mem>> -> memref<1x!tpu.dma_semaphore, #tpu.memory_space<semaphore_mem>>
    %dma_start3A_79 = tpu.memref_squeeze %dma_start3A_78 : memref<1x!tpu.dma_semaphore, #tpu.memory_space<semaphore_mem>> -> memref<!tpu.dma_semaphore, #tpu.memory_space<semaphore_mem>>
    tpu.enqueue_indirect_dma source(%dma_start3A_77 : memref<100000x64xf32, #tpu.memory_space<hbm>>) target(%dma_start3A_71 : memref<50x64xf32, #tpu.memory_space<vmem>>) offsets(%dma_start3A_74 : memref<50xi32, #tpu.memory_space<vmem>>) semaphore(%dma_start3A_79 : memref<!tpu.dma_semaphore, #tpu.memory_space<semaphore_mem>>)
    %dma_start3A_80 = arith.constant 0 : i32
    %dma_start3A_81 = arith.constant 3 : i32
    %dma_start3A_82 = arith.constant 1 : i32
    %dma_start3A_83 = arith.constant 1 : i32
    %dma_start3A_84 = arith.constant 50 : i32
    %dma_start3A_85 = arith.constant 0 : i32
    %dma_start3A_86 = tpu.memref_slice %arg11[%dma_start3A_82, %dma_start3A_84, %dma_start3A_85] : memref<4x100x64xf32, #tpu.memory_space<vmem>> -> memref<1x50x64xf32, #tpu.memory_space<vmem>>
    %dma_start3A_87 = tpu.memref_squeeze %dma_start3A_86 : memref<1x50x64xf32, #tpu.memory_space<vmem>> -> memref<50x64xf32, #tpu.memory_space<vmem>>
    %dma_start3A_88 = arith.constant 0 : i32
    %dma_start3A_89 = tpu.memref_slice %arg8[%dma_start3A_80, %dma_start3A_81, %dma_start3A_88] : memref<32x26x50xi32, #tpu.memory_space<vmem>> -> memref<1x1x50xi32, #tpu.memory_space<vmem>>
    %dma_start3A_90 = tpu.memref_squeeze %dma_start3A_89 : memref<1x1x50xi32, #tpu.memory_space<vmem>> -> memref<50xi32, #tpu.memory_space<vmem>>
    %dma_start3A_91 = arith.constant 0 : i32
    %dma_start3A_92 = arith.constant 0 : i32
    %dma_start3A_93 = tpu.memref_slice %arg5[%dma_start3A_91, %dma_start3A_92] : memref<100000x64xf32, #tpu.memory_space<hbm>> -> memref<100000x64xf32, #tpu.memory_space<hbm>>
    %dma_start3A_94 = tpu.memref_slice %arg13[%dma_start3A_83] : memref<4x!tpu.dma_semaphore, #tpu.memory_space<semaphore_mem>> -> memref<1x!tpu.dma_semaphore, #tpu.memory_space<semaphore_mem>>
    %dma_start3A_95 = tpu.memref_squeeze %dma_start3A_94 : memref<1x!tpu.dma_semaphore, #tpu.memory_space<semaphore_mem>> -> memref<!tpu.dma_semaphore, #tpu.memory_space<semaphore_mem>>
    tpu.enqueue_indirect_dma source(%dma_start3A_93 : memref<100000x64xf32, #tpu.memory_space<hbm>>) target(%dma_start3A_87 : memref<50x64xf32, #tpu.memory_space<vmem>>) offsets(%dma_start3A_90 : memref<50xi32, #tpu.memory_space<vmem>>) semaphore(%dma_start3A_95 : memref<!tpu.dma_semaphore, #tpu.memory_space<semaphore_mem>>)
    %dma_start3A_96 = arith.constant 0 : i32
    %dma_start3A_97 = arith.constant 4 : i32
    %dma_start3A_98 = arith.constant 2 : i32
    %dma_start3A_99 = arith.constant 2 : i32
    %dma_start3A_100 = arith.constant 0 : i32
    %dma_start3A_101 = arith.constant 0 : i32
    %dma_start3A_102 = tpu.memref_slice %arg11[%dma_start3A_98, %dma_start3A_100, %dma_start3A_101] : memref<4x100x64xf32, #tpu.memory_space<vmem>> -> memref<1x50x64xf32, #tpu.memory_space<vmem>>
    %dma_start3A_103 = tpu.memref_squeeze %dma_start3A_102 : memref<1x50x64xf32, #tpu.memory_space<vmem>> -> memref<50x64xf32, #tpu.memory_space<vmem>>
    %dma_start3A_104 = arith.constant 0 : i32
    %dma_start3A_105 = tpu.memref_slice %arg8[%dma_start3A_96, %dma_start3A_97, %dma_start3A_104] : memref<32x26x50xi32, #tpu.memory_space<vmem>> -> memref<1x1x50xi32, #tpu.memory_space<vmem>>
    %dma_start3A_106 = tpu.memref_squeeze %dma_start3A_105 : memref<1x1x50xi32, #tpu.memory_space<vmem>> -> memref<50xi32, #tpu.memory_space<vmem>>
    %dma_start3A_107 = arith.constant 0 : i32
    %dma_start3A_108 = arith.constant 0 : i32
    %dma_start3A_109 = tpu.memref_slice %arg5[%dma_start3A_107, %dma_start3A_108] : memref<100000x64xf32, #tpu.memory_space<hbm>> -> memref<100000x64xf32, #tpu.memory_space<hbm>>
    %dma_start3A_110 = tpu.memref_slice %arg13[%dma_start3A_99] : memref<4x!tpu.dma_semaphore, #tpu.memory_space<semaphore_mem>> -> memref<1x!tpu.dma_semaphore, #tpu.memory_space<semaphore_mem>>
    %dma_start3A_111 = tpu.memref_squeeze %dma_start3A_110 : memref<1x!tpu.dma_semaphore, #tpu.memory_space<semaphore_mem>> -> memref<!tpu.dma_semaphore, #tpu.memory_space<semaphore_mem>>
    tpu.enqueue_indirect_dma source(%dma_start3A_109 : memref<100000x64xf32, #tpu.memory_space<hbm>>) target(%dma_start3A_103 : memref<50x64xf32, #tpu.memory_space<vmem>>) offsets(%dma_start3A_106 : memref<50xi32, #tpu.memory_space<vmem>>) semaphore(%dma_start3A_111 : memref<!tpu.dma_semaphore, #tpu.memory_space<semaphore_mem>>)
    %dma_start3A_112 = arith.constant 0 : i32
    %dma_start3A_113 = arith.constant 5 : i32
    %dma_start3A_114 = arith.constant 2 : i32
    %dma_start3A_115 = arith.constant 2 : i32
    %dma_start3A_116 = arith.constant 50 : i32
    %dma_start3A_117 = arith.constant 0 : i32
    %dma_start3A_118 = tpu.memref_slice %arg11[%dma_start3A_114, %dma_start3A_116, %dma_start3A_117] : memref<4x100x64xf32, #tpu.memory_space<vmem>> -> memref<1x50x64xf32, #tpu.memory_space<vmem>>
    %dma_start3A_119 = tpu.memref_squeeze %dma_start3A_118 : memref<1x50x64xf32, #tpu.memory_space<vmem>> -> memref<50x64xf32, #tpu.memory_space<vmem>>
    %dma_start3A_120 = arith.constant 0 : i32
    %dma_start3A_121 = tpu.memref_slice %arg8[%dma_start3A_112, %dma_start3A_113, %dma_start3A_120] : memref<32x26x50xi32, #tpu.memory_space<vmem>> -> memref<1x1x50xi32, #tpu.memory_space<vmem>>
    %dma_start3A_122 = tpu.memref_squeeze %dma_start3A_121 : memref<1x1x50xi32, #tpu.memory_space<vmem>> -> memref<50xi32, #tpu.memory_space<vmem>>
    %dma_start3A_123 = arith.constant 0 : i32
    %dma_start3A_124 = arith.constant 0 : i32
    %dma_start3A_125 = tpu.memref_slice %arg5[%dma_start3A_123, %dma_start3A_124] : memref<100000x64xf32, #tpu.memory_space<hbm>> -> memref<100000x64xf32, #tpu.memory_space<hbm>>
    %dma_start3A_126 = tpu.memref_slice %arg13[%dma_start3A_115] : memref<4x!tpu.dma_semaphore, #tpu.memory_space<semaphore_mem>> -> memref<1x!tpu.dma_semaphore, #tpu.memory_space<semaphore_mem>>
    %dma_start3A_127 = tpu.memref_squeeze %dma_start3A_126 : memref<1x!tpu.dma_semaphore, #tpu.memory_space<semaphore_mem>> -> memref<!tpu.dma_semaphore, #tpu.memory_space<semaphore_mem>>
    tpu.enqueue_indirect_dma source(%dma_start3A_125 : memref<100000x64xf32, #tpu.memory_space<hbm>>) target(%dma_start3A_119 : memref<50x64xf32, #tpu.memory_space<vmem>>) offsets(%dma_start3A_122 : memref<50xi32, #tpu.memory_space<vmem>>) semaphore(%dma_start3A_127 : memref<!tpu.dma_semaphore, #tpu.memory_space<semaphore_mem>>)
    %dma_start3A_128 = arith.constant 0 : i32
    %dma_start3A_129 = arith.constant 6 : i32
    %dma_start3A_130 = arith.constant 3 : i32
    %dma_start3A_131 = arith.constant 3 : i32
    %dma_start3A_132 = arith.constant 0 : i32
    %dma_start3A_133 = arith.constant 0 : i32
    %dma_start3A_134 = tpu.memref_slice %arg11[%dma_start3A_130, %dma_start3A_132, %dma_start3A_133] : memref<4x100x64xf32, #tpu.memory_space<vmem>> -> memref<1x50x64xf32, #tpu.memory_space<vmem>>
    %dma_start3A_135 = tpu.memref_squeeze %dma_start3A_134 : memref<1x50x64xf32, #tpu.memory_space<vmem>> -> memref<50x64xf32, #tpu.memory_space<vmem>>
    %dma_start3A_136 = arith.constant 0 : i32
    %dma_start3A_137 = tpu.memref_slice %arg8[%dma_start3A_128, %dma_start3A_129, %dma_start3A_136] : memref<32x26x50xi32, #tpu.memory_space<vmem>> -> memref<1x1x50xi32, #tpu.memory_space<vmem>>
    %dma_start3A_138 = tpu.memref_squeeze %dma_start3A_137 : memref<1x1x50xi32, #tpu.memory_space<vmem>> -> memref<50xi32, #tpu.memory_space<vmem>>
    %dma_start3A_139 = arith.constant 0 : i32
    %dma_start3A_140 = arith.constant 0 : i32
    %dma_start3A_141 = tpu.memref_slice %arg5[%dma_start3A_139, %dma_start3A_140] : memref<100000x64xf32, #tpu.memory_space<hbm>> -> memref<100000x64xf32, #tpu.memory_space<hbm>>
    %dma_start3A_142 = tpu.memref_slice %arg13[%dma_start3A_131] : memref<4x!tpu.dma_semaphore, #tpu.memory_space<semaphore_mem>> -> memref<1x!tpu.dma_semaphore, #tpu.memory_space<semaphore_mem>>
    %dma_start3A_143 = tpu.memref_squeeze %dma_start3A_142 : memref<1x!tpu.dma_semaphore, #tpu.memory_space<semaphore_mem>> -> memref<!tpu.dma_semaphore, #tpu.memory_space<semaphore_mem>>
    tpu.enqueue_indirect_dma source(%dma_start3A_141 : memref<100000x64xf32, #tpu.memory_space<hbm>>) target(%dma_start3A_135 : memref<50x64xf32, #tpu.memory_space<vmem>>) offsets(%dma_start3A_138 : memref<50xi32, #tpu.memory_space<vmem>>) semaphore(%dma_start3A_143 : memref<!tpu.dma_semaphore, #tpu.memory_space<semaphore_mem>>)
    %dma_start3A_144 = arith.constant 0 : i32
    %dma_start3A_145 = arith.constant 7 : i32
    %dma_start3A_146 = arith.constant 3 : i32
    %dma_start3A_147 = arith.constant 3 : i32
    %dma_start3A_148 = arith.constant 50 : i32
    %dma_start3A_149 = arith.constant 0 : i32
    %dma_start3A_150 = tpu.memref_slice %arg11[%dma_start3A_146, %dma_start3A_148, %dma_start3A_149] : memref<4x100x64xf32, #tpu.memory_space<vmem>> -> memref<1x50x64xf32, #tpu.memory_space<vmem>>
    %dma_start3A_151 = tpu.memref_squeeze %dma_start3A_150 : memref<1x50x64xf32, #tpu.memory_space<vmem>> -> memref<50x64xf32, #tpu.memory_space<vmem>>
    %dma_start3A_152 = arith.constant 0 : i32
    %dma_start3A_153 = tpu.memref_slice %arg8[%dma_start3A_144, %dma_start3A_145, %dma_start3A_152] : memref<32x26x50xi32, #tpu.memory_space<vmem>> -> memref<1x1x50xi32, #tpu.memory_space<vmem>>
    %dma_start3A_154 = tpu.memref_squeeze %dma_start3A_153 : memref<1x1x50xi32, #tpu.memory_space<vmem>> -> memref<50xi32, #tpu.memory_space<vmem>>
    %dma_start3A_155 = arith.constant 0 : i32
    %dma_start3A_156 = arith.constant 0 : i32
    %dma_start3A_157 = tpu.memref_slice %arg5[%dma_start3A_155, %dma_start3A_156] : memref<100000x64xf32, #tpu.memory_space<hbm>> -> memref<100000x64xf32, #tpu.memory_space<hbm>>
    %dma_start3A_158 = tpu.memref_slice %arg13[%dma_start3A_147] : memref<4x!tpu.dma_semaphore, #tpu.memory_space<semaphore_mem>> -> memref<1x!tpu.dma_semaphore, #tpu.memory_space<semaphore_mem>>
    %dma_start3A_159 = tpu.memref_squeeze %dma_start3A_158 : memref<1x!tpu.dma_semaphore, #tpu.memory_space<semaphore_mem>> -> memref<!tpu.dma_semaphore, #tpu.memory_space<semaphore_mem>>
    tpu.enqueue_indirect_dma source(%dma_start3A_157 : memref<100000x64xf32, #tpu.memory_space<hbm>>) target(%dma_start3A_151 : memref<50x64xf32, #tpu.memory_space<vmem>>) offsets(%dma_start3A_154 : memref<50xi32, #tpu.memory_space<vmem>>) semaphore(%dma_start3A_159 : memref<!tpu.dma_semaphore, #tpu.memory_space<semaphore_mem>>)
    %broadcast_in_dim3A = arith.constant 0.000000e+00 : f32
    %broadcast_in_dim3A_160 = vector.broadcast %broadcast_in_dim3A : f32 to vector<16xf32>
    %scan3A = arith.constant 0 : i32
    %scan3A_161 = arith.constant 416 : i32
    %scan3A_162 = arith.addi %scan3A, %scan3A_161 : i32
    %scan3A_163 = arith.constant 1 : i32
    %scan3A_164 = scf.for %scan3A_199 = %scan3A to %scan3A_162 step %scan3A_163 iter_args(%scan3A_200 = %broadcast_in_dim3A_160) -> (vector<16xf32>)  : i32 {
      %jit3A = arith.constant 13 : i32
      %div3A = arith.divsi %scan3A_199, %jit3A : i32
      %sign3A = arith.constant 0 : i32
      %sign3A_201 = arith.cmpi sgt, %scan3A_199, %sign3A : i32
      %sign3A_202 = arith.extui %sign3A_201 : i1 to i32
      %sign3A_203 = arith.constant 0 : i32
      %sign3A_204 = arith.cmpi slt, %scan3A_199, %sign3A_203 : i32
      %sign3A_205 = arith.extui %sign3A_204 : i1 to i32
      %sign3A_206 = arith.subi %sign3A_202, %sign3A_205 : i32
      %sign3A_207 = arith.constant 0 : i32
      %sign3A_208 = arith.cmpi sgt, %jit3A, %sign3A_207 : i32
      %sign3A_209 = arith.extui %sign3A_208 : i1 to i32
      %sign3A_210 = arith.constant 0 : i32
      %sign3A_211 = arith.cmpi slt, %jit3A, %sign3A_210 : i32
      %sign3A_212 = arith.extui %sign3A_211 : i1 to i32
      %sign3A_213 = arith.subi %sign3A_209, %sign3A_212 : i32
      %ne3A = arith.cmpi ne, %sign3A_206, %sign3A_213 : i32
      %rem3A = arith.remsi %scan3A_199, %jit3A : i32
      %ne3A_214 = arith.constant 0 : i32
      %ne3A_215 = arith.cmpi ne, %rem3A, %ne3A_214 : i32
      %and3A = arith.andi %ne3A, %ne3A_215 : i1
      %sub3A = arith.constant 1 : i32
      %sub3A_216 = arith.subi %div3A, %sub3A : i32
      %select_n3A = arith.select %and3A, %sub3A_216, %div3A : i32
      %mul3A_217 = arith.constant 13 : i32
      %mul3A_218 = arith.muli %select_n3A, %mul3A_217 : i32
      %sub3A_219 = arith.subi %scan3A_199, %mul3A_218 : i32
      %rem3A_220 = arith.constant 4 : i32
      %rem3A_221 = arith.remsi %scan3A_199, %rem3A_220 : i32
      %rem3A_222 = arith.constant 2 : i32
      %rem3A_223 = arith.remsi %select_n3A, %rem3A_222 : i32
      %eq3A = arith.constant 0 : i32
      %eq3A_224 = arith.cmpi eq, %sub3A_219, %eq3A : i32
      %ge3A = arith.constant 2 : i32
      %ge3A_225 = arith.cmpi sge, %select_n3A, %ge3A : i32
      %and3A_226 = arith.andi %eq3A_224, %ge3A_225 : i1
      %convert_element_type3A = arith.extui %and3A_226 : i1 to i32
      %cond3A = arith.constant 0 : i32
      %cond3A_227 = arith.cmpi ne, %convert_element_type3A, %cond3A : i32
      scf.if %cond3A_227 {
        %dma_wait3A_2769 = arith.constant 0 : i32
        %dma_wait3A_2770 = arith.constant 0 : i32
        %dma_wait3A_2771 = arith.constant 0 : i32
        %dma_wait3A_2772 = tpu.memref_slice %arg10[%dma_wait3A_2770, %dma_wait3A_2771] : memref<2x1664xf32, #tpu.memory_space<vmem>> -> memref<1x1664xf32, #tpu.memory_space<vmem>>
        %dma_wait3A_2773 = tpu.memref_squeeze %dma_wait3A_2772 : memref<1x1664xf32, #tpu.memory_space<vmem>> -> memref<1664xf32, #tpu.memory_space<vmem>>
        %dma_wait3A_2774 = arith.constant 0 : i32
        %dma_wait3A_2775 = tpu.memref_slice %arg6[%dma_wait3A_2769, %dma_wait3A_2774] : memref<1024x1664xf32, #tpu.memory_space<hbm>> -> memref<1x1664xf32, #tpu.memory_space<hbm>>
        %dma_wait3A_2776 = tpu.memref_squeeze %dma_wait3A_2775 : memref<1x1664xf32, #tpu.memory_space<hbm>> -> memref<1664xf32, #tpu.memory_space<hbm>>
        %dma_wait3A_2777 = tpu.memref_slice %arg14[%rem3A_223] : memref<2x!tpu.dma_semaphore, #tpu.memory_space<semaphore_mem>> -> memref<1x!tpu.dma_semaphore, #tpu.memory_space<semaphore_mem>>
        %dma_wait3A_2778 = tpu.memref_squeeze %dma_wait3A_2777 : memref<1x!tpu.dma_semaphore, #tpu.memory_space<semaphore_mem>> -> memref<!tpu.dma_semaphore, #tpu.memory_space<semaphore_mem>>
        %dma_wait3A_2779 = arith.constant 0 : i32
        %dma_wait3A_2780 = tpu.memref_slice %arg10[%dma_wait3A_2770, %dma_wait3A_2779] : memref<2x1664xf32, #tpu.memory_space<vmem>> -> memref<1x1664xf32, #tpu.memory_space<vmem>>
        %dma_wait3A_2781 = tpu.memref_squeeze %dma_wait3A_2780 : memref<1x1664xf32, #tpu.memory_space<vmem>> -> memref<1664xf32, #tpu.memory_space<vmem>>
        %dma_wait3A_2782 = arith.constant 0 : i32
        %dma_wait3A_2783 = tpu.memref_slice %arg6[%dma_wait3A_2769, %dma_wait3A_2782] : memref<1024x1664xf32, #tpu.memory_space<hbm>> -> memref<1x1664xf32, #tpu.memory_space<hbm>>
        %dma_wait3A_2784 = tpu.memref_squeeze %dma_wait3A_2783 : memref<1x1664xf32, #tpu.memory_space<hbm>> -> memref<1664xf32, #tpu.memory_space<hbm>>
        tpu.wait_dma2 semaphore(%dma_wait3A_2778 : memref<!tpu.dma_semaphore, #tpu.memory_space<semaphore_mem>>) src(%dma_wait3A_2784 : memref<1664xf32, #tpu.memory_space<hbm>>) dst(%dma_wait3A_2781 : memref<1664xf32, #tpu.memory_space<vmem>>)
      } else {
      }
      %eq3A_228 = arith.constant 0 : i32
      %eq3A_229 = arith.cmpi eq, %sub3A_219, %eq3A_228 : i32
      %convert_element_type3A_230 = arith.extui %eq3A_229 : i1 to i32
      %cond3A_231 = arith.constant 0 : i32
      %cond3A_232 = arith.cmpi ne, %convert_element_type3A_230, %cond3A_231 : i32
      scf.if %cond3A_232 {
        %dma_wait3A_2769 = arith.constant 0 : i32
        %dma_wait3A_2770 = arith.constant 0 : i32
        %dma_wait3A_2771 = arith.constant 0 : i32
        %dma_wait3A_2772 = tpu.memref_slice %arg9[%dma_wait3A_2769, %dma_wait3A_2770, %dma_wait3A_2771] : memref<2x26x64xf32, #tpu.memory_space<vmem>> -> memref<1x26x64xf32, #tpu.memory_space<vmem>>
        %dma_wait3A_2773 = tpu.memref_squeeze %dma_wait3A_2772 : memref<1x26x64xf32, #tpu.memory_space<vmem>> -> memref<26x64xf32, #tpu.memory_space<vmem>>
        %dma_wait3A_2774 = arith.constant 0 : i32
        %dma_wait3A_2775 = arith.constant 0 : i32
        %dma_wait3A_2776 = tpu.memref_slice %arg4[%dma_wait3A_2774, %dma_wait3A_2775] : memref<100000x64xf32, #tpu.memory_space<hbm>> -> memref<26x64xf32, #tpu.memory_space<hbm>>
        %dma_wait3A_2777 = tpu.memref_slice %arg12[%rem3A_223] : memref<2x!tpu.dma_semaphore, #tpu.memory_space<semaphore_mem>> -> memref<1x!tpu.dma_semaphore, #tpu.memory_space<semaphore_mem>>
        %dma_wait3A_2778 = tpu.memref_squeeze %dma_wait3A_2777 : memref<1x!tpu.dma_semaphore, #tpu.memory_space<semaphore_mem>> -> memref<!tpu.dma_semaphore, #tpu.memory_space<semaphore_mem>>
        %dma_wait3A_2779 = arith.constant 0 : i32
        %dma_wait3A_2780 = arith.constant 0 : i32
        %dma_wait3A_2781 = tpu.memref_slice %arg9[%dma_wait3A_2769, %dma_wait3A_2779, %dma_wait3A_2780] : memref<2x26x64xf32, #tpu.memory_space<vmem>> -> memref<1x26x64xf32, #tpu.memory_space<vmem>>
        %dma_wait3A_2782 = tpu.memref_squeeze %dma_wait3A_2781 : memref<1x26x64xf32, #tpu.memory_space<vmem>> -> memref<26x64xf32, #tpu.memory_space<vmem>>
        %dma_wait3A_2783 = arith.constant 0 : i32
        %dma_wait3A_2784 = arith.constant 0 : i32
        %dma_wait3A_2785 = tpu.memref_slice %arg4[%dma_wait3A_2783, %dma_wait3A_2784] : memref<100000x64xf32, #tpu.memory_space<hbm>> -> memref<26x64xf32, #tpu.memory_space<hbm>>
        tpu.wait_dma2 semaphore(%dma_wait3A_2778 : memref<!tpu.dma_semaphore, #tpu.memory_space<semaphore_mem>>) src(%dma_wait3A_2785 : memref<26x64xf32, #tpu.memory_space<hbm>>) dst(%dma_wait3A_2782 : memref<26x64xf32, #tpu.memory_space<vmem>>)
      } else {
      }
      %dma_wait3A_233 = arith.constant 0 : i32
      %dma_wait3A_234 = arith.constant 0 : i32
      %dma_wait3A_235 = tpu.memref_slice %arg11[%rem3A_221, %dma_wait3A_233, %dma_wait3A_234] : memref<4x100x64xf32, #tpu.memory_space<vmem>> -> memref<1x100x64xf32, #tpu.memory_space<vmem>>
      %dma_wait3A_236 = tpu.memref_squeeze %dma_wait3A_235 : memref<1x100x64xf32, #tpu.memory_space<vmem>> -> memref<100x64xf32, #tpu.memory_space<vmem>>
      %dma_wait3A_237 = arith.constant 0 : i32
      %dma_wait3A_238 = arith.constant 0 : i32
      %dma_wait3A_239 = tpu.memref_slice %arg5[%dma_wait3A_237, %dma_wait3A_238] : memref<100000x64xf32, #tpu.memory_space<hbm>> -> memref<100x64xf32, #tpu.memory_space<hbm>>
      %dma_wait3A_240 = tpu.memref_slice %arg13[%rem3A_221] : memref<4x!tpu.dma_semaphore, #tpu.memory_space<semaphore_mem>> -> memref<1x!tpu.dma_semaphore, #tpu.memory_space<semaphore_mem>>
      %dma_wait3A_241 = tpu.memref_squeeze %dma_wait3A_240 : memref<1x!tpu.dma_semaphore, #tpu.memory_space<semaphore_mem>> -> memref<!tpu.dma_semaphore, #tpu.memory_space<semaphore_mem>>
      %dma_wait3A_242 = arith.constant 0 : i32
      %dma_wait3A_243 = arith.constant 0 : i32
      %dma_wait3A_244 = tpu.memref_slice %arg11[%rem3A_221, %dma_wait3A_242, %dma_wait3A_243] : memref<4x100x64xf32, #tpu.memory_space<vmem>> -> memref<1x100x64xf32, #tpu.memory_space<vmem>>
      %dma_wait3A_245 = tpu.memref_squeeze %dma_wait3A_244 : memref<1x100x64xf32, #tpu.memory_space<vmem>> -> memref<100x64xf32, #tpu.memory_space<vmem>>
      %dma_wait3A_246 = arith.constant 0 : i32
      %dma_wait3A_247 = arith.constant 0 : i32
      %dma_wait3A_248 = tpu.memref_slice %arg5[%dma_wait3A_246, %dma_wait3A_247] : memref<100000x64xf32, #tpu.memory_space<hbm>> -> memref<100x64xf32, #tpu.memory_space<hbm>>
      tpu.wait_dma2 semaphore(%dma_wait3A_241 : memref<!tpu.dma_semaphore, #tpu.memory_space<semaphore_mem>>) src(%dma_wait3A_248 : memref<100x64xf32, #tpu.memory_space<hbm>>) dst(%dma_wait3A_245 : memref<100x64xf32, #tpu.memory_space<vmem>>)
      %eq3A_249 = arith.constant 0 : i32
      %eq3A_250 = arith.cmpi eq, %sub3A_219, %eq3A_249 : i32
      %broadcast_in_dim3A_251 = arith.constant 0.000000e+00 : f32
      %broadcast_in_dim3A_252 = vector.broadcast %broadcast_in_dim3A_251 : f32 to vector<16xf32>
      %select_n3A_253 = arith.select %eq3A_250, %broadcast_in_dim3A_252, %scan3A_200 : vector<16xf32>
      %mul3A_254 = arith.constant 2 : i32
      %mul3A_255 = arith.muli %mul3A_254, %sub3A_219 : i32
      %add3A_256 = arith.constant 0 : i32
      %add3A_257 = arith.addi %mul3A_255, %add3A_256 : i32
      %get3A = arith.index_cast %rem3A_223 : i32 to index
      %get3A_258 = arith.index_cast %add3A_257 : i32 to index
      %get3A_259 = arith.constant 0 : index
      %get3A_260 = tpu.vector_load %arg9[%get3A, %get3A_258, %get3A_259] {strides = array<i32>} : memref<2x26x64xf32, #tpu.memory_space<vmem>>, vector<16xf32>,
      %get3A_261 = arith.index_cast %rem3A_223 : i32 to index
      %get3A_262 = arith.index_cast %add3A_257 : i32 to index
      %get3A_263 = arith.constant 16 : index
      %get3A_264 = tpu.vector_load %arg9[%get3A_261, %get3A_262, %get3A_263] {strides = array<i32>} : memref<2x26x64xf32, #tpu.memory_space<vmem>>, vector<16xf32>,
      %get3A_265 = arith.index_cast %rem3A_223 : i32 to index
      %get3A_266 = arith.index_cast %add3A_257 : i32 to index
      %get3A_267 = arith.constant 32 : index
      %get3A_268 = tpu.vector_load %arg9[%get3A_265, %get3A_266, %get3A_267] {strides = array<i32>} : memref<2x26x64xf32, #tpu.memory_space<vmem>>, vector<16xf32>,
      %get3A_269 = arith.index_cast %rem3A_223 : i32 to index
      %get3A_270 = arith.index_cast %add3A_257 : i32 to index
      %get3A_271 = arith.constant 48 : index
      %get3A_272 = tpu.vector_load %arg9[%get3A_269, %get3A_270, %get3A_271] {strides = array<i32>} : memref<2x26x64xf32, #tpu.memory_space<vmem>>, vector<16xf32>,
      %get3A_273 = arith.constant 0 : i32
      %get3A_274 = arith.index_cast %rem3A_221 : i32 to index
      %get3A_275 = arith.index_cast %get3A_273 : i32 to index
      %get3A_276 = arith.constant 0 : index
      %get3A_277 = tpu.vector_load %arg11[%get3A_274, %get3A_275, %get3A_276] {strides = array<i32>} : memref<4x100x64xf32, #tpu.memory_space<vmem>>, vector<16xf32>,
      %add3A_278 = arith.addf %get3A_260, %get3A_277 : vector<16xf32>
      %get3A_279 = arith.constant 0 : i32
      %get3A_280 = arith.index_cast %rem3A_221 : i32 to index
      %get3A_281 = arith.index_cast %get3A_279 : i32 to index
      %get3A_282 = arith.constant 16 : index
      %get3A_283 = tpu.vector_load %arg11[%get3A_280, %get3A_281, %get3A_282] {strides = array<i32>} : memref<4x100x64xf32, #tpu.memory_space<vmem>>, vector<16xf32>,
      %add3A_284 = arith.addf %get3A_264, %get3A_283 : vector<16xf32>
      %get3A_285 = arith.constant 0 : i32
      %get3A_286 = arith.index_cast %rem3A_221 : i32 to index
      %get3A_287 = arith.index_cast %get3A_285 : i32 to index
      %get3A_288 = arith.constant 32 : index
      %get3A_289 = tpu.vector_load %arg11[%get3A_286, %get3A_287, %get3A_288] {strides = array<i32>} : memref<4x100x64xf32, #tpu.memory_space<vmem>>, vector<16xf32>,
      %add3A_290 = arith.addf %get3A_268, %get3A_289 : vector<16xf32>
      %get3A_291 = arith.constant 0 : i32
      %get3A_292 = arith.index_cast %rem3A_221 : i32 to index
      %get3A_293 = arith.index_cast %get3A_291 : i32 to index
      %get3A_294 = arith.constant 48 : index
      %get3A_295 = tpu.vector_load %arg11[%get3A_292, %get3A_293, %get3A_294] {strides = array<i32>} : memref<4x100x64xf32, #tpu.memory_space<vmem>>, vector<16xf32>,
      %add3A_296 = arith.addf %get3A_272, %get3A_295 : vector<16xf32>
      %get3A_297 = arith.constant 1 : i32
      %get3A_298 = arith.index_cast %rem3A_221 : i32 to index
      %get3A_299 = arith.index_cast %get3A_297 : i32 to index
      %get3A_300 = arith.constant 0 : index
      %get3A_301 = tpu.vector_load %arg11[%get3A_298, %get3A_299, %get3A_300] {strides = array<i32>} : memref<4x100x64xf32, #tpu.memory_space<vmem>>, vector<16xf32>,
      %add3A_302 = arith.addf %add3A_278, %get3A_301 : vector<16xf32>
      %get3A_303 = arith.constant 1 : i32
      %get3A_304 = arith.index_cast %rem3A_221 : i32 to index
      %get3A_305 = arith.index_cast %get3A_303 : i32 to index
      %get3A_306 = arith.constant 16 : index
      %get3A_307 = tpu.vector_load %arg11[%get3A_304, %get3A_305, %get3A_306] {strides = array<i32>} : memref<4x100x64xf32, #tpu.memory_space<vmem>>, vector<16xf32>,
      %add3A_308 = arith.addf %add3A_284, %get3A_307 : vector<16xf32>
      %get3A_309 = arith.constant 1 : i32
      %get3A_310 = arith.index_cast %rem3A_221 : i32 to index
      %get3A_311 = arith.index_cast %get3A_309 : i32 to index
      %get3A_312 = arith.constant 32 : index
      %get3A_313 = tpu.vector_load %arg11[%get3A_310, %get3A_311, %get3A_312] {strides = array<i32>} : memref<4x100x64xf32, #tpu.memory_space<vmem>>, vector<16xf32>,
      %add3A_314 = arith.addf %add3A_290, %get3A_313 : vector<16xf32>
      %get3A_315 = arith.constant 1 : i32
      %get3A_316 = arith.index_cast %rem3A_221 : i32 to index
      %get3A_317 = arith.index_cast %get3A_315 : i32 to index
      %get3A_318 = arith.constant 48 : index
      %get3A_319 = tpu.vector_load %arg11[%get3A_316, %get3A_317, %get3A_318] {strides = array<i32>} : memref<4x100x64xf32, #tpu.memory_space<vmem>>, vector<16xf32>,
      %add3A_320 = arith.addf %add3A_296, %get3A_319 : vector<16xf32>
      %get3A_321 = arith.constant 2 : i32
      %get3A_322 = arith.index_cast %rem3A_221 : i32 to index
      %get3A_323 = arith.index_cast %get3A_321 : i32 to index
      %get3A_324 = arith.constant 0 : index
      %get3A_325 = tpu.vector_load %arg11[%get3A_322, %get3A_323, %get3A_324] {strides = array<i32>} : memref<4x100x64xf32, #tpu.memory_space<vmem>>, vector<16xf32>,
      %add3A_326 = arith.addf %add3A_302, %get3A_325 : vector<16xf32>
      %get3A_327 = arith.constant 2 : i32
      %get3A_328 = arith.index_cast %rem3A_221 : i32 to index
      %get3A_329 = arith.index_cast %get3A_327 : i32 to index
      %get3A_330 = arith.constant 16 : index
      %get3A_331 = tpu.vector_load %arg11[%get3A_328, %get3A_329, %get3A_330] {strides = array<i32>} : memref<4x100x64xf32, #tpu.memory_space<vmem>>, vector<16xf32>,
      %add3A_332 = arith.addf %add3A_308, %get3A_331 : vector<16xf32>
      %get3A_333 = arith.constant 2 : i32
      %get3A_334 = arith.index_cast %rem3A_221 : i32 to index
      %get3A_335 = arith.index_cast %get3A_333 : i32 to index
      %get3A_336 = arith.constant 32 : index
      %get3A_337 = tpu.vector_load %arg11[%get3A_334, %get3A_335, %get3A_336] {strides = array<i32>} : memref<4x100x64xf32, #tpu.memory_space<vmem>>, vector<16xf32>,
      %add3A_338 = arith.addf %add3A_314, %get3A_337 : vector<16xf32>
      %get3A_339 = arith.constant 2 : i32
      %get3A_340 = arith.index_cast %rem3A_221 : i32 to index
      %get3A_341 = arith.index_cast %get3A_339 : i32 to index
      %get3A_342 = arith.constant 48 : index
      %get3A_343 = tpu.vector_load %arg11[%get3A_340, %get3A_341, %get3A_342] {strides = array<i32>} : memref<4x100x64xf32, #tpu.memory_space<vmem>>, vector<16xf32>,
      %add3A_344 = arith.addf %add3A_320, %get3A_343 : vector<16xf32>
      %get3A_345 = arith.constant 3 : i32
      %get3A_346 = arith.index_cast %rem3A_221 : i32 to index
      %get3A_347 = arith.index_cast %get3A_345 : i32 to index
      %get3A_348 = arith.constant 0 : index
      %get3A_349 = tpu.vector_load %arg11[%get3A_346, %get3A_347, %get3A_348] {strides = array<i32>} : memref<4x100x64xf32, #tpu.memory_space<vmem>>, vector<16xf32>,
      %add3A_350 = arith.addf %add3A_326, %get3A_349 : vector<16xf32>
      %get3A_351 = arith.constant 3 : i32
      %get3A_352 = arith.index_cast %rem3A_221 : i32 to index
      %get3A_353 = arith.index_cast %get3A_351 : i32 to index
      %get3A_354 = arith.constant 16 : index
      %get3A_355 = tpu.vector_load %arg11[%get3A_352, %get3A_353, %get3A_354] {strides = array<i32>} : memref<4x100x64xf32, #tpu.memory_space<vmem>>, vector<16xf32>,
      %add3A_356 = arith.addf %add3A_332, %get3A_355 : vector<16xf32>
      %get3A_357 = arith.constant 3 : i32
      %get3A_358 = arith.index_cast %rem3A_221 : i32 to index
      %get3A_359 = arith.index_cast %get3A_357 : i32 to index
      %get3A_360 = arith.constant 32 : index
      %get3A_361 = tpu.vector_load %arg11[%get3A_358, %get3A_359, %get3A_360] {strides = array<i32>} : memref<4x100x64xf32, #tpu.memory_space<vmem>>, vector<16xf32>,
      %add3A_362 = arith.addf %add3A_338, %get3A_361 : vector<16xf32>
      %get3A_363 = arith.constant 3 : i32
      %get3A_364 = arith.index_cast %rem3A_221 : i32 to index
      %get3A_365 = arith.index_cast %get3A_363 : i32 to index
      %get3A_366 = arith.constant 48 : index
      %get3A_367 = tpu.vector_load %arg11[%get3A_364, %get3A_365, %get3A_366] {strides = array<i32>} : memref<4x100x64xf32, #tpu.memory_space<vmem>>, vector<16xf32>,
      %add3A_368 = arith.addf %add3A_344, %get3A_367 : vector<16xf32>
      %get3A_369 = arith.constant 4 : i32
      %get3A_370 = arith.index_cast %rem3A_221 : i32 to index
      %get3A_371 = arith.index_cast %get3A_369 : i32 to index
      %get3A_372 = arith.constant 0 : index
      %get3A_373 = tpu.vector_load %arg11[%get3A_370, %get3A_371, %get3A_372] {strides = array<i32>} : memref<4x100x64xf32, #tpu.memory_space<vmem>>, vector<16xf32>,
      %add3A_374 = arith.addf %add3A_350, %get3A_373 : vector<16xf32>
      %get3A_375 = arith.constant 4 : i32
      %get3A_376 = arith.index_cast %rem3A_221 : i32 to index
      %get3A_377 = arith.index_cast %get3A_375 : i32 to index
      %get3A_378 = arith.constant 16 : index
      %get3A_379 = tpu.vector_load %arg11[%get3A_376, %get3A_377, %get3A_378] {strides = array<i32>} : memref<4x100x64xf32, #tpu.memory_space<vmem>>, vector<16xf32>,
      %add3A_380 = arith.addf %add3A_356, %get3A_379 : vector<16xf32>
      %get3A_381 = arith.constant 4 : i32
      %get3A_382 = arith.index_cast %rem3A_221 : i32 to index
      %get3A_383 = arith.index_cast %get3A_381 : i32 to index
      %get3A_384 = arith.constant 32 : index
      %get3A_385 = tpu.vector_load %arg11[%get3A_382, %get3A_383, %get3A_384] {strides = array<i32>} : memref<4x100x64xf32, #tpu.memory_space<vmem>>, vector<16xf32>,
      %add3A_386 = arith.addf %add3A_362, %get3A_385 : vector<16xf32>
      %get3A_387 = arith.constant 4 : i32
      %get3A_388 = arith.index_cast %rem3A_221 : i32 to index
      %get3A_389 = arith.index_cast %get3A_387 : i32 to index
      %get3A_390 = arith.constant 48 : index
      %get3A_391 = tpu.vector_load %arg11[%get3A_388, %get3A_389, %get3A_390] {strides = array<i32>} : memref<4x100x64xf32, #tpu.memory_space<vmem>>, vector<16xf32>,
      %add3A_392 = arith.addf %add3A_368, %get3A_391 : vector<16xf32>
      %get3A_393 = arith.constant 5 : i32
      %get3A_394 = arith.index_cast %rem3A_221 : i32 to index
      %get3A_395 = arith.index_cast %get3A_393 : i32 to index
      %get3A_396 = arith.constant 0 : index
      %get3A_397 = tpu.vector_load %arg11[%get3A_394, %get3A_395, %get3A_396] {strides = array<i32>} : memref<4x100x64xf32, #tpu.memory_space<vmem>>, vector<16xf32>,
      %add3A_398 = arith.addf %add3A_374, %get3A_397 : vector<16xf32>
      %get3A_399 = arith.constant 5 : i32
      %get3A_400 = arith.index_cast %rem3A_221 : i32 to index
      %get3A_401 = arith.index_cast %get3A_399 : i32 to index
      %get3A_402 = arith.constant 16 : index
      %get3A_403 = tpu.vector_load %arg11[%get3A_400, %get3A_401, %get3A_402] {strides = array<i32>} : memref<4x100x64xf32, #tpu.memory_space<vmem>>, vector<16xf32>,
      %add3A_404 = arith.addf %add3A_380, %get3A_403 : vector<16xf32>
      %get3A_405 = arith.constant 5 : i32
      %get3A_406 = arith.index_cast %rem3A_221 : i32 to index
      %get3A_407 = arith.index_cast %get3A_405 : i32 to index
      %get3A_408 = arith.constant 32 : index
      %get3A_409 = tpu.vector_load %arg11[%get3A_406, %get3A_407, %get3A_408] {strides = array<i32>} : memref<4x100x64xf32, #tpu.memory_space<vmem>>, vector<16xf32>,
      %add3A_410 = arith.addf %add3A_386, %get3A_409 : vector<16xf32>
      %get3A_411 = arith.constant 5 : i32
      %get3A_412 = arith.index_cast %rem3A_221 : i32 to index
      %get3A_413 = arith.index_cast %get3A_411 : i32 to index
      %get3A_414 = arith.constant 48 : index
      %get3A_415 = tpu.vector_load %arg11[%get3A_412, %get3A_413, %get3A_414] {strides = array<i32>} : memref<4x100x64xf32, #tpu.memory_space<vmem>>, vector<16xf32>,
      %add3A_416 = arith.addf %add3A_392, %get3A_415 : vector<16xf32>
      %get3A_417 = arith.constant 6 : i32
      %get3A_418 = arith.index_cast %rem3A_221 : i32 to index
      %get3A_419 = arith.index_cast %get3A_417 : i32 to index
      %get3A_420 = arith.constant 0 : index
      %get3A_421 = tpu.vector_load %arg11[%get3A_418, %get3A_419, %get3A_420] {strides = array<i32>} : memref<4x100x64xf32, #tpu.memory_space<vmem>>, vector<16xf32>,
      %add3A_422 = arith.addf %add3A_398, %get3A_421 : vector<16xf32>
      %get3A_423 = arith.constant 6 : i32
      %get3A_424 = arith.index_cast %rem3A_221 : i32 to index
      %get3A_425 = arith.index_cast %get3A_423 : i32 to index
      %get3A_426 = arith.constant 16 : index
      %get3A_427 = tpu.vector_load %arg11[%get3A_424, %get3A_425, %get3A_426] {strides = array<i32>} : memref<4x100x64xf32, #tpu.memory_space<vmem>>, vector<16xf32>,
      %add3A_428 = arith.addf %add3A_404, %get3A_427 : vector<16xf32>
      %get3A_429 = arith.constant 6 : i32
      %get3A_430 = arith.index_cast %rem3A_221 : i32 to index
      %get3A_431 = arith.index_cast %get3A_429 : i32 to index
      %get3A_432 = arith.constant 32 : index
      %get3A_433 = tpu.vector_load %arg11[%get3A_430, %get3A_431, %get3A_432] {strides = array<i32>} : memref<4x100x64xf32, #tpu.memory_space<vmem>>, vector<16xf32>,
      %add3A_434 = arith.addf %add3A_410, %get3A_433 : vector<16xf32>
      %get3A_435 = arith.constant 6 : i32
      %get3A_436 = arith.index_cast %rem3A_221 : i32 to index
      %get3A_437 = arith.index_cast %get3A_435 : i32 to index
      %get3A_438 = arith.constant 48 : index
      %get3A_439 = tpu.vector_load %arg11[%get3A_436, %get3A_437, %get3A_438] {strides = array<i32>} : memref<4x100x64xf32, #tpu.memory_space<vmem>>, vector<16xf32>,
      %add3A_440 = arith.addf %add3A_416, %get3A_439 : vector<16xf32>
      %get3A_441 = arith.constant 7 : i32
      %get3A_442 = arith.index_cast %rem3A_221 : i32 to index
      %get3A_443 = arith.index_cast %get3A_441 : i32 to index
      %get3A_444 = arith.constant 0 : index
      %get3A_445 = tpu.vector_load %arg11[%get3A_442, %get3A_443, %get3A_444] {strides = array<i32>} : memref<4x100x64xf32, #tpu.memory_space<vmem>>, vector<16xf32>,
      %add3A_446 = arith.addf %add3A_422, %get3A_445 : vector<16xf32>
      %get3A_447 = arith.constant 7 : i32
      %get3A_448 = arith.index_cast %rem3A_221 : i32 to index
      %get3A_449 = arith.index_cast %get3A_447 : i32 to index
      %get3A_450 = arith.constant 16 : index
      %get3A_451 = tpu.vector_load %arg11[%get3A_448, %get3A_449, %get3A_450] {strides = array<i32>} : memref<4x100x64xf32, #tpu.memory_space<vmem>>, vector<16xf32>,
      %add3A_452 = arith.addf %add3A_428, %get3A_451 : vector<16xf32>
      %get3A_453 = arith.constant 7 : i32
      %get3A_454 = arith.index_cast %rem3A_221 : i32 to index
      %get3A_455 = arith.index_cast %get3A_453 : i32 to index
      %get3A_456 = arith.constant 32 : index
      %get3A_457 = tpu.vector_load %arg11[%get3A_454, %get3A_455, %get3A_456] {strides = array<i32>} : memref<4x100x64xf32, #tpu.memory_space<vmem>>, vector<16xf32>,
      %add3A_458 = arith.addf %add3A_434, %get3A_457 : vector<16xf32>
      %get3A_459 = arith.constant 7 : i32
      %get3A_460 = arith.index_cast %rem3A_221 : i32 to index
      %get3A_461 = arith.index_cast %get3A_459 : i32 to index
      %get3A_462 = arith.constant 48 : index
      %get3A_463 = tpu.vector_load %arg11[%get3A_460, %get3A_461, %get3A_462] {strides = array<i32>} : memref<4x100x64xf32, #tpu.memory_space<vmem>>, vector<16xf32>,
      %add3A_464 = arith.addf %add3A_440, %get3A_463 : vector<16xf32>
      %get3A_465 = arith.constant 8 : i32
      %get3A_466 = arith.index_cast %rem3A_221 : i32 to index
      %get3A_467 = arith.index_cast %get3A_465 : i32 to index
      %get3A_468 = arith.constant 0 : index
      %get3A_469 = tpu.vector_load %arg11[%get3A_466, %get3A_467, %get3A_468] {strides = array<i32>} : memref<4x100x64xf32, #tpu.memory_space<vmem>>, vector<16xf32>,
      %add3A_470 = arith.addf %add3A_446, %get3A_469 : vector<16xf32>
      %get3A_471 = arith.constant 8 : i32
      %get3A_472 = arith.index_cast %rem3A_221 : i32 to index
      %get3A_473 = arith.index_cast %get3A_471 : i32 to index
      %get3A_474 = arith.constant 16 : index
      %get3A_475 = tpu.vector_load %arg11[%get3A_472, %get3A_473, %get3A_474] {strides = array<i32>} : memref<4x100x64xf32, #tpu.memory_space<vmem>>, vector<16xf32>,
      %add3A_476 = arith.addf %add3A_452, %get3A_475 : vector<16xf32>
      %get3A_477 = arith.constant 8 : i32
      %get3A_478 = arith.index_cast %rem3A_221 : i32 to index
      %get3A_479 = arith.index_cast %get3A_477 : i32 to index
      %get3A_480 = arith.constant 32 : index
      %get3A_481 = tpu.vector_load %arg11[%get3A_478, %get3A_479, %get3A_480] {strides = array<i32>} : memref<4x100x64xf32, #tpu.memory_space<vmem>>, vector<16xf32>,
      %add3A_482 = arith.addf %add3A_458, %get3A_481 : vector<16xf32>
      %get3A_483 = arith.constant 8 : i32
      %get3A_484 = arith.index_cast %rem3A_221 : i32 to index
      %get3A_485 = arith.index_cast %get3A_483 : i32 to index
      %get3A_486 = arith.constant 48 : index
      %get3A_487 = tpu.vector_load %arg11[%get3A_484, %get3A_485, %get3A_486] {strides = array<i32>} : memref<4x100x64xf32, #tpu.memory_space<vmem>>, vector<16xf32>,
      %add3A_488 = arith.addf %add3A_464, %get3A_487 : vector<16xf32>
      %get3A_489 = arith.constant 9 : i32
      %get3A_490 = arith.index_cast %rem3A_221 : i32 to index
      %get3A_491 = arith.index_cast %get3A_489 : i32 to index
      %get3A_492 = arith.constant 0 : index
      %get3A_493 = tpu.vector_load %arg11[%get3A_490, %get3A_491, %get3A_492] {strides = array<i32>} : memref<4x100x64xf32, #tpu.memory_space<vmem>>, vector<16xf32>,
      %add3A_494 = arith.addf %add3A_470, %get3A_493 : vector<16xf32>
      %get3A_495 = arith.constant 9 : i32
      %get3A_496 = arith.index_cast %rem3A_221 : i32 to index
      %get3A_497 = arith.index_cast %get3A_495 : i32 to index
      %get3A_498 = arith.constant 16 : index
      %get3A_499 = tpu.vector_load %arg11[%get3A_496, %get3A_497, %get3A_498] {strides = array<i32>} : memref<4x100x64xf32, #tpu.memory_space<vmem>>, vector<16xf32>,
      %add3A_500 = arith.addf %add3A_476, %get3A_499 : vector<16xf32>
      %get3A_501 = arith.constant 9 : i32
      %get3A_502 = arith.index_cast %rem3A_221 : i32 to index
      %get3A_503 = arith.index_cast %get3A_501 : i32 to index
      %get3A_504 = arith.constant 32 : index
      %get3A_505 = tpu.vector_load %arg11[%get3A_502, %get3A_503, %get3A_504] {strides = array<i32>} : memref<4x100x64xf32, #tpu.memory_space<vmem>>, vector<16xf32>,
      %add3A_506 = arith.addf %add3A_482, %get3A_505 : vector<16xf32>
      %get3A_507 = arith.constant 9 : i32
      %get3A_508 = arith.index_cast %rem3A_221 : i32 to index
      %get3A_509 = arith.index_cast %get3A_507 : i32 to index
      %get3A_510 = arith.constant 48 : index
      %get3A_511 = tpu.vector_load %arg11[%get3A_508, %get3A_509, %get3A_510] {strides = array<i32>} : memref<4x100x64xf32, #tpu.memory_space<vmem>>, vector<16xf32>,
      %add3A_512 = arith.addf %add3A_488, %get3A_511 : vector<16xf32>
      %get3A_513 = arith.constant 10 : i32
      %get3A_514 = arith.index_cast %rem3A_221 : i32 to index
      %get3A_515 = arith.index_cast %get3A_513 : i32 to index
      %get3A_516 = arith.constant 0 : index
      %get3A_517 = tpu.vector_load %arg11[%get3A_514, %get3A_515, %get3A_516] {strides = array<i32>} : memref<4x100x64xf32, #tpu.memory_space<vmem>>, vector<16xf32>,
      %add3A_518 = arith.addf %add3A_494, %get3A_517 : vector<16xf32>
      %get3A_519 = arith.constant 10 : i32
      %get3A_520 = arith.index_cast %rem3A_221 : i32 to index
      %get3A_521 = arith.index_cast %get3A_519 : i32 to index
      %get3A_522 = arith.constant 16 : index
      %get3A_523 = tpu.vector_load %arg11[%get3A_520, %get3A_521, %get3A_522] {strides = array<i32>} : memref<4x100x64xf32, #tpu.memory_space<vmem>>, vector<16xf32>,
      %add3A_524 = arith.addf %add3A_500, %get3A_523 : vector<16xf32>
      %get3A_525 = arith.constant 10 : i32
      %get3A_526 = arith.index_cast %rem3A_221 : i32 to index
      %get3A_527 = arith.index_cast %get3A_525 : i32 to index
      %get3A_528 = arith.constant 32 : index
      %get3A_529 = tpu.vector_load %arg11[%get3A_526, %get3A_527, %get3A_528] {strides = array<i32>} : memref<4x100x64xf32, #tpu.memory_space<vmem>>, vector<16xf32>,
      %add3A_530 = arith.addf %add3A_506, %get3A_529 : vector<16xf32>
      %get3A_531 = arith.constant 10 : i32
      %get3A_532 = arith.index_cast %rem3A_221 : i32 to index
      %get3A_533 = arith.index_cast %get3A_531 : i32 to index
      %get3A_534 = arith.constant 48 : index
      %get3A_535 = tpu.vector_load %arg11[%get3A_532, %get3A_533, %get3A_534] {strides = array<i32>} : memref<4x100x64xf32, #tpu.memory_space<vmem>>, vector<16xf32>,
      %add3A_536 = arith.addf %add3A_512, %get3A_535 : vector<16xf32>
      %get3A_537 = arith.constant 11 : i32
      %get3A_538 = arith.index_cast %rem3A_221 : i32 to index
      %get3A_539 = arith.index_cast %get3A_537 : i32 to index
      %get3A_540 = arith.constant 0 : index
      %get3A_541 = tpu.vector_load %arg11[%get3A_538, %get3A_539, %get3A_540] {strides = array<i32>} : memref<4x100x64xf32, #tpu.memory_space<vmem>>, vector<16xf32>,
      %add3A_542 = arith.addf %add3A_518, %get3A_541 : vector<16xf32>
      %get3A_543 = arith.constant 11 : i32
      %get3A_544 = arith.index_cast %rem3A_221 : i32 to index
      %get3A_545 = arith.index_cast %get3A_543 : i32 to index
      %get3A_546 = arith.constant 16 : index
      %get3A_547 = tpu.vector_load %arg11[%get3A_544, %get3A_545, %get3A_546] {strides = array<i32>} : memref<4x100x64xf32, #tpu.memory_space<vmem>>, vector<16xf32>,
      %add3A_548 = arith.addf %add3A_524, %get3A_547 : vector<16xf32>
      %get3A_549 = arith.constant 11 : i32
      %get3A_550 = arith.index_cast %rem3A_221 : i32 to index
      %get3A_551 = arith.index_cast %get3A_549 : i32 to index
      %get3A_552 = arith.constant 32 : index
      %get3A_553 = tpu.vector_load %arg11[%get3A_550, %get3A_551, %get3A_552] {strides = array<i32>} : memref<4x100x64xf32, #tpu.memory_space<vmem>>, vector<16xf32>,
      %add3A_554 = arith.addf %add3A_530, %get3A_553 : vector<16xf32>
      %get3A_555 = arith.constant 11 : i32
      %get3A_556 = arith.index_cast %rem3A_221 : i32 to index
      %get3A_557 = arith.index_cast %get3A_555 : i32 to index
      %get3A_558 = arith.constant 48 : index
      %get3A_559 = tpu.vector_load %arg11[%get3A_556, %get3A_557, %get3A_558] {strides = array<i32>} : memref<4x100x64xf32, #tpu.memory_space<vmem>>, vector<16xf32>,
      %add3A_560 = arith.addf %add3A_536, %get3A_559 : vector<16xf32>
      %get3A_561 = arith.constant 12 : i32
      %get3A_562 = arith.index_cast %rem3A_221 : i32 to index
      %get3A_563 = arith.index_cast %get3A_561 : i32 to index
      %get3A_564 = arith.constant 0 : index
      %get3A_565 = tpu.vector_load %arg11[%get3A_562, %get3A_563, %get3A_564] {strides = array<i32>} : memref<4x100x64xf32, #tpu.memory_space<vmem>>, vector<16xf32>,
      %add3A_566 = arith.addf %add3A_542, %get3A_565 : vector<16xf32>
      %get3A_567 = arith.constant 12 : i32
      %get3A_568 = arith.index_cast %rem3A_221 : i32 to index
      %get3A_569 = arith.index_cast %get3A_567 : i32 to index
      %get3A_570 = arith.constant 16 : index
      %get3A_571 = tpu.vector_load %arg11[%get3A_568, %get3A_569, %get3A_570] {strides = array<i32>} : memref<4x100x64xf32, #tpu.memory_space<vmem>>, vector<16xf32>,
      %add3A_572 = arith.addf %add3A_548, %get3A_571 : vector<16xf32>
      %get3A_573 = arith.constant 12 : i32
      %get3A_574 = arith.index_cast %rem3A_221 : i32 to index
      %get3A_575 = arith.index_cast %get3A_573 : i32 to index
      %get3A_576 = arith.constant 32 : index
      %get3A_577 = tpu.vector_load %arg11[%get3A_574, %get3A_575, %get3A_576] {strides = array<i32>} : memref<4x100x64xf32, #tpu.memory_space<vmem>>, vector<16xf32>,
      %add3A_578 = arith.addf %add3A_554, %get3A_577 : vector<16xf32>
      %get3A_579 = arith.constant 12 : i32
      %get3A_580 = arith.index_cast %rem3A_221 : i32 to index
      %get3A_581 = arith.index_cast %get3A_579 : i32 to index
      %get3A_582 = arith.constant 48 : index
      %get3A_583 = tpu.vector_load %arg11[%get3A_580, %get3A_581, %get3A_582] {strides = array<i32>} : memref<4x100x64xf32, #tpu.memory_space<vmem>>, vector<16xf32>,
      %add3A_584 = arith.addf %add3A_560, %get3A_583 : vector<16xf32>
      %get3A_585 = arith.constant 13 : i32
      %get3A_586 = arith.index_cast %rem3A_221 : i32 to index
      %get3A_587 = arith.index_cast %get3A_585 : i32 to index
      %get3A_588 = arith.constant 0 : index
      %get3A_589 = tpu.vector_load %arg11[%get3A_586, %get3A_587, %get3A_588] {strides = array<i32>} : memref<4x100x64xf32, #tpu.memory_space<vmem>>, vector<16xf32>,
      %add3A_590 = arith.addf %add3A_566, %get3A_589 : vector<16xf32>
      %get3A_591 = arith.constant 13 : i32
      %get3A_592 = arith.index_cast %rem3A_221 : i32 to index
      %get3A_593 = arith.index_cast %get3A_591 : i32 to index
      %get3A_594 = arith.constant 16 : index
      %get3A_595 = tpu.vector_load %arg11[%get3A_592, %get3A_593, %get3A_594] {strides = array<i32>} : memref<4x100x64xf32, #tpu.memory_space<vmem>>, vector<16xf32>,
      %add3A_596 = arith.addf %add3A_572, %get3A_595 : vector<16xf32>
      %get3A_597 = arith.constant 13 : i32
      %get3A_598 = arith.index_cast %rem3A_221 : i32 to index
      %get3A_599 = arith.index_cast %get3A_597 : i32 to index
      %get3A_600 = arith.constant 32 : index
      %get3A_601 = tpu.vector_load %arg11[%get3A_598, %get3A_599, %get3A_600] {strides = array<i32>} : memref<4x100x64xf32, #tpu.memory_space<vmem>>, vector<16xf32>,
      %add3A_602 = arith.addf %add3A_578, %get3A_601 : vector<16xf32>
      %get3A_603 = arith.constant 13 : i32
      %get3A_604 = arith.index_cast %rem3A_221 : i32 to index
      %get3A_605 = arith.index_cast %get3A_603 : i32 to index
      %get3A_606 = arith.constant 48 : index
      %get3A_607 = tpu.vector_load %arg11[%get3A_604, %get3A_605, %get3A_606] {strides = array<i32>} : memref<4x100x64xf32, #tpu.memory_space<vmem>>, vector<16xf32>,
      %add3A_608 = arith.addf %add3A_584, %get3A_607 : vector<16xf32>
      %get3A_609 = arith.constant 14 : i32
      %get3A_610 = arith.index_cast %rem3A_221 : i32 to index
      %get3A_611 = arith.index_cast %get3A_609 : i32 to index
      %get3A_612 = arith.constant 0 : index
      %get3A_613 = tpu.vector_load %arg11[%get3A_610, %get3A_611, %get3A_612] {strides = array<i32>} : memref<4x100x64xf32, #tpu.memory_space<vmem>>, vector<16xf32>,
      %add3A_614 = arith.addf %add3A_590, %get3A_613 : vector<16xf32>
      %get3A_615 = arith.constant 14 : i32
      %get3A_616 = arith.index_cast %rem3A_221 : i32 to index
      %get3A_617 = arith.index_cast %get3A_615 : i32 to index
      %get3A_618 = arith.constant 16 : index
      %get3A_619 = tpu.vector_load %arg11[%get3A_616, %get3A_617, %get3A_618] {strides = array<i32>} : memref<4x100x64xf32, #tpu.memory_space<vmem>>, vector<16xf32>,
      %add3A_620 = arith.addf %add3A_596, %get3A_619 : vector<16xf32>
      %get3A_621 = arith.constant 14 : i32
      %get3A_622 = arith.index_cast %rem3A_221 : i32 to index
      %get3A_623 = arith.index_cast %get3A_621 : i32 to index
      %get3A_624 = arith.constant 32 : index
      %get3A_625 = tpu.vector_load %arg11[%get3A_622, %get3A_623, %get3A_624] {strides = array<i32>} : memref<4x100x64xf32, #tpu.memory_space<vmem>>, vector<16xf32>,
      %add3A_626 = arith.addf %add3A_602, %get3A_625 : vector<16xf32>
      %get3A_627 = arith.constant 14 : i32
      %get3A_628 = arith.index_cast %rem3A_221 : i32 to index
      %get3A_629 = arith.index_cast %get3A_627 : i32 to index
      %get3A_630 = arith.constant 48 : index
      %get3A_631 = tpu.vector_load %arg11[%get3A_628, %get3A_629, %get3A_630] {strides = array<i32>} : memref<4x100x64xf32, #tpu.memory_space<vmem>>, vector<16xf32>,
      %add3A_632 = arith.addf %add3A_608, %get3A_631 : vector<16xf32>
      %get3A_633 = arith.constant 15 : i32
      %get3A_634 = arith.index_cast %rem3A_221 : i32 to index
      %get3A_635 = arith.index_cast %get3A_633 : i32 to index
      %get3A_636 = arith.constant 0 : index
      %get3A_637 = tpu.vector_load %arg11[%get3A_634, %get3A_635, %get3A_636] {strides = array<i32>} : memref<4x100x64xf32, #tpu.memory_space<vmem>>, vector<16xf32>,
      %add3A_638 = arith.addf %add3A_614, %get3A_637 : vector<16xf32>
      %get3A_639 = arith.constant 15 : i32
      %get3A_640 = arith.index_cast %rem3A_221 : i32 to index
      %get3A_641 = arith.index_cast %get3A_639 : i32 to index
      %get3A_642 = arith.constant 16 : index
      %get3A_643 = tpu.vector_load %arg11[%get3A_640, %get3A_641, %get3A_642] {strides = array<i32>} : memref<4x100x64xf32, #tpu.memory_space<vmem>>, vector<16xf32>,
      %add3A_644 = arith.addf %add3A_620, %get3A_643 : vector<16xf32>
      %get3A_645 = arith.constant 15 : i32
      %get3A_646 = arith.index_cast %rem3A_221 : i32 to index
      %get3A_647 = arith.index_cast %get3A_645 : i32 to index
      %get3A_648 = arith.constant 32 : index
      %get3A_649 = tpu.vector_load %arg11[%get3A_646, %get3A_647, %get3A_648] {strides = array<i32>} : memref<4x100x64xf32, #tpu.memory_space<vmem>>, vector<16xf32>,
      %add3A_650 = arith.addf %add3A_626, %get3A_649 : vector<16xf32>
      %get3A_651 = arith.constant 15 : i32
      %get3A_652 = arith.index_cast %rem3A_221 : i32 to index
      %get3A_653 = arith.index_cast %get3A_651 : i32 to index
      %get3A_654 = arith.constant 48 : index
      %get3A_655 = tpu.vector_load %arg11[%get3A_652, %get3A_653, %get3A_654] {strides = array<i32>} : memref<4x100x64xf32, #tpu.memory_space<vmem>>, vector<16xf32>,
      %add3A_656 = arith.addf %add3A_632, %get3A_655 : vector<16xf32>
      %get3A_657 = arith.constant 16 : i32
      %get3A_658 = arith.index_cast %rem3A_221 : i32 to index
      %get3A_659 = arith.index_cast %get3A_657 : i32 to index
      %get3A_660 = arith.constant 0 : index
      %get3A_661 = tpu.vector_load %arg11[%get3A_658, %get3A_659, %get3A_660] {strides = array<i32>} : memref<4x100x64xf32, #tpu.memory_space<vmem>>, vector<16xf32>,
      %add3A_662 = arith.addf %add3A_638, %get3A_661 : vector<16xf32>
      %get3A_663 = arith.constant 16 : i32
      %get3A_664 = arith.index_cast %rem3A_221 : i32 to index
      %get3A_665 = arith.index_cast %get3A_663 : i32 to index
      %get3A_666 = arith.constant 16 : index
      %get3A_667 = tpu.vector_load %arg11[%get3A_664, %get3A_665, %get3A_666] {strides = array<i32>} : memref<4x100x64xf32, #tpu.memory_space<vmem>>, vector<16xf32>,
      %add3A_668 = arith.addf %add3A_644, %get3A_667 : vector<16xf32>
      %get3A_669 = arith.constant 16 : i32
      %get3A_670 = arith.index_cast %rem3A_221 : i32 to index
      %get3A_671 = arith.index_cast %get3A_669 : i32 to index
      %get3A_672 = arith.constant 32 : index
      %get3A_673 = tpu.vector_load %arg11[%get3A_670, %get3A_671, %get3A_672] {strides = array<i32>} : memref<4x100x64xf32, #tpu.memory_space<vmem>>, vector<16xf32>,
      %add3A_674 = arith.addf %add3A_650, %get3A_673 : vector<16xf32>
      %get3A_675 = arith.constant 16 : i32
      %get3A_676 = arith.index_cast %rem3A_221 : i32 to index
      %get3A_677 = arith.index_cast %get3A_675 : i32 to index
      %get3A_678 = arith.constant 48 : index
      %get3A_679 = tpu.vector_load %arg11[%get3A_676, %get3A_677, %get3A_678] {strides = array<i32>} : memref<4x100x64xf32, #tpu.memory_space<vmem>>, vector<16xf32>,
      %add3A_680 = arith.addf %add3A_656, %get3A_679 : vector<16xf32>
      %get3A_681 = arith.constant 17 : i32
      %get3A_682 = arith.index_cast %rem3A_221 : i32 to index
      %get3A_683 = arith.index_cast %get3A_681 : i32 to index
      %get3A_684 = arith.constant 0 : index
      %get3A_685 = tpu.vector_load %arg11[%get3A_682, %get3A_683, %get3A_684] {strides = array<i32>} : memref<4x100x64xf32, #tpu.memory_space<vmem>>, vector<16xf32>,
      %add3A_686 = arith.addf %add3A_662, %get3A_685 : vector<16xf32>
      %get3A_687 = arith.constant 17 : i32
      %get3A_688 = arith.index_cast %rem3A_221 : i32 to index
      %get3A_689 = arith.index_cast %get3A_687 : i32 to index
      %get3A_690 = arith.constant 16 : index
      %get3A_691 = tpu.vector_load %arg11[%get3A_688, %get3A_689, %get3A_690] {strides = array<i32>} : memref<4x100x64xf32, #tpu.memory_space<vmem>>, vector<16xf32>,
      %add3A_692 = arith.addf %add3A_668, %get3A_691 : vector<16xf32>
      %get3A_693 = arith.constant 17 : i32
      %get3A_694 = arith.index_cast %rem3A_221 : i32 to index
      %get3A_695 = arith.index_cast %get3A_693 : i32 to index
      %get3A_696 = arith.constant 32 : index
      %get3A_697 = tpu.vector_load %arg11[%get3A_694, %get3A_695, %get3A_696] {strides = array<i32>} : memref<4x100x64xf32, #tpu.memory_space<vmem>>, vector<16xf32>,
      %add3A_698 = arith.addf %add3A_674, %get3A_697 : vector<16xf32>
      %get3A_699 = arith.constant 17 : i32
      %get3A_700 = arith.index_cast %rem3A_221 : i32 to index
      %get3A_701 = arith.index_cast %get3A_699 : i32 to index
      %get3A_702 = arith.constant 48 : index
      %get3A_703 = tpu.vector_load %arg11[%get3A_700, %get3A_701, %get3A_702] {strides = array<i32>} : memref<4x100x64xf32, #tpu.memory_space<vmem>>, vector<16xf32>,
      %add3A_704 = arith.addf %add3A_680, %get3A_703 : vector<16xf32>
      %get3A_705 = arith.constant 18 : i32
      %get3A_706 = arith.index_cast %rem3A_221 : i32 to index
      %get3A_707 = arith.index_cast %get3A_705 : i32 to index
      %get3A_708 = arith.constant 0 : index
      %get3A_709 = tpu.vector_load %arg11[%get3A_706, %get3A_707, %get3A_708] {strides = array<i32>} : memref<4x100x64xf32, #tpu.memory_space<vmem>>, vector<16xf32>,
      %add3A_710 = arith.addf %add3A_686, %get3A_709 : vector<16xf32>
      %get3A_711 = arith.constant 18 : i32
      %get3A_712 = arith.index_cast %rem3A_221 : i32 to index
      %get3A_713 = arith.index_cast %get3A_711 : i32 to index
      %get3A_714 = arith.constant 16 : index
      %get3A_715 = tpu.vector_load %arg11[%get3A_712, %get3A_713, %get3A_714] {strides = array<i32>} : memref<4x100x64xf32, #tpu.memory_space<vmem>>, vector<16xf32>,
      %add3A_716 = arith.addf %add3A_692, %get3A_715 : vector<16xf32>
      %get3A_717 = arith.constant 18 : i32
      %get3A_718 = arith.index_cast %rem3A_221 : i32 to index
      %get3A_719 = arith.index_cast %get3A_717 : i32 to index
      %get3A_720 = arith.constant 32 : index
      %get3A_721 = tpu.vector_load %arg11[%get3A_718, %get3A_719, %get3A_720] {strides = array<i32>} : memref<4x100x64xf32, #tpu.memory_space<vmem>>, vector<16xf32>,
      %add3A_722 = arith.addf %add3A_698, %get3A_721 : vector<16xf32>
      %get3A_723 = arith.constant 18 : i32
      %get3A_724 = arith.index_cast %rem3A_221 : i32 to index
      %get3A_725 = arith.index_cast %get3A_723 : i32 to index
      %get3A_726 = arith.constant 48 : index
      %get3A_727 = tpu.vector_load %arg11[%get3A_724, %get3A_725, %get3A_726] {strides = array<i32>} : memref<4x100x64xf32, #tpu.memory_space<vmem>>, vector<16xf32>,
      %add3A_728 = arith.addf %add3A_704, %get3A_727 : vector<16xf32>
      %get3A_729 = arith.constant 19 : i32
      %get3A_730 = arith.index_cast %rem3A_221 : i32 to index
      %get3A_731 = arith.index_cast %get3A_729 : i32 to index
      %get3A_732 = arith.constant 0 : index
      %get3A_733 = tpu.vector_load %arg11[%get3A_730, %get3A_731, %get3A_732] {strides = array<i32>} : memref<4x100x64xf32, #tpu.memory_space<vmem>>, vector<16xf32>,
      %add3A_734 = arith.addf %add3A_710, %get3A_733 : vector<16xf32>
      %get3A_735 = arith.constant 19 : i32
      %get3A_736 = arith.index_cast %rem3A_221 : i32 to index
      %get3A_737 = arith.index_cast %get3A_735 : i32 to index
      %get3A_738 = arith.constant 16 : index
      %get3A_739 = tpu.vector_load %arg11[%get3A_736, %get3A_737, %get3A_738] {strides = array<i32>} : memref<4x100x64xf32, #tpu.memory_space<vmem>>, vector<16xf32>,
      %add3A_740 = arith.addf %add3A_716, %get3A_739 : vector<16xf32>
      %get3A_741 = arith.constant 19 : i32
      %get3A_742 = arith.index_cast %rem3A_221 : i32 to index
      %get3A_743 = arith.index_cast %get3A_741 : i32 to index
      %get3A_744 = arith.constant 32 : index
      %get3A_745 = tpu.vector_load %arg11[%get3A_742, %get3A_743, %get3A_744] {strides = array<i32>} : memref<4x100x64xf32, #tpu.memory_space<vmem>>, vector<16xf32>,
      %add3A_746 = arith.addf %add3A_722, %get3A_745 : vector<16xf32>
      %get3A_747 = arith.constant 19 : i32
      %get3A_748 = arith.index_cast %rem3A_221 : i32 to index
      %get3A_749 = arith.index_cast %get3A_747 : i32 to index
      %get3A_750 = arith.constant 48 : index
      %get3A_751 = tpu.vector_load %arg11[%get3A_748, %get3A_749, %get3A_750] {strides = array<i32>} : memref<4x100x64xf32, #tpu.memory_space<vmem>>, vector<16xf32>,
      %add3A_752 = arith.addf %add3A_728, %get3A_751 : vector<16xf32>
      %get3A_753 = arith.constant 20 : i32
      %get3A_754 = arith.index_cast %rem3A_221 : i32 to index
      %get3A_755 = arith.index_cast %get3A_753 : i32 to index
      %get3A_756 = arith.constant 0 : index
      %get3A_757 = tpu.vector_load %arg11[%get3A_754, %get3A_755, %get3A_756] {strides = array<i32>} : memref<4x100x64xf32, #tpu.memory_space<vmem>>, vector<16xf32>,
      %add3A_758 = arith.addf %add3A_734, %get3A_757 : vector<16xf32>
      %get3A_759 = arith.constant 20 : i32
      %get3A_760 = arith.index_cast %rem3A_221 : i32 to index
      %get3A_761 = arith.index_cast %get3A_759 : i32 to index
      %get3A_762 = arith.constant 16 : index
      %get3A_763 = tpu.vector_load %arg11[%get3A_760, %get3A_761, %get3A_762] {strides = array<i32>} : memref<4x100x64xf32, #tpu.memory_space<vmem>>, vector<16xf32>,
      %add3A_764 = arith.addf %add3A_740, %get3A_763 : vector<16xf32>
      %get3A_765 = arith.constant 20 : i32
      %get3A_766 = arith.index_cast %rem3A_221 : i32 to index
      %get3A_767 = arith.index_cast %get3A_765 : i32 to index
      %get3A_768 = arith.constant 32 : index
      %get3A_769 = tpu.vector_load %arg11[%get3A_766, %get3A_767, %get3A_768] {strides = array<i32>} : memref<4x100x64xf32, #tpu.memory_space<vmem>>, vector<16xf32>,
      %add3A_770 = arith.addf %add3A_746, %get3A_769 : vector<16xf32>
      %get3A_771 = arith.constant 20 : i32
      %get3A_772 = arith.index_cast %rem3A_221 : i32 to index
      %get3A_773 = arith.index_cast %get3A_771 : i32 to index
      %get3A_774 = arith.constant 48 : index
      %get3A_775 = tpu.vector_load %arg11[%get3A_772, %get3A_773, %get3A_774] {strides = array<i32>} : memref<4x100x64xf32, #tpu.memory_space<vmem>>, vector<16xf32>,
      %add3A_776 = arith.addf %add3A_752, %get3A_775 : vector<16xf32>
      %get3A_777 = arith.constant 21 : i32
      %get3A_778 = arith.index_cast %rem3A_221 : i32 to index
      %get3A_779 = arith.index_cast %get3A_777 : i32 to index
      %get3A_780 = arith.constant 0 : index
      %get3A_781 = tpu.vector_load %arg11[%get3A_778, %get3A_779, %get3A_780] {strides = array<i32>} : memref<4x100x64xf32, #tpu.memory_space<vmem>>, vector<16xf32>,
      %add3A_782 = arith.addf %add3A_758, %get3A_781 : vector<16xf32>
      %get3A_783 = arith.constant 21 : i32
      %get3A_784 = arith.index_cast %rem3A_221 : i32 to index
      %get3A_785 = arith.index_cast %get3A_783 : i32 to index
      %get3A_786 = arith.constant 16 : index
      %get3A_787 = tpu.vector_load %arg11[%get3A_784, %get3A_785, %get3A_786] {strides = array<i32>} : memref<4x100x64xf32, #tpu.memory_space<vmem>>, vector<16xf32>,
      %add3A_788 = arith.addf %add3A_764, %get3A_787 : vector<16xf32>
      %get3A_789 = arith.constant 21 : i32
      %get3A_790 = arith.index_cast %rem3A_221 : i32 to index
      %get3A_791 = arith.index_cast %get3A_789 : i32 to index
      %get3A_792 = arith.constant 32 : index
      %get3A_793 = tpu.vector_load %arg11[%get3A_790, %get3A_791, %get3A_792] {strides = array<i32>} : memref<4x100x64xf32, #tpu.memory_space<vmem>>, vector<16xf32>,
      %add3A_794 = arith.addf %add3A_770, %get3A_793 : vector<16xf32>
      %get3A_795 = arith.constant 21 : i32
      %get3A_796 = arith.index_cast %rem3A_221 : i32 to index
      %get3A_797 = arith.index_cast %get3A_795 : i32 to index
      %get3A_798 = arith.constant 48 : index
      %get3A_799 = tpu.vector_load %arg11[%get3A_796, %get3A_797, %get3A_798] {strides = array<i32>} : memref<4x100x64xf32, #tpu.memory_space<vmem>>, vector<16xf32>,
      %add3A_800 = arith.addf %add3A_776, %get3A_799 : vector<16xf32>
      %get3A_801 = arith.constant 22 : i32
      %get3A_802 = arith.index_cast %rem3A_221 : i32 to index
      %get3A_803 = arith.index_cast %get3A_801 : i32 to index
      %get3A_804 = arith.constant 0 : index
      %get3A_805 = tpu.vector_load %arg11[%get3A_802, %get3A_803, %get3A_804] {strides = array<i32>} : memref<4x100x64xf32, #tpu.memory_space<vmem>>, vector<16xf32>,
      %add3A_806 = arith.addf %add3A_782, %get3A_805 : vector<16xf32>
      %get3A_807 = arith.constant 22 : i32
      %get3A_808 = arith.index_cast %rem3A_221 : i32 to index
      %get3A_809 = arith.index_cast %get3A_807 : i32 to index
      %get3A_810 = arith.constant 16 : index
      %get3A_811 = tpu.vector_load %arg11[%get3A_808, %get3A_809, %get3A_810] {strides = array<i32>} : memref<4x100x64xf32, #tpu.memory_space<vmem>>, vector<16xf32>,
      %add3A_812 = arith.addf %add3A_788, %get3A_811 : vector<16xf32>
      %get3A_813 = arith.constant 22 : i32
      %get3A_814 = arith.index_cast %rem3A_221 : i32 to index
      %get3A_815 = arith.index_cast %get3A_813 : i32 to index
      %get3A_816 = arith.constant 32 : index
      %get3A_817 = tpu.vector_load %arg11[%get3A_814, %get3A_815, %get3A_816] {strides = array<i32>} : memref<4x100x64xf32, #tpu.memory_space<vmem>>, vector<16xf32>,
      %add3A_818 = arith.addf %add3A_794, %get3A_817 : vector<16xf32>
      %get3A_819 = arith.constant 22 : i32
      %get3A_820 = arith.index_cast %rem3A_221 : i32 to index
      %get3A_821 = arith.index_cast %get3A_819 : i32 to index
      %get3A_822 = arith.constant 48 : index
      %get3A_823 = tpu.vector_load %arg11[%get3A_820, %get3A_821, %get3A_822] {strides = array<i32>} : memref<4x100x64xf32, #tpu.memory_space<vmem>>, vector<16xf32>,
      %add3A_824 = arith.addf %add3A_800, %get3A_823 : vector<16xf32>
      %get3A_825 = arith.constant 23 : i32
      %get3A_826 = arith.index_cast %rem3A_221 : i32 to index
      %get3A_827 = arith.index_cast %get3A_825 : i32 to index
      %get3A_828 = arith.constant 0 : index
      %get3A_829 = tpu.vector_load %arg11[%get3A_826, %get3A_827, %get3A_828] {strides = array<i32>} : memref<4x100x64xf32, #tpu.memory_space<vmem>>, vector<16xf32>,
      %add3A_830 = arith.addf %add3A_806, %get3A_829 : vector<16xf32>
      %get3A_831 = arith.constant 23 : i32
      %get3A_832 = arith.index_cast %rem3A_221 : i32 to index
      %get3A_833 = arith.index_cast %get3A_831 : i32 to index
      %get3A_834 = arith.constant 16 : index
      %get3A_835 = tpu.vector_load %arg11[%get3A_832, %get3A_833, %get3A_834] {strides = array<i32>} : memref<4x100x64xf32, #tpu.memory_space<vmem>>, vector<16xf32>,
      %add3A_836 = arith.addf %add3A_812, %get3A_835 : vector<16xf32>
      %get3A_837 = arith.constant 23 : i32
      %get3A_838 = arith.index_cast %rem3A_221 : i32 to index
      %get3A_839 = arith.index_cast %get3A_837 : i32 to index
      %get3A_840 = arith.constant 32 : index
      %get3A_841 = tpu.vector_load %arg11[%get3A_838, %get3A_839, %get3A_840] {strides = array<i32>} : memref<4x100x64xf32, #tpu.memory_space<vmem>>, vector<16xf32>,
      %add3A_842 = arith.addf %add3A_818, %get3A_841 : vector<16xf32>
      %get3A_843 = arith.constant 23 : i32
      %get3A_844 = arith.index_cast %rem3A_221 : i32 to index
      %get3A_845 = arith.index_cast %get3A_843 : i32 to index
      %get3A_846 = arith.constant 48 : index
      %get3A_847 = tpu.vector_load %arg11[%get3A_844, %get3A_845, %get3A_846] {strides = array<i32>} : memref<4x100x64xf32, #tpu.memory_space<vmem>>, vector<16xf32>,
      %add3A_848 = arith.addf %add3A_824, %get3A_847 : vector<16xf32>
      %get3A_849 = arith.constant 24 : i32
      %get3A_850 = arith.index_cast %rem3A_221 : i32 to index
      %get3A_851 = arith.index_cast %get3A_849 : i32 to index
      %get3A_852 = arith.constant 0 : index
      %get3A_853 = tpu.vector_load %arg11[%get3A_850, %get3A_851, %get3A_852] {strides = array<i32>} : memref<4x100x64xf32, #tpu.memory_space<vmem>>, vector<16xf32>,
      %add3A_854 = arith.addf %add3A_830, %get3A_853 : vector<16xf32>
      %get3A_855 = arith.constant 24 : i32
      %get3A_856 = arith.index_cast %rem3A_221 : i32 to index
      %get3A_857 = arith.index_cast %get3A_855 : i32 to index
      %get3A_858 = arith.constant 16 : index
      %get3A_859 = tpu.vector_load %arg11[%get3A_856, %get3A_857, %get3A_858] {strides = array<i32>} : memref<4x100x64xf32, #tpu.memory_space<vmem>>, vector<16xf32>,
      %add3A_860 = arith.addf %add3A_836, %get3A_859 : vector<16xf32>
      %get3A_861 = arith.constant 24 : i32
      %get3A_862 = arith.index_cast %rem3A_221 : i32 to index
      %get3A_863 = arith.index_cast %get3A_861 : i32 to index
      %get3A_864 = arith.constant 32 : index
      %get3A_865 = tpu.vector_load %arg11[%get3A_862, %get3A_863, %get3A_864] {strides = array<i32>} : memref<4x100x64xf32, #tpu.memory_space<vmem>>, vector<16xf32>,
      %add3A_866 = arith.addf %add3A_842, %get3A_865 : vector<16xf32>
      %get3A_867 = arith.constant 24 : i32
      %get3A_868 = arith.index_cast %rem3A_221 : i32 to index
      %get3A_869 = arith.index_cast %get3A_867 : i32 to index
      %get3A_870 = arith.constant 48 : index
      %get3A_871 = tpu.vector_load %arg11[%get3A_868, %get3A_869, %get3A_870] {strides = array<i32>} : memref<4x100x64xf32, #tpu.memory_space<vmem>>, vector<16xf32>,
      %add3A_872 = arith.addf %add3A_848, %get3A_871 : vector<16xf32>
      %get3A_873 = arith.constant 25 : i32
      %get3A_874 = arith.index_cast %rem3A_221 : i32 to index
      %get3A_875 = arith.index_cast %get3A_873 : i32 to index
      %get3A_876 = arith.constant 0 : index
      %get3A_877 = tpu.vector_load %arg11[%get3A_874, %get3A_875, %get3A_876] {strides = array<i32>} : memref<4x100x64xf32, #tpu.memory_space<vmem>>, vector<16xf32>,
      %add3A_878 = arith.addf %add3A_854, %get3A_877 : vector<16xf32>
      %get3A_879 = arith.constant 25 : i32
      %get3A_880 = arith.index_cast %rem3A_221 : i32 to index
      %get3A_881 = arith.index_cast %get3A_879 : i32 to index
      %get3A_882 = arith.constant 16 : index
      %get3A_883 = tpu.vector_load %arg11[%get3A_880, %get3A_881, %get3A_882] {strides = array<i32>} : memref<4x100x64xf32, #tpu.memory_space<vmem>>, vector<16xf32>,
      %add3A_884 = arith.addf %add3A_860, %get3A_883 : vector<16xf32>
      %get3A_885 = arith.constant 25 : i32
      %get3A_886 = arith.index_cast %rem3A_221 : i32 to index
      %get3A_887 = arith.index_cast %get3A_885 : i32 to index
      %get3A_888 = arith.constant 32 : index
      %get3A_889 = tpu.vector_load %arg11[%get3A_886, %get3A_887, %get3A_888] {strides = array<i32>} : memref<4x100x64xf32, #tpu.memory_space<vmem>>, vector<16xf32>,
      %add3A_890 = arith.addf %add3A_866, %get3A_889 : vector<16xf32>
      %get3A_891 = arith.constant 25 : i32
      %get3A_892 = arith.index_cast %rem3A_221 : i32 to index
      %get3A_893 = arith.index_cast %get3A_891 : i32 to index
      %get3A_894 = arith.constant 48 : index
      %get3A_895 = tpu.vector_load %arg11[%get3A_892, %get3A_893, %get3A_894] {strides = array<i32>} : memref<4x100x64xf32, #tpu.memory_space<vmem>>, vector<16xf32>,
      %add3A_896 = arith.addf %add3A_872, %get3A_895 : vector<16xf32>
      %get3A_897 = arith.constant 26 : i32
      %get3A_898 = arith.index_cast %rem3A_221 : i32 to index
      %get3A_899 = arith.index_cast %get3A_897 : i32 to index
      %get3A_900 = arith.constant 0 : index
      %get3A_901 = tpu.vector_load %arg11[%get3A_898, %get3A_899, %get3A_900] {strides = array<i32>} : memref<4x100x64xf32, #tpu.memory_space<vmem>>, vector<16xf32>,
      %add3A_902 = arith.addf %add3A_878, %get3A_901 : vector<16xf32>
      %get3A_903 = arith.constant 26 : i32
      %get3A_904 = arith.index_cast %rem3A_221 : i32 to index
      %get3A_905 = arith.index_cast %get3A_903 : i32 to index
      %get3A_906 = arith.constant 16 : index
      %get3A_907 = tpu.vector_load %arg11[%get3A_904, %get3A_905, %get3A_906] {strides = array<i32>} : memref<4x100x64xf32, #tpu.memory_space<vmem>>, vector<16xf32>,
      %add3A_908 = arith.addf %add3A_884, %get3A_907 : vector<16xf32>
      %get3A_909 = arith.constant 26 : i32
      %get3A_910 = arith.index_cast %rem3A_221 : i32 to index
      %get3A_911 = arith.index_cast %get3A_909 : i32 to index
      %get3A_912 = arith.constant 32 : index
      %get3A_913 = tpu.vector_load %arg11[%get3A_910, %get3A_911, %get3A_912] {strides = array<i32>} : memref<4x100x64xf32, #tpu.memory_space<vmem>>, vector<16xf32>,
      %add3A_914 = arith.addf %add3A_890, %get3A_913 : vector<16xf32>
      %get3A_915 = arith.constant 26 : i32
      %get3A_916 = arith.index_cast %rem3A_221 : i32 to index
      %get3A_917 = arith.index_cast %get3A_915 : i32 to index
      %get3A_918 = arith.constant 48 : index
      %get3A_919 = tpu.vector_load %arg11[%get3A_916, %get3A_917, %get3A_918] {strides = array<i32>} : memref<4x100x64xf32, #tpu.memory_space<vmem>>, vector<16xf32>,
      %add3A_920 = arith.addf %add3A_896, %get3A_919 : vector<16xf32>
      %get3A_921 = arith.constant 27 : i32
      %get3A_922 = arith.index_cast %rem3A_221 : i32 to index
      %get3A_923 = arith.index_cast %get3A_921 : i32 to index
      %get3A_924 = arith.constant 0 : index
      %get3A_925 = tpu.vector_load %arg11[%get3A_922, %get3A_923, %get3A_924] {strides = array<i32>} : memref<4x100x64xf32, #tpu.memory_space<vmem>>, vector<16xf32>,
      %add3A_926 = arith.addf %add3A_902, %get3A_925 : vector<16xf32>
      %get3A_927 = arith.constant 27 : i32
      %get3A_928 = arith.index_cast %rem3A_221 : i32 to index
      %get3A_929 = arith.index_cast %get3A_927 : i32 to index
      %get3A_930 = arith.constant 16 : index
      %get3A_931 = tpu.vector_load %arg11[%get3A_928, %get3A_929, %get3A_930] {strides = array<i32>} : memref<4x100x64xf32, #tpu.memory_space<vmem>>, vector<16xf32>,
      %add3A_932 = arith.addf %add3A_908, %get3A_931 : vector<16xf32>
      %get3A_933 = arith.constant 27 : i32
      %get3A_934 = arith.index_cast %rem3A_221 : i32 to index
      %get3A_935 = arith.index_cast %get3A_933 : i32 to index
      %get3A_936 = arith.constant 32 : index
      %get3A_937 = tpu.vector_load %arg11[%get3A_934, %get3A_935, %get3A_936] {strides = array<i32>} : memref<4x100x64xf32, #tpu.memory_space<vmem>>, vector<16xf32>,
      %add3A_938 = arith.addf %add3A_914, %get3A_937 : vector<16xf32>
      %get3A_939 = arith.constant 27 : i32
      %get3A_940 = arith.index_cast %rem3A_221 : i32 to index
      %get3A_941 = arith.index_cast %get3A_939 : i32 to index
      %get3A_942 = arith.constant 48 : index
      %get3A_943 = tpu.vector_load %arg11[%get3A_940, %get3A_941, %get3A_942] {strides = array<i32>} : memref<4x100x64xf32, #tpu.memory_space<vmem>>, vector<16xf32>,
      %add3A_944 = arith.addf %add3A_920, %get3A_943 : vector<16xf32>
      %get3A_945 = arith.constant 28 : i32
      %get3A_946 = arith.index_cast %rem3A_221 : i32 to index
      %get3A_947 = arith.index_cast %get3A_945 : i32 to index
      %get3A_948 = arith.constant 0 : index
      %get3A_949 = tpu.vector_load %arg11[%get3A_946, %get3A_947, %get3A_948] {strides = array<i32>} : memref<4x100x64xf32, #tpu.memory_space<vmem>>, vector<16xf32>,
      %add3A_950 = arith.addf %add3A_926, %get3A_949 : vector<16xf32>
      %get3A_951 = arith.constant 28 : i32
      %get3A_952 = arith.index_cast %rem3A_221 : i32 to index
      %get3A_953 = arith.index_cast %get3A_951 : i32 to index
      %get3A_954 = arith.constant 16 : index
      %get3A_955 = tpu.vector_load %arg11[%get3A_952, %get3A_953, %get3A_954] {strides = array<i32>} : memref<4x100x64xf32, #tpu.memory_space<vmem>>, vector<16xf32>,
      %add3A_956 = arith.addf %add3A_932, %get3A_955 : vector<16xf32>
      %get3A_957 = arith.constant 28 : i32
      %get3A_958 = arith.index_cast %rem3A_221 : i32 to index
      %get3A_959 = arith.index_cast %get3A_957 : i32 to index
      %get3A_960 = arith.constant 32 : index
      %get3A_961 = tpu.vector_load %arg11[%get3A_958, %get3A_959, %get3A_960] {strides = array<i32>} : memref<4x100x64xf32, #tpu.memory_space<vmem>>, vector<16xf32>,
      %add3A_962 = arith.addf %add3A_938, %get3A_961 : vector<16xf32>
      %get3A_963 = arith.constant 28 : i32
      %get3A_964 = arith.index_cast %rem3A_221 : i32 to index
      %get3A_965 = arith.index_cast %get3A_963 : i32 to index
      %get3A_966 = arith.constant 48 : index
      %get3A_967 = tpu.vector_load %arg11[%get3A_964, %get3A_965, %get3A_966] {strides = array<i32>} : memref<4x100x64xf32, #tpu.memory_space<vmem>>, vector<16xf32>,
      %add3A_968 = arith.addf %add3A_944, %get3A_967 : vector<16xf32>
      %get3A_969 = arith.constant 29 : i32
      %get3A_970 = arith.index_cast %rem3A_221 : i32 to index
      %get3A_971 = arith.index_cast %get3A_969 : i32 to index
      %get3A_972 = arith.constant 0 : index
      %get3A_973 = tpu.vector_load %arg11[%get3A_970, %get3A_971, %get3A_972] {strides = array<i32>} : memref<4x100x64xf32, #tpu.memory_space<vmem>>, vector<16xf32>,
      %add3A_974 = arith.addf %add3A_950, %get3A_973 : vector<16xf32>
      %get3A_975 = arith.constant 29 : i32
      %get3A_976 = arith.index_cast %rem3A_221 : i32 to index
      %get3A_977 = arith.index_cast %get3A_975 : i32 to index
      %get3A_978 = arith.constant 16 : index
      %get3A_979 = tpu.vector_load %arg11[%get3A_976, %get3A_977, %get3A_978] {strides = array<i32>} : memref<4x100x64xf32, #tpu.memory_space<vmem>>, vector<16xf32>,
      %add3A_980 = arith.addf %add3A_956, %get3A_979 : vector<16xf32>
      %get3A_981 = arith.constant 29 : i32
      %get3A_982 = arith.index_cast %rem3A_221 : i32 to index
      %get3A_983 = arith.index_cast %get3A_981 : i32 to index
      %get3A_984 = arith.constant 32 : index
      %get3A_985 = tpu.vector_load %arg11[%get3A_982, %get3A_983, %get3A_984] {strides = array<i32>} : memref<4x100x64xf32, #tpu.memory_space<vmem>>, vector<16xf32>,
      %add3A_986 = arith.addf %add3A_962, %get3A_985 : vector<16xf32>
      %get3A_987 = arith.constant 29 : i32
      %get3A_988 = arith.index_cast %rem3A_221 : i32 to index
      %get3A_989 = arith.index_cast %get3A_987 : i32 to index
      %get3A_990 = arith.constant 48 : index
      %get3A_991 = tpu.vector_load %arg11[%get3A_988, %get3A_989, %get3A_990] {strides = array<i32>} : memref<4x100x64xf32, #tpu.memory_space<vmem>>, vector<16xf32>,
      %add3A_992 = arith.addf %add3A_968, %get3A_991 : vector<16xf32>
      %get3A_993 = arith.constant 30 : i32
      %get3A_994 = arith.index_cast %rem3A_221 : i32 to index
      %get3A_995 = arith.index_cast %get3A_993 : i32 to index
      %get3A_996 = arith.constant 0 : index
      %get3A_997 = tpu.vector_load %arg11[%get3A_994, %get3A_995, %get3A_996] {strides = array<i32>} : memref<4x100x64xf32, #tpu.memory_space<vmem>>, vector<16xf32>,
      %add3A_998 = arith.addf %add3A_974, %get3A_997 : vector<16xf32>
      %get3A_999 = arith.constant 30 : i32
      %get3A_1000 = arith.index_cast %rem3A_221 : i32 to index
      %get3A_1001 = arith.index_cast %get3A_999 : i32 to index
      %get3A_1002 = arith.constant 16 : index
      %get3A_1003 = tpu.vector_load %arg11[%get3A_1000, %get3A_1001, %get3A_1002] {strides = array<i32>} : memref<4x100x64xf32, #tpu.memory_space<vmem>>, vector<16xf32>,
      %add3A_1004 = arith.addf %add3A_980, %get3A_1003 : vector<16xf32>
      %get3A_1005 = arith.constant 30 : i32
      %get3A_1006 = arith.index_cast %rem3A_221 : i32 to index
      %get3A_1007 = arith.index_cast %get3A_1005 : i32 to index
      %get3A_1008 = arith.constant 32 : index
      %get3A_1009 = tpu.vector_load %arg11[%get3A_1006, %get3A_1007, %get3A_1008] {strides = array<i32>} : memref<4x100x64xf32, #tpu.memory_space<vmem>>, vector<16xf32>,
      %add3A_1010 = arith.addf %add3A_986, %get3A_1009 : vector<16xf32>
      %get3A_1011 = arith.constant 30 : i32
      %get3A_1012 = arith.index_cast %rem3A_221 : i32 to index
      %get3A_1013 = arith.index_cast %get3A_1011 : i32 to index
      %get3A_1014 = arith.constant 48 : index
      %get3A_1015 = tpu.vector_load %arg11[%get3A_1012, %get3A_1013, %get3A_1014] {strides = array<i32>} : memref<4x100x64xf32, #tpu.memory_space<vmem>>, vector<16xf32>,
      %add3A_1016 = arith.addf %add3A_992, %get3A_1015 : vector<16xf32>
      %get3A_1017 = arith.constant 31 : i32
      %get3A_1018 = arith.index_cast %rem3A_221 : i32 to index
      %get3A_1019 = arith.index_cast %get3A_1017 : i32 to index
      %get3A_1020 = arith.constant 0 : index
      %get3A_1021 = tpu.vector_load %arg11[%get3A_1018, %get3A_1019, %get3A_1020] {strides = array<i32>} : memref<4x100x64xf32, #tpu.memory_space<vmem>>, vector<16xf32>,
      %add3A_1022 = arith.addf %add3A_998, %get3A_1021 : vector<16xf32>
      %get3A_1023 = arith.constant 31 : i32
      %get3A_1024 = arith.index_cast %rem3A_221 : i32 to index
      %get3A_1025 = arith.index_cast %get3A_1023 : i32 to index
      %get3A_1026 = arith.constant 16 : index
      %get3A_1027 = tpu.vector_load %arg11[%get3A_1024, %get3A_1025, %get3A_1026] {strides = array<i32>} : memref<4x100x64xf32, #tpu.memory_space<vmem>>, vector<16xf32>,
      %add3A_1028 = arith.addf %add3A_1004, %get3A_1027 : vector<16xf32>
      %get3A_1029 = arith.constant 31 : i32
      %get3A_1030 = arith.index_cast %rem3A_221 : i32 to index
      %get3A_1031 = arith.index_cast %get3A_1029 : i32 to index
      %get3A_1032 = arith.constant 32 : index
      %get3A_1033 = tpu.vector_load %arg11[%get3A_1030, %get3A_1031, %get3A_1032] {strides = array<i32>} : memref<4x100x64xf32, #tpu.memory_space<vmem>>, vector<16xf32>,
      %add3A_1034 = arith.addf %add3A_1010, %get3A_1033 : vector<16xf32>
      %get3A_1035 = arith.constant 31 : i32
      %get3A_1036 = arith.index_cast %rem3A_221 : i32 to index
      %get3A_1037 = arith.index_cast %get3A_1035 : i32 to index
      %get3A_1038 = arith.constant 48 : index
      %get3A_1039 = tpu.vector_load %arg11[%get3A_1036, %get3A_1037, %get3A_1038] {strides = array<i32>} : memref<4x100x64xf32, #tpu.memory_space<vmem>>, vector<16xf32>,
      %add3A_1040 = arith.addf %add3A_1016, %get3A_1039 : vector<16xf32>
      %get3A_1041 = arith.constant 32 : i32
      %get3A_1042 = arith.index_cast %rem3A_221 : i32 to index
      %get3A_1043 = arith.index_cast %get3A_1041 : i32 to index
      %get3A_1044 = arith.constant 0 : index
      %get3A_1045 = tpu.vector_load %arg11[%get3A_1042, %get3A_1043, %get3A_1044] {strides = array<i32>} : memref<4x100x64xf32, #tpu.memory_space<vmem>>, vector<16xf32>,
      %add3A_1046 = arith.addf %add3A_1022, %get3A_1045 : vector<16xf32>
      %get3A_1047 = arith.constant 32 : i32
      %get3A_1048 = arith.index_cast %rem3A_221 : i32 to index
      %get3A_1049 = arith.index_cast %get3A_1047 : i32 to index
      %get3A_1050 = arith.constant 16 : index
      %get3A_1051 = tpu.vector_load %arg11[%get3A_1048, %get3A_1049, %get3A_1050] {strides = array<i32>} : memref<4x100x64xf32, #tpu.memory_space<vmem>>, vector<16xf32>,
      %add3A_1052 = arith.addf %add3A_1028, %get3A_1051 : vector<16xf32>
      %get3A_1053 = arith.constant 32 : i32
      %get3A_1054 = arith.index_cast %rem3A_221 : i32 to index
      %get3A_1055 = arith.index_cast %get3A_1053 : i32 to index
      %get3A_1056 = arith.constant 32 : index
      %get3A_1057 = tpu.vector_load %arg11[%get3A_1054, %get3A_1055, %get3A_1056] {strides = array<i32>} : memref<4x100x64xf32, #tpu.memory_space<vmem>>, vector<16xf32>,
      %add3A_1058 = arith.addf %add3A_1034, %get3A_1057 : vector<16xf32>
      %get3A_1059 = arith.constant 32 : i32
      %get3A_1060 = arith.index_cast %rem3A_221 : i32 to index
      %get3A_1061 = arith.index_cast %get3A_1059 : i32 to index
      %get3A_1062 = arith.constant 48 : index
      %get3A_1063 = tpu.vector_load %arg11[%get3A_1060, %get3A_1061, %get3A_1062] {strides = array<i32>} : memref<4x100x64xf32, #tpu.memory_space<vmem>>, vector<16xf32>,
      %add3A_1064 = arith.addf %add3A_1040, %get3A_1063 : vector<16xf32>
      %get3A_1065 = arith.constant 33 : i32
      %get3A_1066 = arith.index_cast %rem3A_221 : i32 to index
      %get3A_1067 = arith.index_cast %get3A_1065 : i32 to index
      %get3A_1068 = arith.constant 0 : index
      %get3A_1069 = tpu.vector_load %arg11[%get3A_1066, %get3A_1067, %get3A_1068] {strides = array<i32>} : memref<4x100x64xf32, #tpu.memory_space<vmem>>, vector<16xf32>,
      %add3A_1070 = arith.addf %add3A_1046, %get3A_1069 : vector<16xf32>
      %get3A_1071 = arith.constant 33 : i32
      %get3A_1072 = arith.index_cast %rem3A_221 : i32 to index
      %get3A_1073 = arith.index_cast %get3A_1071 : i32 to index
      %get3A_1074 = arith.constant 16 : index
      %get3A_1075 = tpu.vector_load %arg11[%get3A_1072, %get3A_1073, %get3A_1074] {strides = array<i32>} : memref<4x100x64xf32, #tpu.memory_space<vmem>>, vector<16xf32>,
      %add3A_1076 = arith.addf %add3A_1052, %get3A_1075 : vector<16xf32>
      %get3A_1077 = arith.constant 33 : i32
      %get3A_1078 = arith.index_cast %rem3A_221 : i32 to index
      %get3A_1079 = arith.index_cast %get3A_1077 : i32 to index
      %get3A_1080 = arith.constant 32 : index
      %get3A_1081 = tpu.vector_load %arg11[%get3A_1078, %get3A_1079, %get3A_1080] {strides = array<i32>} : memref<4x100x64xf32, #tpu.memory_space<vmem>>, vector<16xf32>,
      %add3A_1082 = arith.addf %add3A_1058, %get3A_1081 : vector<16xf32>
      %get3A_1083 = arith.constant 33 : i32
      %get3A_1084 = arith.index_cast %rem3A_221 : i32 to index
      %get3A_1085 = arith.index_cast %get3A_1083 : i32 to index
      %get3A_1086 = arith.constant 48 : index
      %get3A_1087 = tpu.vector_load %arg11[%get3A_1084, %get3A_1085, %get3A_1086] {strides = array<i32>} : memref<4x100x64xf32, #tpu.memory_space<vmem>>, vector<16xf32>,
      %add3A_1088 = arith.addf %add3A_1064, %get3A_1087 : vector<16xf32>
      %get3A_1089 = arith.constant 34 : i32
      %get3A_1090 = arith.index_cast %rem3A_221 : i32 to index
      %get3A_1091 = arith.index_cast %get3A_1089 : i32 to index
      %get3A_1092 = arith.constant 0 : index
      %get3A_1093 = tpu.vector_load %arg11[%get3A_1090, %get3A_1091, %get3A_1092] {strides = array<i32>} : memref<4x100x64xf32, #tpu.memory_space<vmem>>, vector<16xf32>,
      %add3A_1094 = arith.addf %add3A_1070, %get3A_1093 : vector<16xf32>
      %get3A_1095 = arith.constant 34 : i32
      %get3A_1096 = arith.index_cast %rem3A_221 : i32 to index
      %get3A_1097 = arith.index_cast %get3A_1095 : i32 to index
      %get3A_1098 = arith.constant 16 : index
      %get3A_1099 = tpu.vector_load %arg11[%get3A_1096, %get3A_1097, %get3A_1098] {strides = array<i32>} : memref<4x100x64xf32, #tpu.memory_space<vmem>>, vector<16xf32>,
      %add3A_1100 = arith.addf %add3A_1076, %get3A_1099 : vector<16xf32>
      %get3A_1101 = arith.constant 34 : i32
      %get3A_1102 = arith.index_cast %rem3A_221 : i32 to index
      %get3A_1103 = arith.index_cast %get3A_1101 : i32 to index
      %get3A_1104 = arith.constant 32 : index
      %get3A_1105 = tpu.vector_load %arg11[%get3A_1102, %get3A_1103, %get3A_1104] {strides = array<i32>} : memref<4x100x64xf32, #tpu.memory_space<vmem>>, vector<16xf32>,
      %add3A_1106 = arith.addf %add3A_1082, %get3A_1105 : vector<16xf32>
      %get3A_1107 = arith.constant 34 : i32
      %get3A_1108 = arith.index_cast %rem3A_221 : i32 to index
      %get3A_1109 = arith.index_cast %get3A_1107 : i32 to index
      %get3A_1110 = arith.constant 48 : index
      %get3A_1111 = tpu.vector_load %arg11[%get3A_1108, %get3A_1109, %get3A_1110] {strides = array<i32>} : memref<4x100x64xf32, #tpu.memory_space<vmem>>, vector<16xf32>,
      %add3A_1112 = arith.addf %add3A_1088, %get3A_1111 : vector<16xf32>
      %get3A_1113 = arith.constant 35 : i32
      %get3A_1114 = arith.index_cast %rem3A_221 : i32 to index
      %get3A_1115 = arith.index_cast %get3A_1113 : i32 to index
      %get3A_1116 = arith.constant 0 : index
      %get3A_1117 = tpu.vector_load %arg11[%get3A_1114, %get3A_1115, %get3A_1116] {strides = array<i32>} : memref<4x100x64xf32, #tpu.memory_space<vmem>>, vector<16xf32>,
      %add3A_1118 = arith.addf %add3A_1094, %get3A_1117 : vector<16xf32>
      %get3A_1119 = arith.constant 35 : i32
      %get3A_1120 = arith.index_cast %rem3A_221 : i32 to index
      %get3A_1121 = arith.index_cast %get3A_1119 : i32 to index
      %get3A_1122 = arith.constant 16 : index
      %get3A_1123 = tpu.vector_load %arg11[%get3A_1120, %get3A_1121, %get3A_1122] {strides = array<i32>} : memref<4x100x64xf32, #tpu.memory_space<vmem>>, vector<16xf32>,
      %add3A_1124 = arith.addf %add3A_1100, %get3A_1123 : vector<16xf32>
      %get3A_1125 = arith.constant 35 : i32
      %get3A_1126 = arith.index_cast %rem3A_221 : i32 to index
      %get3A_1127 = arith.index_cast %get3A_1125 : i32 to index
      %get3A_1128 = arith.constant 32 : index
      %get3A_1129 = tpu.vector_load %arg11[%get3A_1126, %get3A_1127, %get3A_1128] {strides = array<i32>} : memref<4x100x64xf32, #tpu.memory_space<vmem>>, vector<16xf32>,
      %add3A_1130 = arith.addf %add3A_1106, %get3A_1129 : vector<16xf32>
      %get3A_1131 = arith.constant 35 : i32
      %get3A_1132 = arith.index_cast %rem3A_221 : i32 to index
      %get3A_1133 = arith.index_cast %get3A_1131 : i32 to index
      %get3A_1134 = arith.constant 48 : index
      %get3A_1135 = tpu.vector_load %arg11[%get3A_1132, %get3A_1133, %get3A_1134] {strides = array<i32>} : memref<4x100x64xf32, #tpu.memory_space<vmem>>, vector<16xf32>,
      %add3A_1136 = arith.addf %add3A_1112, %get3A_1135 : vector<16xf32>
      %get3A_1137 = arith.constant 36 : i32
      %get3A_1138 = arith.index_cast %rem3A_221 : i32 to index
      %get3A_1139 = arith.index_cast %get3A_1137 : i32 to index
      %get3A_1140 = arith.constant 0 : index
      %get3A_1141 = tpu.vector_load %arg11[%get3A_1138, %get3A_1139, %get3A_1140] {strides = array<i32>} : memref<4x100x64xf32, #tpu.memory_space<vmem>>, vector<16xf32>,
      %add3A_1142 = arith.addf %add3A_1118, %get3A_1141 : vector<16xf32>
      %get3A_1143 = arith.constant 36 : i32
      %get3A_1144 = arith.index_cast %rem3A_221 : i32 to index
      %get3A_1145 = arith.index_cast %get3A_1143 : i32 to index
      %get3A_1146 = arith.constant 16 : index
      %get3A_1147 = tpu.vector_load %arg11[%get3A_1144, %get3A_1145, %get3A_1146] {strides = array<i32>} : memref<4x100x64xf32, #tpu.memory_space<vmem>>, vector<16xf32>,
      %add3A_1148 = arith.addf %add3A_1124, %get3A_1147 : vector<16xf32>
      %get3A_1149 = arith.constant 36 : i32
      %get3A_1150 = arith.index_cast %rem3A_221 : i32 to index
      %get3A_1151 = arith.index_cast %get3A_1149 : i32 to index
      %get3A_1152 = arith.constant 32 : index
      %get3A_1153 = tpu.vector_load %arg11[%get3A_1150, %get3A_1151, %get3A_1152] {strides = array<i32>} : memref<4x100x64xf32, #tpu.memory_space<vmem>>, vector<16xf32>,
      %add3A_1154 = arith.addf %add3A_1130, %get3A_1153 : vector<16xf32>
      %get3A_1155 = arith.constant 36 : i32
      %get3A_1156 = arith.index_cast %rem3A_221 : i32 to index
      %get3A_1157 = arith.index_cast %get3A_1155 : i32 to index
      %get3A_1158 = arith.constant 48 : index
      %get3A_1159 = tpu.vector_load %arg11[%get3A_1156, %get3A_1157, %get3A_1158] {strides = array<i32>} : memref<4x100x64xf32, #tpu.memory_space<vmem>>, vector<16xf32>,
      %add3A_1160 = arith.addf %add3A_1136, %get3A_1159 : vector<16xf32>
      %get3A_1161 = arith.constant 37 : i32
      %get3A_1162 = arith.index_cast %rem3A_221 : i32 to index
      %get3A_1163 = arith.index_cast %get3A_1161 : i32 to index
      %get3A_1164 = arith.constant 0 : index
      %get3A_1165 = tpu.vector_load %arg11[%get3A_1162, %get3A_1163, %get3A_1164] {strides = array<i32>} : memref<4x100x64xf32, #tpu.memory_space<vmem>>, vector<16xf32>,
      %add3A_1166 = arith.addf %add3A_1142, %get3A_1165 : vector<16xf32>
      %get3A_1167 = arith.constant 37 : i32
      %get3A_1168 = arith.index_cast %rem3A_221 : i32 to index
      %get3A_1169 = arith.index_cast %get3A_1167 : i32 to index
      %get3A_1170 = arith.constant 16 : index
      %get3A_1171 = tpu.vector_load %arg11[%get3A_1168, %get3A_1169, %get3A_1170] {strides = array<i32>} : memref<4x100x64xf32, #tpu.memory_space<vmem>>, vector<16xf32>,
      %add3A_1172 = arith.addf %add3A_1148, %get3A_1171 : vector<16xf32>
      %get3A_1173 = arith.constant 37 : i32
      %get3A_1174 = arith.index_cast %rem3A_221 : i32 to index
      %get3A_1175 = arith.index_cast %get3A_1173 : i32 to index
      %get3A_1176 = arith.constant 32 : index
      %get3A_1177 = tpu.vector_load %arg11[%get3A_1174, %get3A_1175, %get3A_1176] {strides = array<i32>} : memref<4x100x64xf32, #tpu.memory_space<vmem>>, vector<16xf32>,
      %add3A_1178 = arith.addf %add3A_1154, %get3A_1177 : vector<16xf32>
      %get3A_1179 = arith.constant 37 : i32
      %get3A_1180 = arith.index_cast %rem3A_221 : i32 to index
      %get3A_1181 = arith.index_cast %get3A_1179 : i32 to index
      %get3A_1182 = arith.constant 48 : index
      %get3A_1183 = tpu.vector_load %arg11[%get3A_1180, %get3A_1181, %get3A_1182] {strides = array<i32>} : memref<4x100x64xf32, #tpu.memory_space<vmem>>, vector<16xf32>,
      %add3A_1184 = arith.addf %add3A_1160, %get3A_1183 : vector<16xf32>
      %get3A_1185 = arith.constant 38 : i32
      %get3A_1186 = arith.index_cast %rem3A_221 : i32 to index
      %get3A_1187 = arith.index_cast %get3A_1185 : i32 to index
      %get3A_1188 = arith.constant 0 : index
      %get3A_1189 = tpu.vector_load %arg11[%get3A_1186, %get3A_1187, %get3A_1188] {strides = array<i32>} : memref<4x100x64xf32, #tpu.memory_space<vmem>>, vector<16xf32>,
      %add3A_1190 = arith.addf %add3A_1166, %get3A_1189 : vector<16xf32>
      %get3A_1191 = arith.constant 38 : i32
      %get3A_1192 = arith.index_cast %rem3A_221 : i32 to index
      %get3A_1193 = arith.index_cast %get3A_1191 : i32 to index
      %get3A_1194 = arith.constant 16 : index
      %get3A_1195 = tpu.vector_load %arg11[%get3A_1192, %get3A_1193, %get3A_1194] {strides = array<i32>} : memref<4x100x64xf32, #tpu.memory_space<vmem>>, vector<16xf32>,
      %add3A_1196 = arith.addf %add3A_1172, %get3A_1195 : vector<16xf32>
      %get3A_1197 = arith.constant 38 : i32
      %get3A_1198 = arith.index_cast %rem3A_221 : i32 to index
      %get3A_1199 = arith.index_cast %get3A_1197 : i32 to index
      %get3A_1200 = arith.constant 32 : index
      %get3A_1201 = tpu.vector_load %arg11[%get3A_1198, %get3A_1199, %get3A_1200] {strides = array<i32>} : memref<4x100x64xf32, #tpu.memory_space<vmem>>, vector<16xf32>,
      %add3A_1202 = arith.addf %add3A_1178, %get3A_1201 : vector<16xf32>
      %get3A_1203 = arith.constant 38 : i32
      %get3A_1204 = arith.index_cast %rem3A_221 : i32 to index
      %get3A_1205 = arith.index_cast %get3A_1203 : i32 to index
      %get3A_1206 = arith.constant 48 : index
      %get3A_1207 = tpu.vector_load %arg11[%get3A_1204, %get3A_1205, %get3A_1206] {strides = array<i32>} : memref<4x100x64xf32, #tpu.memory_space<vmem>>, vector<16xf32>,
      %add3A_1208 = arith.addf %add3A_1184, %get3A_1207 : vector<16xf32>
      %get3A_1209 = arith.constant 39 : i32
      %get3A_1210 = arith.index_cast %rem3A_221 : i32 to index
      %get3A_1211 = arith.index_cast %get3A_1209 : i32 to index
      %get3A_1212 = arith.constant 0 : index
      %get3A_1213 = tpu.vector_load %arg11[%get3A_1210, %get3A_1211, %get3A_1212] {strides = array<i32>} : memref<4x100x64xf32, #tpu.memory_space<vmem>>, vector<16xf32>,
      %add3A_1214 = arith.addf %add3A_1190, %get3A_1213 : vector<16xf32>
      %get3A_1215 = arith.constant 39 : i32
      %get3A_1216 = arith.index_cast %rem3A_221 : i32 to index
      %get3A_1217 = arith.index_cast %get3A_1215 : i32 to index
      %get3A_1218 = arith.constant 16 : index
      %get3A_1219 = tpu.vector_load %arg11[%get3A_1216, %get3A_1217, %get3A_1218] {strides = array<i32>} : memref<4x100x64xf32, #tpu.memory_space<vmem>>, vector<16xf32>,
      %add3A_1220 = arith.addf %add3A_1196, %get3A_1219 : vector<16xf32>
      %get3A_1221 = arith.constant 39 : i32
      %get3A_1222 = arith.index_cast %rem3A_221 : i32 to index
      %get3A_1223 = arith.index_cast %get3A_1221 : i32 to index
      %get3A_1224 = arith.constant 32 : index
      %get3A_1225 = tpu.vector_load %arg11[%get3A_1222, %get3A_1223, %get3A_1224] {strides = array<i32>} : memref<4x100x64xf32, #tpu.memory_space<vmem>>, vector<16xf32>,
      %add3A_1226 = arith.addf %add3A_1202, %get3A_1225 : vector<16xf32>
      %get3A_1227 = arith.constant 39 : i32
      %get3A_1228 = arith.index_cast %rem3A_221 : i32 to index
      %get3A_1229 = arith.index_cast %get3A_1227 : i32 to index
      %get3A_1230 = arith.constant 48 : index
      %get3A_1231 = tpu.vector_load %arg11[%get3A_1228, %get3A_1229, %get3A_1230] {strides = array<i32>} : memref<4x100x64xf32, #tpu.memory_space<vmem>>, vector<16xf32>,
      %add3A_1232 = arith.addf %add3A_1208, %get3A_1231 : vector<16xf32>
      %get3A_1233 = arith.constant 40 : i32
      %get3A_1234 = arith.index_cast %rem3A_221 : i32 to index
      %get3A_1235 = arith.index_cast %get3A_1233 : i32 to index
      %get3A_1236 = arith.constant 0 : index
      %get3A_1237 = tpu.vector_load %arg11[%get3A_1234, %get3A_1235, %get3A_1236] {strides = array<i32>} : memref<4x100x64xf32, #tpu.memory_space<vmem>>, vector<16xf32>,
      %add3A_1238 = arith.addf %add3A_1214, %get3A_1237 : vector<16xf32>
      %get3A_1239 = arith.constant 40 : i32
      %get3A_1240 = arith.index_cast %rem3A_221 : i32 to index
      %get3A_1241 = arith.index_cast %get3A_1239 : i32 to index
      %get3A_1242 = arith.constant 16 : index
      %get3A_1243 = tpu.vector_load %arg11[%get3A_1240, %get3A_1241, %get3A_1242] {strides = array<i32>} : memref<4x100x64xf32, #tpu.memory_space<vmem>>, vector<16xf32>,
      %add3A_1244 = arith.addf %add3A_1220, %get3A_1243 : vector<16xf32>
      %get3A_1245 = arith.constant 40 : i32
      %get3A_1246 = arith.index_cast %rem3A_221 : i32 to index
      %get3A_1247 = arith.index_cast %get3A_1245 : i32 to index
      %get3A_1248 = arith.constant 32 : index
      %get3A_1249 = tpu.vector_load %arg11[%get3A_1246, %get3A_1247, %get3A_1248] {strides = array<i32>} : memref<4x100x64xf32, #tpu.memory_space<vmem>>, vector<16xf32>,
      %add3A_1250 = arith.addf %add3A_1226, %get3A_1249 : vector<16xf32>
      %get3A_1251 = arith.constant 40 : i32
      %get3A_1252 = arith.index_cast %rem3A_221 : i32 to index
      %get3A_1253 = arith.index_cast %get3A_1251 : i32 to index
      %get3A_1254 = arith.constant 48 : index
      %get3A_1255 = tpu.vector_load %arg11[%get3A_1252, %get3A_1253, %get3A_1254] {strides = array<i32>} : memref<4x100x64xf32, #tpu.memory_space<vmem>>, vector<16xf32>,
      %add3A_1256 = arith.addf %add3A_1232, %get3A_1255 : vector<16xf32>
      %get3A_1257 = arith.constant 41 : i32
      %get3A_1258 = arith.index_cast %rem3A_221 : i32 to index
      %get3A_1259 = arith.index_cast %get3A_1257 : i32 to index
      %get3A_1260 = arith.constant 0 : index
      %get3A_1261 = tpu.vector_load %arg11[%get3A_1258, %get3A_1259, %get3A_1260] {strides = array<i32>} : memref<4x100x64xf32, #tpu.memory_space<vmem>>, vector<16xf32>,
      %add3A_1262 = arith.addf %add3A_1238, %get3A_1261 : vector<16xf32>
      %get3A_1263 = arith.constant 41 : i32
      %get3A_1264 = arith.index_cast %rem3A_221 : i32 to index
      %get3A_1265 = arith.index_cast %get3A_1263 : i32 to index
      %get3A_1266 = arith.constant 16 : index
      %get3A_1267 = tpu.vector_load %arg11[%get3A_1264, %get3A_1265, %get3A_1266] {strides = array<i32>} : memref<4x100x64xf32, #tpu.memory_space<vmem>>, vector<16xf32>,
      %add3A_1268 = arith.addf %add3A_1244, %get3A_1267 : vector<16xf32>
      %get3A_1269 = arith.constant 41 : i32
      %get3A_1270 = arith.index_cast %rem3A_221 : i32 to index
      %get3A_1271 = arith.index_cast %get3A_1269 : i32 to index
      %get3A_1272 = arith.constant 32 : index
      %get3A_1273 = tpu.vector_load %arg11[%get3A_1270, %get3A_1271, %get3A_1272] {strides = array<i32>} : memref<4x100x64xf32, #tpu.memory_space<vmem>>, vector<16xf32>,
      %add3A_1274 = arith.addf %add3A_1250, %get3A_1273 : vector<16xf32>
      %get3A_1275 = arith.constant 41 : i32
      %get3A_1276 = arith.index_cast %rem3A_221 : i32 to index
      %get3A_1277 = arith.index_cast %get3A_1275 : i32 to index
      %get3A_1278 = arith.constant 48 : index
      %get3A_1279 = tpu.vector_load %arg11[%get3A_1276, %get3A_1277, %get3A_1278] {strides = array<i32>} : memref<4x100x64xf32, #tpu.memory_space<vmem>>, vector<16xf32>,
      %add3A_1280 = arith.addf %add3A_1256, %get3A_1279 : vector<16xf32>
      %get3A_1281 = arith.constant 42 : i32
      %get3A_1282 = arith.index_cast %rem3A_221 : i32 to index
      %get3A_1283 = arith.index_cast %get3A_1281 : i32 to index
      %get3A_1284 = arith.constant 0 : index
      %get3A_1285 = tpu.vector_load %arg11[%get3A_1282, %get3A_1283, %get3A_1284] {strides = array<i32>} : memref<4x100x64xf32, #tpu.memory_space<vmem>>, vector<16xf32>,
      %add3A_1286 = arith.addf %add3A_1262, %get3A_1285 : vector<16xf32>
      %get3A_1287 = arith.constant 42 : i32
      %get3A_1288 = arith.index_cast %rem3A_221 : i32 to index
      %get3A_1289 = arith.index_cast %get3A_1287 : i32 to index
      %get3A_1290 = arith.constant 16 : index
      %get3A_1291 = tpu.vector_load %arg11[%get3A_1288, %get3A_1289, %get3A_1290] {strides = array<i32>} : memref<4x100x64xf32, #tpu.memory_space<vmem>>, vector<16xf32>,
      %add3A_1292 = arith.addf %add3A_1268, %get3A_1291 : vector<16xf32>
      %get3A_1293 = arith.constant 42 : i32
      %get3A_1294 = arith.index_cast %rem3A_221 : i32 to index
      %get3A_1295 = arith.index_cast %get3A_1293 : i32 to index
      %get3A_1296 = arith.constant 32 : index
      %get3A_1297 = tpu.vector_load %arg11[%get3A_1294, %get3A_1295, %get3A_1296] {strides = array<i32>} : memref<4x100x64xf32, #tpu.memory_space<vmem>>, vector<16xf32>,
      %add3A_1298 = arith.addf %add3A_1274, %get3A_1297 : vector<16xf32>
      %get3A_1299 = arith.constant 42 : i32
      %get3A_1300 = arith.index_cast %rem3A_221 : i32 to index
      %get3A_1301 = arith.index_cast %get3A_1299 : i32 to index
      %get3A_1302 = arith.constant 48 : index
      %get3A_1303 = tpu.vector_load %arg11[%get3A_1300, %get3A_1301, %get3A_1302] {strides = array<i32>} : memref<4x100x64xf32, #tpu.memory_space<vmem>>, vector<16xf32>,
      %add3A_1304 = arith.addf %add3A_1280, %get3A_1303 : vector<16xf32>
      %get3A_1305 = arith.constant 43 : i32
      %get3A_1306 = arith.index_cast %rem3A_221 : i32 to index
      %get3A_1307 = arith.index_cast %get3A_1305 : i32 to index
      %get3A_1308 = arith.constant 0 : index
      %get3A_1309 = tpu.vector_load %arg11[%get3A_1306, %get3A_1307, %get3A_1308] {strides = array<i32>} : memref<4x100x64xf32, #tpu.memory_space<vmem>>, vector<16xf32>,
      %add3A_1310 = arith.addf %add3A_1286, %get3A_1309 : vector<16xf32>
      %get3A_1311 = arith.constant 43 : i32
      %get3A_1312 = arith.index_cast %rem3A_221 : i32 to index
      %get3A_1313 = arith.index_cast %get3A_1311 : i32 to index
      %get3A_1314 = arith.constant 16 : index
      %get3A_1315 = tpu.vector_load %arg11[%get3A_1312, %get3A_1313, %get3A_1314] {strides = array<i32>} : memref<4x100x64xf32, #tpu.memory_space<vmem>>, vector<16xf32>,
      %add3A_1316 = arith.addf %add3A_1292, %get3A_1315 : vector<16xf32>
      %get3A_1317 = arith.constant 43 : i32
      %get3A_1318 = arith.index_cast %rem3A_221 : i32 to index
      %get3A_1319 = arith.index_cast %get3A_1317 : i32 to index
      %get3A_1320 = arith.constant 32 : index
      %get3A_1321 = tpu.vector_load %arg11[%get3A_1318, %get3A_1319, %get3A_1320] {strides = array<i32>} : memref<4x100x64xf32, #tpu.memory_space<vmem>>, vector<16xf32>,
      %add3A_1322 = arith.addf %add3A_1298, %get3A_1321 : vector<16xf32>
      %get3A_1323 = arith.constant 43 : i32
      %get3A_1324 = arith.index_cast %rem3A_221 : i32 to index
      %get3A_1325 = arith.index_cast %get3A_1323 : i32 to index
      %get3A_1326 = arith.constant 48 : index
      %get3A_1327 = tpu.vector_load %arg11[%get3A_1324, %get3A_1325, %get3A_1326] {strides = array<i32>} : memref<4x100x64xf32, #tpu.memory_space<vmem>>, vector<16xf32>,
      %add3A_1328 = arith.addf %add3A_1304, %get3A_1327 : vector<16xf32>
      %get3A_1329 = arith.constant 44 : i32
      %get3A_1330 = arith.index_cast %rem3A_221 : i32 to index
      %get3A_1331 = arith.index_cast %get3A_1329 : i32 to index
      %get3A_1332 = arith.constant 0 : index
      %get3A_1333 = tpu.vector_load %arg11[%get3A_1330, %get3A_1331, %get3A_1332] {strides = array<i32>} : memref<4x100x64xf32, #tpu.memory_space<vmem>>, vector<16xf32>,
      %add3A_1334 = arith.addf %add3A_1310, %get3A_1333 : vector<16xf32>
      %get3A_1335 = arith.constant 44 : i32
      %get3A_1336 = arith.index_cast %rem3A_221 : i32 to index
      %get3A_1337 = arith.index_cast %get3A_1335 : i32 to index
      %get3A_1338 = arith.constant 16 : index
      %get3A_1339 = tpu.vector_load %arg11[%get3A_1336, %get3A_1337, %get3A_1338] {strides = array<i32>} : memref<4x100x64xf32, #tpu.memory_space<vmem>>, vector<16xf32>,
      %add3A_1340 = arith.addf %add3A_1316, %get3A_1339 : vector<16xf32>
      %get3A_1341 = arith.constant 44 : i32
      %get3A_1342 = arith.index_cast %rem3A_221 : i32 to index
      %get3A_1343 = arith.index_cast %get3A_1341 : i32 to index
      %get3A_1344 = arith.constant 32 : index
      %get3A_1345 = tpu.vector_load %arg11[%get3A_1342, %get3A_1343, %get3A_1344] {strides = array<i32>} : memref<4x100x64xf32, #tpu.memory_space<vmem>>, vector<16xf32>,
      %add3A_1346 = arith.addf %add3A_1322, %get3A_1345 : vector<16xf32>
      %get3A_1347 = arith.constant 44 : i32
      %get3A_1348 = arith.index_cast %rem3A_221 : i32 to index
      %get3A_1349 = arith.index_cast %get3A_1347 : i32 to index
      %get3A_1350 = arith.constant 48 : index
      %get3A_1351 = tpu.vector_load %arg11[%get3A_1348, %get3A_1349, %get3A_1350] {strides = array<i32>} : memref<4x100x64xf32, #tpu.memory_space<vmem>>, vector<16xf32>,
      %add3A_1352 = arith.addf %add3A_1328, %get3A_1351 : vector<16xf32>
      %get3A_1353 = arith.constant 45 : i32
      %get3A_1354 = arith.index_cast %rem3A_221 : i32 to index
      %get3A_1355 = arith.index_cast %get3A_1353 : i32 to index
      %get3A_1356 = arith.constant 0 : index
      %get3A_1357 = tpu.vector_load %arg11[%get3A_1354, %get3A_1355, %get3A_1356] {strides = array<i32>} : memref<4x100x64xf32, #tpu.memory_space<vmem>>, vector<16xf32>,
      %add3A_1358 = arith.addf %add3A_1334, %get3A_1357 : vector<16xf32>
      %get3A_1359 = arith.constant 45 : i32
      %get3A_1360 = arith.index_cast %rem3A_221 : i32 to index
      %get3A_1361 = arith.index_cast %get3A_1359 : i32 to index
      %get3A_1362 = arith.constant 16 : index
      %get3A_1363 = tpu.vector_load %arg11[%get3A_1360, %get3A_1361, %get3A_1362] {strides = array<i32>} : memref<4x100x64xf32, #tpu.memory_space<vmem>>, vector<16xf32>,
      %add3A_1364 = arith.addf %add3A_1340, %get3A_1363 : vector<16xf32>
      %get3A_1365 = arith.constant 45 : i32
      %get3A_1366 = arith.index_cast %rem3A_221 : i32 to index
      %get3A_1367 = arith.index_cast %get3A_1365 : i32 to index
      %get3A_1368 = arith.constant 32 : index
      %get3A_1369 = tpu.vector_load %arg11[%get3A_1366, %get3A_1367, %get3A_1368] {strides = array<i32>} : memref<4x100x64xf32, #tpu.memory_space<vmem>>, vector<16xf32>,
      %add3A_1370 = arith.addf %add3A_1346, %get3A_1369 : vector<16xf32>
      %get3A_1371 = arith.constant 45 : i32
      %get3A_1372 = arith.index_cast %rem3A_221 : i32 to index
      %get3A_1373 = arith.index_cast %get3A_1371 : i32 to index
      %get3A_1374 = arith.constant 48 : index
      %get3A_1375 = tpu.vector_load %arg11[%get3A_1372, %get3A_1373, %get3A_1374] {strides = array<i32>} : memref<4x100x64xf32, #tpu.memory_space<vmem>>, vector<16xf32>,
      %add3A_1376 = arith.addf %add3A_1352, %get3A_1375 : vector<16xf32>
      %get3A_1377 = arith.constant 46 : i32
      %get3A_1378 = arith.index_cast %rem3A_221 : i32 to index
      %get3A_1379 = arith.index_cast %get3A_1377 : i32 to index
      %get3A_1380 = arith.constant 0 : index
      %get3A_1381 = tpu.vector_load %arg11[%get3A_1378, %get3A_1379, %get3A_1380] {strides = array<i32>} : memref<4x100x64xf32, #tpu.memory_space<vmem>>, vector<16xf32>,
      %add3A_1382 = arith.addf %add3A_1358, %get3A_1381 : vector<16xf32>
      %get3A_1383 = arith.constant 46 : i32
      %get3A_1384 = arith.index_cast %rem3A_221 : i32 to index
      %get3A_1385 = arith.index_cast %get3A_1383 : i32 to index
      %get3A_1386 = arith.constant 16 : index
      %get3A_1387 = tpu.vector_load %arg11[%get3A_1384, %get3A_1385, %get3A_1386] {strides = array<i32>} : memref<4x100x64xf32, #tpu.memory_space<vmem>>, vector<16xf32>,
      %add3A_1388 = arith.addf %add3A_1364, %get3A_1387 : vector<16xf32>
      %get3A_1389 = arith.constant 46 : i32
      %get3A_1390 = arith.index_cast %rem3A_221 : i32 to index
      %get3A_1391 = arith.index_cast %get3A_1389 : i32 to index
      %get3A_1392 = arith.constant 32 : index
      %get3A_1393 = tpu.vector_load %arg11[%get3A_1390, %get3A_1391, %get3A_1392] {strides = array<i32>} : memref<4x100x64xf32, #tpu.memory_space<vmem>>, vector<16xf32>,
      %add3A_1394 = arith.addf %add3A_1370, %get3A_1393 : vector<16xf32>
      %get3A_1395 = arith.constant 46 : i32
      %get3A_1396 = arith.index_cast %rem3A_221 : i32 to index
      %get3A_1397 = arith.index_cast %get3A_1395 : i32 to index
      %get3A_1398 = arith.constant 48 : index
      %get3A_1399 = tpu.vector_load %arg11[%get3A_1396, %get3A_1397, %get3A_1398] {strides = array<i32>} : memref<4x100x64xf32, #tpu.memory_space<vmem>>, vector<16xf32>,
      %add3A_1400 = arith.addf %add3A_1376, %get3A_1399 : vector<16xf32>
      %get3A_1401 = arith.constant 47 : i32
      %get3A_1402 = arith.index_cast %rem3A_221 : i32 to index
      %get3A_1403 = arith.index_cast %get3A_1401 : i32 to index
      %get3A_1404 = arith.constant 0 : index
      %get3A_1405 = tpu.vector_load %arg11[%get3A_1402, %get3A_1403, %get3A_1404] {strides = array<i32>} : memref<4x100x64xf32, #tpu.memory_space<vmem>>, vector<16xf32>,
      %add3A_1406 = arith.addf %add3A_1382, %get3A_1405 : vector<16xf32>
      %get3A_1407 = arith.constant 47 : i32
      %get3A_1408 = arith.index_cast %rem3A_221 : i32 to index
      %get3A_1409 = arith.index_cast %get3A_1407 : i32 to index
      %get3A_1410 = arith.constant 16 : index
      %get3A_1411 = tpu.vector_load %arg11[%get3A_1408, %get3A_1409, %get3A_1410] {strides = array<i32>} : memref<4x100x64xf32, #tpu.memory_space<vmem>>, vector<16xf32>,
      %add3A_1412 = arith.addf %add3A_1388, %get3A_1411 : vector<16xf32>
      %get3A_1413 = arith.constant 47 : i32
      %get3A_1414 = arith.index_cast %rem3A_221 : i32 to index
      %get3A_1415 = arith.index_cast %get3A_1413 : i32 to index
      %get3A_1416 = arith.constant 32 : index
      %get3A_1417 = tpu.vector_load %arg11[%get3A_1414, %get3A_1415, %get3A_1416] {strides = array<i32>} : memref<4x100x64xf32, #tpu.memory_space<vmem>>, vector<16xf32>,
      %add3A_1418 = arith.addf %add3A_1394, %get3A_1417 : vector<16xf32>
      %get3A_1419 = arith.constant 47 : i32
      %get3A_1420 = arith.index_cast %rem3A_221 : i32 to index
      %get3A_1421 = arith.index_cast %get3A_1419 : i32 to index
      %get3A_1422 = arith.constant 48 : index
      %get3A_1423 = tpu.vector_load %arg11[%get3A_1420, %get3A_1421, %get3A_1422] {strides = array<i32>} : memref<4x100x64xf32, #tpu.memory_space<vmem>>, vector<16xf32>,
      %add3A_1424 = arith.addf %add3A_1400, %get3A_1423 : vector<16xf32>
      %get3A_1425 = arith.constant 48 : i32
      %get3A_1426 = arith.index_cast %rem3A_221 : i32 to index
      %get3A_1427 = arith.index_cast %get3A_1425 : i32 to index
      %get3A_1428 = arith.constant 0 : index
      %get3A_1429 = tpu.vector_load %arg11[%get3A_1426, %get3A_1427, %get3A_1428] {strides = array<i32>} : memref<4x100x64xf32, #tpu.memory_space<vmem>>, vector<16xf32>,
      %add3A_1430 = arith.addf %add3A_1406, %get3A_1429 : vector<16xf32>
      %get3A_1431 = arith.constant 48 : i32
      %get3A_1432 = arith.index_cast %rem3A_221 : i32 to index
      %get3A_1433 = arith.index_cast %get3A_1431 : i32 to index
      %get3A_1434 = arith.constant 16 : index
      %get3A_1435 = tpu.vector_load %arg11[%get3A_1432, %get3A_1433, %get3A_1434] {strides = array<i32>} : memref<4x100x64xf32, #tpu.memory_space<vmem>>, vector<16xf32>,
      %add3A_1436 = arith.addf %add3A_1412, %get3A_1435 : vector<16xf32>
      %get3A_1437 = arith.constant 48 : i32
      %get3A_1438 = arith.index_cast %rem3A_221 : i32 to index
      %get3A_1439 = arith.index_cast %get3A_1437 : i32 to index
      %get3A_1440 = arith.constant 32 : index
      %get3A_1441 = tpu.vector_load %arg11[%get3A_1438, %get3A_1439, %get3A_1440] {strides = array<i32>} : memref<4x100x64xf32, #tpu.memory_space<vmem>>, vector<16xf32>,
      %add3A_1442 = arith.addf %add3A_1418, %get3A_1441 : vector<16xf32>
      %get3A_1443 = arith.constant 48 : i32
      %get3A_1444 = arith.index_cast %rem3A_221 : i32 to index
      %get3A_1445 = arith.index_cast %get3A_1443 : i32 to index
      %get3A_1446 = arith.constant 48 : index
      %get3A_1447 = tpu.vector_load %arg11[%get3A_1444, %get3A_1445, %get3A_1446] {strides = array<i32>} : memref<4x100x64xf32, #tpu.memory_space<vmem>>, vector<16xf32>,
      %add3A_1448 = arith.addf %add3A_1424, %get3A_1447 : vector<16xf32>
      %get3A_1449 = arith.constant 49 : i32
      %get3A_1450 = arith.index_cast %rem3A_221 : i32 to index
      %get3A_1451 = arith.index_cast %get3A_1449 : i32 to index
      %get3A_1452 = arith.constant 0 : index
      %get3A_1453 = tpu.vector_load %arg11[%get3A_1450, %get3A_1451, %get3A_1452] {strides = array<i32>} : memref<4x100x64xf32, #tpu.memory_space<vmem>>, vector<16xf32>,
      %add3A_1454 = arith.addf %add3A_1430, %get3A_1453 : vector<16xf32>
      %get3A_1455 = arith.constant 49 : i32
      %get3A_1456 = arith.index_cast %rem3A_221 : i32 to index
      %get3A_1457 = arith.index_cast %get3A_1455 : i32 to index
      %get3A_1458 = arith.constant 16 : index
      %get3A_1459 = tpu.vector_load %arg11[%get3A_1456, %get3A_1457, %get3A_1458] {strides = array<i32>} : memref<4x100x64xf32, #tpu.memory_space<vmem>>, vector<16xf32>,
      %add3A_1460 = arith.addf %add3A_1436, %get3A_1459 : vector<16xf32>
      %get3A_1461 = arith.constant 49 : i32
      %get3A_1462 = arith.index_cast %rem3A_221 : i32 to index
      %get3A_1463 = arith.index_cast %get3A_1461 : i32 to index
      %get3A_1464 = arith.constant 32 : index
      %get3A_1465 = tpu.vector_load %arg11[%get3A_1462, %get3A_1463, %get3A_1464] {strides = array<i32>} : memref<4x100x64xf32, #tpu.memory_space<vmem>>, vector<16xf32>,
      %add3A_1466 = arith.addf %add3A_1442, %get3A_1465 : vector<16xf32>
      %get3A_1467 = arith.constant 49 : i32
      %get3A_1468 = arith.index_cast %rem3A_221 : i32 to index
      %get3A_1469 = arith.index_cast %get3A_1467 : i32 to index
      %get3A_1470 = arith.constant 48 : index
      %get3A_1471 = tpu.vector_load %arg11[%get3A_1468, %get3A_1469, %get3A_1470] {strides = array<i32>} : memref<4x100x64xf32, #tpu.memory_space<vmem>>, vector<16xf32>,
      %add3A_1472 = arith.addf %add3A_1448, %get3A_1471 : vector<16xf32>
      %mul3A_1473 = arith.constant 64 : i32
      %mul3A_1474 = arith.muli %add3A_257, %mul3A_1473 : i32
      %add3A_1475 = arith.constant 0 : i32
      %add3A_1476 = arith.addi %mul3A_1474, %add3A_1475 : i32
      %swap3A = arith.index_cast %rem3A_223 : i32 to index
      %swap3A_1477 = arith.index_cast %add3A_1476 : i32 to index
      %swap3A_1478 = tpu.vector_load %arg10[%swap3A, %swap3A_1477] {strides = array<i32>} : memref<2x1664xf32, #tpu.memory_space<vmem>>, vector<16xf32>,
      tpu.vector_store %arg10[%swap3A, %swap3A_1477], %add3A_1454 {strides = array<i32>} : memref<2x1664xf32, #tpu.memory_space<vmem>>, vector<16xf32>,
      %mul3A_1479 = arith.mulf %add3A_1454, %add3A_1454 : vector<16xf32>
      %add3A_1480 = arith.addf %select_n3A_253, %mul3A_1479 : vector<16xf32>
      %add3A_1481 = arith.constant 16 : i32
      %add3A_1482 = arith.addi %mul3A_1474, %add3A_1481 : i32
      %swap3A_1483 = arith.index_cast %rem3A_223 : i32 to index
      %swap3A_1484 = arith.index_cast %add3A_1482 : i32 to index
      %swap3A_1485 = tpu.vector_load %arg10[%swap3A_1483, %swap3A_1484] {strides = array<i32>} : memref<2x1664xf32, #tpu.memory_space<vmem>>, vector<16xf32>,
      tpu.vector_store %arg10[%swap3A_1483, %swap3A_1484], %add3A_1460 {strides = array<i32>} : memref<2x1664xf32, #tpu.memory_space<vmem>>, vector<16xf32>,
      %mul3A_1486 = arith.mulf %add3A_1460, %add3A_1460 : vector<16xf32>
      %add3A_1487 = arith.addf %add3A_1480, %mul3A_1486 : vector<16xf32>
      %add3A_1488 = arith.constant 32 : i32
      %add3A_1489 = arith.addi %mul3A_1474, %add3A_1488 : i32
      %swap3A_1490 = arith.index_cast %rem3A_223 : i32 to index
      %swap3A_1491 = arith.index_cast %add3A_1489 : i32 to index
      %swap3A_1492 = tpu.vector_load %arg10[%swap3A_1490, %swap3A_1491] {strides = array<i32>} : memref<2x1664xf32, #tpu.memory_space<vmem>>, vector<16xf32>,
      tpu.vector_store %arg10[%swap3A_1490, %swap3A_1491], %add3A_1466 {strides = array<i32>} : memref<2x1664xf32, #tpu.memory_space<vmem>>, vector<16xf32>,
      %mul3A_1493 = arith.mulf %add3A_1466, %add3A_1466 : vector<16xf32>
      %add3A_1494 = arith.addf %add3A_1487, %mul3A_1493 : vector<16xf32>
      %add3A_1495 = arith.constant 48 : i32
      %add3A_1496 = arith.addi %mul3A_1474, %add3A_1495 : i32
      %swap3A_1497 = arith.index_cast %rem3A_223 : i32 to index
      %swap3A_1498 = arith.index_cast %add3A_1496 : i32 to index
      %swap3A_1499 = tpu.vector_load %arg10[%swap3A_1497, %swap3A_1498] {strides = array<i32>} : memref<2x1664xf32, #tpu.memory_space<vmem>>, vector<16xf32>,
      tpu.vector_store %arg10[%swap3A_1497, %swap3A_1498], %add3A_1472 {strides = array<i32>} : memref<2x1664xf32, #tpu.memory_space<vmem>>, vector<16xf32>,
      %mul3A_1500 = arith.mulf %add3A_1472, %add3A_1472 : vector<16xf32>
      %add3A_1501 = arith.addf %add3A_1494, %mul3A_1500 : vector<16xf32>
      %mul3A_1502 = arith.constant 2 : i32
      %mul3A_1503 = arith.muli %mul3A_1502, %sub3A_219 : i32
      %add3A_1504 = arith.constant 1 : i32
      %add3A_1505 = arith.addi %mul3A_1503, %add3A_1504 : i32
      %get3A_1506 = arith.index_cast %rem3A_223 : i32 to index
      %get3A_1507 = arith.index_cast %add3A_1505 : i32 to index
      %get3A_1508 = arith.constant 0 : index
      %get3A_1509 = tpu.vector_load %arg9[%get3A_1506, %get3A_1507, %get3A_1508] {strides = array<i32>} : memref<2x26x64xf32, #tpu.memory_space<vmem>>, vector<16xf32>,
      %get3A_1510 = arith.index_cast %rem3A_223 : i32 to index
      %get3A_1511 = arith.index_cast %add3A_1505 : i32 to index
      %get3A_1512 = arith.constant 16 : index
      %get3A_1513 = tpu.vector_load %arg9[%get3A_1510, %get3A_1511, %get3A_1512] {strides = array<i32>} : memref<2x26x64xf32, #tpu.memory_space<vmem>>, vector<16xf32>,
      %get3A_1514 = arith.index_cast %rem3A_223 : i32 to index
      %get3A_1515 = arith.index_cast %add3A_1505 : i32 to index
      %get3A_1516 = arith.constant 32 : index
      %get3A_1517 = tpu.vector_load %arg9[%get3A_1514, %get3A_1515, %get3A_1516] {strides = array<i32>} : memref<2x26x64xf32, #tpu.memory_space<vmem>>, vector<16xf32>,
      %get3A_1518 = arith.index_cast %rem3A_223 : i32 to index
      %get3A_1519 = arith.index_cast %add3A_1505 : i32 to index
      %get3A_1520 = arith.constant 48 : index
      %get3A_1521 = tpu.vector_load %arg9[%get3A_1518, %get3A_1519, %get3A_1520] {strides = array<i32>} : memref<2x26x64xf32, #tpu.memory_space<vmem>>, vector<16xf32>,
      %get3A_1522 = arith.constant 50 : i32
      %get3A_1523 = arith.index_cast %rem3A_221 : i32 to index
      %get3A_1524 = arith.index_cast %get3A_1522 : i32 to index
      %get3A_1525 = arith.constant 0 : index
      %get3A_1526 = tpu.vector_load %arg11[%get3A_1523, %get3A_1524, %get3A_1525] {strides = array<i32>} : memref<4x100x64xf32, #tpu.memory_space<vmem>>, vector<16xf32>,
      %add3A_1527 = arith.addf %get3A_1509, %get3A_1526 : vector<16xf32>
      %get3A_1528 = arith.constant 50 : i32
      %get3A_1529 = arith.index_cast %rem3A_221 : i32 to index
      %get3A_1530 = arith.index_cast %get3A_1528 : i32 to index
      %get3A_1531 = arith.constant 16 : index
      %get3A_1532 = tpu.vector_load %arg11[%get3A_1529, %get3A_1530, %get3A_1531] {strides = array<i32>} : memref<4x100x64xf32, #tpu.memory_space<vmem>>, vector<16xf32>,
      %add3A_1533 = arith.addf %get3A_1513, %get3A_1532 : vector<16xf32>
      %get3A_1534 = arith.constant 50 : i32
      %get3A_1535 = arith.index_cast %rem3A_221 : i32 to index
      %get3A_1536 = arith.index_cast %get3A_1534 : i32 to index
      %get3A_1537 = arith.constant 32 : index
      %get3A_1538 = tpu.vector_load %arg11[%get3A_1535, %get3A_1536, %get3A_1537] {strides = array<i32>} : memref<4x100x64xf32, #tpu.memory_space<vmem>>, vector<16xf32>,
      %add3A_1539 = arith.addf %get3A_1517, %get3A_1538 : vector<16xf32>
      %get3A_1540 = arith.constant 50 : i32
      %get3A_1541 = arith.index_cast %rem3A_221 : i32 to index
      %get3A_1542 = arith.index_cast %get3A_1540 : i32 to index
      %get3A_1543 = arith.constant 48 : index
      %get3A_1544 = tpu.vector_load %arg11[%get3A_1541, %get3A_1542, %get3A_1543] {strides = array<i32>} : memref<4x100x64xf32, #tpu.memory_space<vmem>>, vector<16xf32>,
      %add3A_1545 = arith.addf %get3A_1521, %get3A_1544 : vector<16xf32>
      %get3A_1546 = arith.constant 51 : i32
      %get3A_1547 = arith.index_cast %rem3A_221 : i32 to index
      %get3A_1548 = arith.index_cast %get3A_1546 : i32 to index
      %get3A_1549 = arith.constant 0 : index
      %get3A_1550 = tpu.vector_load %arg11[%get3A_1547, %get3A_1548, %get3A_1549] {strides = array<i32>} : memref<4x100x64xf32, #tpu.memory_space<vmem>>, vector<16xf32>,
      %add3A_1551 = arith.addf %add3A_1527, %get3A_1550 : vector<16xf32>
      %get3A_1552 = arith.constant 51 : i32
      %get3A_1553 = arith.index_cast %rem3A_221 : i32 to index
      %get3A_1554 = arith.index_cast %get3A_1552 : i32 to index
      %get3A_1555 = arith.constant 16 : index
      %get3A_1556 = tpu.vector_load %arg11[%get3A_1553, %get3A_1554, %get3A_1555] {strides = array<i32>} : memref<4x100x64xf32, #tpu.memory_space<vmem>>, vector<16xf32>,
      %add3A_1557 = arith.addf %add3A_1533, %get3A_1556 : vector<16xf32>
      %get3A_1558 = arith.constant 51 : i32
      %get3A_1559 = arith.index_cast %rem3A_221 : i32 to index
      %get3A_1560 = arith.index_cast %get3A_1558 : i32 to index
      %get3A_1561 = arith.constant 32 : index
      %get3A_1562 = tpu.vector_load %arg11[%get3A_1559, %get3A_1560, %get3A_1561] {strides = array<i32>} : memref<4x100x64xf32, #tpu.memory_space<vmem>>, vector<16xf32>,
      %add3A_1563 = arith.addf %add3A_1539, %get3A_1562 : vector<16xf32>
      %get3A_1564 = arith.constant 51 : i32
      %get3A_1565 = arith.index_cast %rem3A_221 : i32 to index
      %get3A_1566 = arith.index_cast %get3A_1564 : i32 to index
      %get3A_1567 = arith.constant 48 : index
      %get3A_1568 = tpu.vector_load %arg11[%get3A_1565, %get3A_1566, %get3A_1567] {strides = array<i32>} : memref<4x100x64xf32, #tpu.memory_space<vmem>>, vector<16xf32>,
      %add3A_1569 = arith.addf %add3A_1545, %get3A_1568 : vector<16xf32>
      %get3A_1570 = arith.constant 52 : i32
      %get3A_1571 = arith.index_cast %rem3A_221 : i32 to index
      %get3A_1572 = arith.index_cast %get3A_1570 : i32 to index
      %get3A_1573 = arith.constant 0 : index
      %get3A_1574 = tpu.vector_load %arg11[%get3A_1571, %get3A_1572, %get3A_1573] {strides = array<i32>} : memref<4x100x64xf32, #tpu.memory_space<vmem>>, vector<16xf32>,
      %add3A_1575 = arith.addf %add3A_1551, %get3A_1574 : vector<16xf32>
      %get3A_1576 = arith.constant 52 : i32
      %get3A_1577 = arith.index_cast %rem3A_221 : i32 to index
      %get3A_1578 = arith.index_cast %get3A_1576 : i32 to index
      %get3A_1579 = arith.constant 16 : index
      %get3A_1580 = tpu.vector_load %arg11[%get3A_1577, %get3A_1578, %get3A_1579] {strides = array<i32>} : memref<4x100x64xf32, #tpu.memory_space<vmem>>, vector<16xf32>,
      %add3A_1581 = arith.addf %add3A_1557, %get3A_1580 : vector<16xf32>
      %get3A_1582 = arith.constant 52 : i32
      %get3A_1583 = arith.index_cast %rem3A_221 : i32 to index
      %get3A_1584 = arith.index_cast %get3A_1582 : i32 to index
      %get3A_1585 = arith.constant 32 : index
      %get3A_1586 = tpu.vector_load %arg11[%get3A_1583, %get3A_1584, %get3A_1585] {strides = array<i32>} : memref<4x100x64xf32, #tpu.memory_space<vmem>>, vector<16xf32>,
      %add3A_1587 = arith.addf %add3A_1563, %get3A_1586 : vector<16xf32>
      %get3A_1588 = arith.constant 52 : i32
      %get3A_1589 = arith.index_cast %rem3A_221 : i32 to index
      %get3A_1590 = arith.index_cast %get3A_1588 : i32 to index
      %get3A_1591 = arith.constant 48 : index
      %get3A_1592 = tpu.vector_load %arg11[%get3A_1589, %get3A_1590, %get3A_1591] {strides = array<i32>} : memref<4x100x64xf32, #tpu.memory_space<vmem>>, vector<16xf32>,
      %add3A_1593 = arith.addf %add3A_1569, %get3A_1592 : vector<16xf32>
      %get3A_1594 = arith.constant 53 : i32
      %get3A_1595 = arith.index_cast %rem3A_221 : i32 to index
      %get3A_1596 = arith.index_cast %get3A_1594 : i32 to index
      %get3A_1597 = arith.constant 0 : index
      %get3A_1598 = tpu.vector_load %arg11[%get3A_1595, %get3A_1596, %get3A_1597] {strides = array<i32>} : memref<4x100x64xf32, #tpu.memory_space<vmem>>, vector<16xf32>,
      %add3A_1599 = arith.addf %add3A_1575, %get3A_1598 : vector<16xf32>
      %get3A_1600 = arith.constant 53 : i32
      %get3A_1601 = arith.index_cast %rem3A_221 : i32 to index
      %get3A_1602 = arith.index_cast %get3A_1600 : i32 to index
      %get3A_1603 = arith.constant 16 : index
      %get3A_1604 = tpu.vector_load %arg11[%get3A_1601, %get3A_1602, %get3A_1603] {strides = array<i32>} : memref<4x100x64xf32, #tpu.memory_space<vmem>>, vector<16xf32>,
      %add3A_1605 = arith.addf %add3A_1581, %get3A_1604 : vector<16xf32>
      %get3A_1606 = arith.constant 53 : i32
      %get3A_1607 = arith.index_cast %rem3A_221 : i32 to index
      %get3A_1608 = arith.index_cast %get3A_1606 : i32 to index
      %get3A_1609 = arith.constant 32 : index
      %get3A_1610 = tpu.vector_load %arg11[%get3A_1607, %get3A_1608, %get3A_1609] {strides = array<i32>} : memref<4x100x64xf32, #tpu.memory_space<vmem>>, vector<16xf32>,
      %add3A_1611 = arith.addf %add3A_1587, %get3A_1610 : vector<16xf32>
      %get3A_1612 = arith.constant 53 : i32
      %get3A_1613 = arith.index_cast %rem3A_221 : i32 to index
      %get3A_1614 = arith.index_cast %get3A_1612 : i32 to index
      %get3A_1615 = arith.constant 48 : index
      %get3A_1616 = tpu.vector_load %arg11[%get3A_1613, %get3A_1614, %get3A_1615] {strides = array<i32>} : memref<4x100x64xf32, #tpu.memory_space<vmem>>, vector<16xf32>,
      %add3A_1617 = arith.addf %add3A_1593, %get3A_1616 : vector<16xf32>
      %get3A_1618 = arith.constant 54 : i32
      %get3A_1619 = arith.index_cast %rem3A_221 : i32 to index
      %get3A_1620 = arith.index_cast %get3A_1618 : i32 to index
      %get3A_1621 = arith.constant 0 : index
      %get3A_1622 = tpu.vector_load %arg11[%get3A_1619, %get3A_1620, %get3A_1621] {strides = array<i32>} : memref<4x100x64xf32, #tpu.memory_space<vmem>>, vector<16xf32>,
      %add3A_1623 = arith.addf %add3A_1599, %get3A_1622 : vector<16xf32>
      %get3A_1624 = arith.constant 54 : i32
      %get3A_1625 = arith.index_cast %rem3A_221 : i32 to index
      %get3A_1626 = arith.index_cast %get3A_1624 : i32 to index
      %get3A_1627 = arith.constant 16 : index
      %get3A_1628 = tpu.vector_load %arg11[%get3A_1625, %get3A_1626, %get3A_1627] {strides = array<i32>} : memref<4x100x64xf32, #tpu.memory_space<vmem>>, vector<16xf32>,
      %add3A_1629 = arith.addf %add3A_1605, %get3A_1628 : vector<16xf32>
      %get3A_1630 = arith.constant 54 : i32
      %get3A_1631 = arith.index_cast %rem3A_221 : i32 to index
      %get3A_1632 = arith.index_cast %get3A_1630 : i32 to index
      %get3A_1633 = arith.constant 32 : index
      %get3A_1634 = tpu.vector_load %arg11[%get3A_1631, %get3A_1632, %get3A_1633] {strides = array<i32>} : memref<4x100x64xf32, #tpu.memory_space<vmem>>, vector<16xf32>,
      %add3A_1635 = arith.addf %add3A_1611, %get3A_1634 : vector<16xf32>
      %get3A_1636 = arith.constant 54 : i32
      %get3A_1637 = arith.index_cast %rem3A_221 : i32 to index
      %get3A_1638 = arith.index_cast %get3A_1636 : i32 to index
      %get3A_1639 = arith.constant 48 : index
      %get3A_1640 = tpu.vector_load %arg11[%get3A_1637, %get3A_1638, %get3A_1639] {strides = array<i32>} : memref<4x100x64xf32, #tpu.memory_space<vmem>>, vector<16xf32>,
      %add3A_1641 = arith.addf %add3A_1617, %get3A_1640 : vector<16xf32>
      %get3A_1642 = arith.constant 55 : i32
      %get3A_1643 = arith.index_cast %rem3A_221 : i32 to index
      %get3A_1644 = arith.index_cast %get3A_1642 : i32 to index
      %get3A_1645 = arith.constant 0 : index
      %get3A_1646 = tpu.vector_load %arg11[%get3A_1643, %get3A_1644, %get3A_1645] {strides = array<i32>} : memref<4x100x64xf32, #tpu.memory_space<vmem>>, vector<16xf32>,
      %add3A_1647 = arith.addf %add3A_1623, %get3A_1646 : vector<16xf32>
      %get3A_1648 = arith.constant 55 : i32
      %get3A_1649 = arith.index_cast %rem3A_221 : i32 to index
      %get3A_1650 = arith.index_cast %get3A_1648 : i32 to index
      %get3A_1651 = arith.constant 16 : index
      %get3A_1652 = tpu.vector_load %arg11[%get3A_1649, %get3A_1650, %get3A_1651] {strides = array<i32>} : memref<4x100x64xf32, #tpu.memory_space<vmem>>, vector<16xf32>,
      %add3A_1653 = arith.addf %add3A_1629, %get3A_1652 : vector<16xf32>
      %get3A_1654 = arith.constant 55 : i32
      %get3A_1655 = arith.index_cast %rem3A_221 : i32 to index
      %get3A_1656 = arith.index_cast %get3A_1654 : i32 to index
      %get3A_1657 = arith.constant 32 : index
      %get3A_1658 = tpu.vector_load %arg11[%get3A_1655, %get3A_1656, %get3A_1657] {strides = array<i32>} : memref<4x100x64xf32, #tpu.memory_space<vmem>>, vector<16xf32>,
      %add3A_1659 = arith.addf %add3A_1635, %get3A_1658 : vector<16xf32>
      %get3A_1660 = arith.constant 55 : i32
      %get3A_1661 = arith.index_cast %rem3A_221 : i32 to index
      %get3A_1662 = arith.index_cast %get3A_1660 : i32 to index
      %get3A_1663 = arith.constant 48 : index
      %get3A_1664 = tpu.vector_load %arg11[%get3A_1661, %get3A_1662, %get3A_1663] {strides = array<i32>} : memref<4x100x64xf32, #tpu.memory_space<vmem>>, vector<16xf32>,
      %add3A_1665 = arith.addf %add3A_1641, %get3A_1664 : vector<16xf32>
      %get3A_1666 = arith.constant 56 : i32
      %get3A_1667 = arith.index_cast %rem3A_221 : i32 to index
      %get3A_1668 = arith.index_cast %get3A_1666 : i32 to index
      %get3A_1669 = arith.constant 0 : index
      %get3A_1670 = tpu.vector_load %arg11[%get3A_1667, %get3A_1668, %get3A_1669] {strides = array<i32>} : memref<4x100x64xf32, #tpu.memory_space<vmem>>, vector<16xf32>,
      %add3A_1671 = arith.addf %add3A_1647, %get3A_1670 : vector<16xf32>
      %get3A_1672 = arith.constant 56 : i32
      %get3A_1673 = arith.index_cast %rem3A_221 : i32 to index
      %get3A_1674 = arith.index_cast %get3A_1672 : i32 to index
      %get3A_1675 = arith.constant 16 : index
      %get3A_1676 = tpu.vector_load %arg11[%get3A_1673, %get3A_1674, %get3A_1675] {strides = array<i32>} : memref<4x100x64xf32, #tpu.memory_space<vmem>>, vector<16xf32>,
      %add3A_1677 = arith.addf %add3A_1653, %get3A_1676 : vector<16xf32>
      %get3A_1678 = arith.constant 56 : i32
      %get3A_1679 = arith.index_cast %rem3A_221 : i32 to index
      %get3A_1680 = arith.index_cast %get3A_1678 : i32 to index
      %get3A_1681 = arith.constant 32 : index
      %get3A_1682 = tpu.vector_load %arg11[%get3A_1679, %get3A_1680, %get3A_1681] {strides = array<i32>} : memref<4x100x64xf32, #tpu.memory_space<vmem>>, vector<16xf32>,
      %add3A_1683 = arith.addf %add3A_1659, %get3A_1682 : vector<16xf32>
      %get3A_1684 = arith.constant 56 : i32
      %get3A_1685 = arith.index_cast %rem3A_221 : i32 to index
      %get3A_1686 = arith.index_cast %get3A_1684 : i32 to index
      %get3A_1687 = arith.constant 48 : index
      %get3A_1688 = tpu.vector_load %arg11[%get3A_1685, %get3A_1686, %get3A_1687] {strides = array<i32>} : memref<4x100x64xf32, #tpu.memory_space<vmem>>, vector<16xf32>,
      %add3A_1689 = arith.addf %add3A_1665, %get3A_1688 : vector<16xf32>
      %get3A_1690 = arith.constant 57 : i32
      %get3A_1691 = arith.index_cast %rem3A_221 : i32 to index
      %get3A_1692 = arith.index_cast %get3A_1690 : i32 to index
      %get3A_1693 = arith.constant 0 : index
      %get3A_1694 = tpu.vector_load %arg11[%get3A_1691, %get3A_1692, %get3A_1693] {strides = array<i32>} : memref<4x100x64xf32, #tpu.memory_space<vmem>>, vector<16xf32>,
      %add3A_1695 = arith.addf %add3A_1671, %get3A_1694 : vector<16xf32>
      %get3A_1696 = arith.constant 57 : i32
      %get3A_1697 = arith.index_cast %rem3A_221 : i32 to index
      %get3A_1698 = arith.index_cast %get3A_1696 : i32 to index
      %get3A_1699 = arith.constant 16 : index
      %get3A_1700 = tpu.vector_load %arg11[%get3A_1697, %get3A_1698, %get3A_1699] {strides = array<i32>} : memref<4x100x64xf32, #tpu.memory_space<vmem>>, vector<16xf32>,
      %add3A_1701 = arith.addf %add3A_1677, %get3A_1700 : vector<16xf32>
      %get3A_1702 = arith.constant 57 : i32
      %get3A_1703 = arith.index_cast %rem3A_221 : i32 to index
      %get3A_1704 = arith.index_cast %get3A_1702 : i32 to index
      %get3A_1705 = arith.constant 32 : index
      %get3A_1706 = tpu.vector_load %arg11[%get3A_1703, %get3A_1704, %get3A_1705] {strides = array<i32>} : memref<4x100x64xf32, #tpu.memory_space<vmem>>, vector<16xf32>,
      %add3A_1707 = arith.addf %add3A_1683, %get3A_1706 : vector<16xf32>
      %get3A_1708 = arith.constant 57 : i32
      %get3A_1709 = arith.index_cast %rem3A_221 : i32 to index
      %get3A_1710 = arith.index_cast %get3A_1708 : i32 to index
      %get3A_1711 = arith.constant 48 : index
      %get3A_1712 = tpu.vector_load %arg11[%get3A_1709, %get3A_1710, %get3A_1711] {strides = array<i32>} : memref<4x100x64xf32, #tpu.memory_space<vmem>>, vector<16xf32>,
      %add3A_1713 = arith.addf %add3A_1689, %get3A_1712 : vector<16xf32>
      %get3A_1714 = arith.constant 58 : i32
      %get3A_1715 = arith.index_cast %rem3A_221 : i32 to index
      %get3A_1716 = arith.index_cast %get3A_1714 : i32 to index
      %get3A_1717 = arith.constant 0 : index
      %get3A_1718 = tpu.vector_load %arg11[%get3A_1715, %get3A_1716, %get3A_1717] {strides = array<i32>} : memref<4x100x64xf32, #tpu.memory_space<vmem>>, vector<16xf32>,
      %add3A_1719 = arith.addf %add3A_1695, %get3A_1718 : vector<16xf32>
      %get3A_1720 = arith.constant 58 : i32
      %get3A_1721 = arith.index_cast %rem3A_221 : i32 to index
      %get3A_1722 = arith.index_cast %get3A_1720 : i32 to index
      %get3A_1723 = arith.constant 16 : index
      %get3A_1724 = tpu.vector_load %arg11[%get3A_1721, %get3A_1722, %get3A_1723] {strides = array<i32>} : memref<4x100x64xf32, #tpu.memory_space<vmem>>, vector<16xf32>,
      %add3A_1725 = arith.addf %add3A_1701, %get3A_1724 : vector<16xf32>
      %get3A_1726 = arith.constant 58 : i32
      %get3A_1727 = arith.index_cast %rem3A_221 : i32 to index
      %get3A_1728 = arith.index_cast %get3A_1726 : i32 to index
      %get3A_1729 = arith.constant 32 : index
      %get3A_1730 = tpu.vector_load %arg11[%get3A_1727, %get3A_1728, %get3A_1729] {strides = array<i32>} : memref<4x100x64xf32, #tpu.memory_space<vmem>>, vector<16xf32>,
      %add3A_1731 = arith.addf %add3A_1707, %get3A_1730 : vector<16xf32>
      %get3A_1732 = arith.constant 58 : i32
      %get3A_1733 = arith.index_cast %rem3A_221 : i32 to index
      %get3A_1734 = arith.index_cast %get3A_1732 : i32 to index
      %get3A_1735 = arith.constant 48 : index
      %get3A_1736 = tpu.vector_load %arg11[%get3A_1733, %get3A_1734, %get3A_1735] {strides = array<i32>} : memref<4x100x64xf32, #tpu.memory_space<vmem>>, vector<16xf32>,
      %add3A_1737 = arith.addf %add3A_1713, %get3A_1736 : vector<16xf32>
      %get3A_1738 = arith.constant 59 : i32
      %get3A_1739 = arith.index_cast %rem3A_221 : i32 to index
      %get3A_1740 = arith.index_cast %get3A_1738 : i32 to index
      %get3A_1741 = arith.constant 0 : index
      %get3A_1742 = tpu.vector_load %arg11[%get3A_1739, %get3A_1740, %get3A_1741] {strides = array<i32>} : memref<4x100x64xf32, #tpu.memory_space<vmem>>, vector<16xf32>,
      %add3A_1743 = arith.addf %add3A_1719, %get3A_1742 : vector<16xf32>
      %get3A_1744 = arith.constant 59 : i32
      %get3A_1745 = arith.index_cast %rem3A_221 : i32 to index
      %get3A_1746 = arith.index_cast %get3A_1744 : i32 to index
      %get3A_1747 = arith.constant 16 : index
      %get3A_1748 = tpu.vector_load %arg11[%get3A_1745, %get3A_1746, %get3A_1747] {strides = array<i32>} : memref<4x100x64xf32, #tpu.memory_space<vmem>>, vector<16xf32>,
      %add3A_1749 = arith.addf %add3A_1725, %get3A_1748 : vector<16xf32>
      %get3A_1750 = arith.constant 59 : i32
      %get3A_1751 = arith.index_cast %rem3A_221 : i32 to index
      %get3A_1752 = arith.index_cast %get3A_1750 : i32 to index
      %get3A_1753 = arith.constant 32 : index
      %get3A_1754 = tpu.vector_load %arg11[%get3A_1751, %get3A_1752, %get3A_1753] {strides = array<i32>} : memref<4x100x64xf32, #tpu.memory_space<vmem>>, vector<16xf32>,
      %add3A_1755 = arith.addf %add3A_1731, %get3A_1754 : vector<16xf32>
      %get3A_1756 = arith.constant 59 : i32
      %get3A_1757 = arith.index_cast %rem3A_221 : i32 to index
      %get3A_1758 = arith.index_cast %get3A_1756 : i32 to index
      %get3A_1759 = arith.constant 48 : index
      %get3A_1760 = tpu.vector_load %arg11[%get3A_1757, %get3A_1758, %get3A_1759] {strides = array<i32>} : memref<4x100x64xf32, #tpu.memory_space<vmem>>, vector<16xf32>,
      %add3A_1761 = arith.addf %add3A_1737, %get3A_1760 : vector<16xf32>
      %get3A_1762 = arith.constant 60 : i32
      %get3A_1763 = arith.index_cast %rem3A_221 : i32 to index
      %get3A_1764 = arith.index_cast %get3A_1762 : i32 to index
      %get3A_1765 = arith.constant 0 : index
      %get3A_1766 = tpu.vector_load %arg11[%get3A_1763, %get3A_1764, %get3A_1765] {strides = array<i32>} : memref<4x100x64xf32, #tpu.memory_space<vmem>>, vector<16xf32>,
      %add3A_1767 = arith.addf %add3A_1743, %get3A_1766 : vector<16xf32>
      %get3A_1768 = arith.constant 60 : i32
      %get3A_1769 = arith.index_cast %rem3A_221 : i32 to index
      %get3A_1770 = arith.index_cast %get3A_1768 : i32 to index
      %get3A_1771 = arith.constant 16 : index
      %get3A_1772 = tpu.vector_load %arg11[%get3A_1769, %get3A_1770, %get3A_1771] {strides = array<i32>} : memref<4x100x64xf32, #tpu.memory_space<vmem>>, vector<16xf32>,
      %add3A_1773 = arith.addf %add3A_1749, %get3A_1772 : vector<16xf32>
      %get3A_1774 = arith.constant 60 : i32
      %get3A_1775 = arith.index_cast %rem3A_221 : i32 to index
      %get3A_1776 = arith.index_cast %get3A_1774 : i32 to index
      %get3A_1777 = arith.constant 32 : index
      %get3A_1778 = tpu.vector_load %arg11[%get3A_1775, %get3A_1776, %get3A_1777] {strides = array<i32>} : memref<4x100x64xf32, #tpu.memory_space<vmem>>, vector<16xf32>,
      %add3A_1779 = arith.addf %add3A_1755, %get3A_1778 : vector<16xf32>
      %get3A_1780 = arith.constant 60 : i32
      %get3A_1781 = arith.index_cast %rem3A_221 : i32 to index
      %get3A_1782 = arith.index_cast %get3A_1780 : i32 to index
      %get3A_1783 = arith.constant 48 : index
      %get3A_1784 = tpu.vector_load %arg11[%get3A_1781, %get3A_1782, %get3A_1783] {strides = array<i32>} : memref<4x100x64xf32, #tpu.memory_space<vmem>>, vector<16xf32>,
      %add3A_1785 = arith.addf %add3A_1761, %get3A_1784 : vector<16xf32>
      %get3A_1786 = arith.constant 61 : i32
      %get3A_1787 = arith.index_cast %rem3A_221 : i32 to index
      %get3A_1788 = arith.index_cast %get3A_1786 : i32 to index
      %get3A_1789 = arith.constant 0 : index
      %get3A_1790 = tpu.vector_load %arg11[%get3A_1787, %get3A_1788, %get3A_1789] {strides = array<i32>} : memref<4x100x64xf32, #tpu.memory_space<vmem>>, vector<16xf32>,
      %add3A_1791 = arith.addf %add3A_1767, %get3A_1790 : vector<16xf32>
      %get3A_1792 = arith.constant 61 : i32
      %get3A_1793 = arith.index_cast %rem3A_221 : i32 to index
      %get3A_1794 = arith.index_cast %get3A_1792 : i32 to index
      %get3A_1795 = arith.constant 16 : index
      %get3A_1796 = tpu.vector_load %arg11[%get3A_1793, %get3A_1794, %get3A_1795] {strides = array<i32>} : memref<4x100x64xf32, #tpu.memory_space<vmem>>, vector<16xf32>,
      %add3A_1797 = arith.addf %add3A_1773, %get3A_1796 : vector<16xf32>
      %get3A_1798 = arith.constant 61 : i32
      %get3A_1799 = arith.index_cast %rem3A_221 : i32 to index
      %get3A_1800 = arith.index_cast %get3A_1798 : i32 to index
      %get3A_1801 = arith.constant 32 : index
      %get3A_1802 = tpu.vector_load %arg11[%get3A_1799, %get3A_1800, %get3A_1801] {strides = array<i32>} : memref<4x100x64xf32, #tpu.memory_space<vmem>>, vector<16xf32>,
      %add3A_1803 = arith.addf %add3A_1779, %get3A_1802 : vector<16xf32>
      %get3A_1804 = arith.constant 61 : i32
      %get3A_1805 = arith.index_cast %rem3A_221 : i32 to index
      %get3A_1806 = arith.index_cast %get3A_1804 : i32 to index
      %get3A_1807 = arith.constant 48 : index
      %get3A_1808 = tpu.vector_load %arg11[%get3A_1805, %get3A_1806, %get3A_1807] {strides = array<i32>} : memref<4x100x64xf32, #tpu.memory_space<vmem>>, vector<16xf32>,
      %add3A_1809 = arith.addf %add3A_1785, %get3A_1808 : vector<16xf32>
      %get3A_1810 = arith.constant 62 : i32
      %get3A_1811 = arith.index_cast %rem3A_221 : i32 to index
      %get3A_1812 = arith.index_cast %get3A_1810 : i32 to index
      %get3A_1813 = arith.constant 0 : index
      %get3A_1814 = tpu.vector_load %arg11[%get3A_1811, %get3A_1812, %get3A_1813] {strides = array<i32>} : memref<4x100x64xf32, #tpu.memory_space<vmem>>, vector<16xf32>,
      %add3A_1815 = arith.addf %add3A_1791, %get3A_1814 : vector<16xf32>
      %get3A_1816 = arith.constant 62 : i32
      %get3A_1817 = arith.index_cast %rem3A_221 : i32 to index
      %get3A_1818 = arith.index_cast %get3A_1816 : i32 to index
      %get3A_1819 = arith.constant 16 : index
      %get3A_1820 = tpu.vector_load %arg11[%get3A_1817, %get3A_1818, %get3A_1819] {strides = array<i32>} : memref<4x100x64xf32, #tpu.memory_space<vmem>>, vector<16xf32>,
      %add3A_1821 = arith.addf %add3A_1797, %get3A_1820 : vector<16xf32>
      %get3A_1822 = arith.constant 62 : i32
      %get3A_1823 = arith.index_cast %rem3A_221 : i32 to index
      %get3A_1824 = arith.index_cast %get3A_1822 : i32 to index
      %get3A_1825 = arith.constant 32 : index
      %get3A_1826 = tpu.vector_load %arg11[%get3A_1823, %get3A_1824, %get3A_1825] {strides = array<i32>} : memref<4x100x64xf32, #tpu.memory_space<vmem>>, vector<16xf32>,
      %add3A_1827 = arith.addf %add3A_1803, %get3A_1826 : vector<16xf32>
      %get3A_1828 = arith.constant 62 : i32
      %get3A_1829 = arith.index_cast %rem3A_221 : i32 to index
      %get3A_1830 = arith.index_cast %get3A_1828 : i32 to index
      %get3A_1831 = arith.constant 48 : index
      %get3A_1832 = tpu.vector_load %arg11[%get3A_1829, %get3A_1830, %get3A_1831] {strides = array<i32>} : memref<4x100x64xf32, #tpu.memory_space<vmem>>, vector<16xf32>,
      %add3A_1833 = arith.addf %add3A_1809, %get3A_1832 : vector<16xf32>
      %get3A_1834 = arith.constant 63 : i32
      %get3A_1835 = arith.index_cast %rem3A_221 : i32 to index
      %get3A_1836 = arith.index_cast %get3A_1834 : i32 to index
      %get3A_1837 = arith.constant 0 : index
      %get3A_1838 = tpu.vector_load %arg11[%get3A_1835, %get3A_1836, %get3A_1837] {strides = array<i32>} : memref<4x100x64xf32, #tpu.memory_space<vmem>>, vector<16xf32>,
      %add3A_1839 = arith.addf %add3A_1815, %get3A_1838 : vector<16xf32>
      %get3A_1840 = arith.constant 63 : i32
      %get3A_1841 = arith.index_cast %rem3A_221 : i32 to index
      %get3A_1842 = arith.index_cast %get3A_1840 : i32 to index
      %get3A_1843 = arith.constant 16 : index
      %get3A_1844 = tpu.vector_load %arg11[%get3A_1841, %get3A_1842, %get3A_1843] {strides = array<i32>} : memref<4x100x64xf32, #tpu.memory_space<vmem>>, vector<16xf32>,
      %add3A_1845 = arith.addf %add3A_1821, %get3A_1844 : vector<16xf32>
      %get3A_1846 = arith.constant 63 : i32
      %get3A_1847 = arith.index_cast %rem3A_221 : i32 to index
      %get3A_1848 = arith.index_cast %get3A_1846 : i32 to index
      %get3A_1849 = arith.constant 32 : index
      %get3A_1850 = tpu.vector_load %arg11[%get3A_1847, %get3A_1848, %get3A_1849] {strides = array<i32>} : memref<4x100x64xf32, #tpu.memory_space<vmem>>, vector<16xf32>,
      %add3A_1851 = arith.addf %add3A_1827, %get3A_1850 : vector<16xf32>
      %get3A_1852 = arith.constant 63 : i32
      %get3A_1853 = arith.index_cast %rem3A_221 : i32 to index
      %get3A_1854 = arith.index_cast %get3A_1852 : i32 to index
      %get3A_1855 = arith.constant 48 : index
      %get3A_1856 = tpu.vector_load %arg11[%get3A_1853, %get3A_1854, %get3A_1855] {strides = array<i32>} : memref<4x100x64xf32, #tpu.memory_space<vmem>>, vector<16xf32>,
      %add3A_1857 = arith.addf %add3A_1833, %get3A_1856 : vector<16xf32>
      %get3A_1858 = arith.constant 64 : i32
      %get3A_1859 = arith.index_cast %rem3A_221 : i32 to index
      %get3A_1860 = arith.index_cast %get3A_1858 : i32 to index
      %get3A_1861 = arith.constant 0 : index
      %get3A_1862 = tpu.vector_load %arg11[%get3A_1859, %get3A_1860, %get3A_1861] {strides = array<i32>} : memref<4x100x64xf32, #tpu.memory_space<vmem>>, vector<16xf32>,
      %add3A_1863 = arith.addf %add3A_1839, %get3A_1862 : vector<16xf32>
      %get3A_1864 = arith.constant 64 : i32
      %get3A_1865 = arith.index_cast %rem3A_221 : i32 to index
      %get3A_1866 = arith.index_cast %get3A_1864 : i32 to index
      %get3A_1867 = arith.constant 16 : index
      %get3A_1868 = tpu.vector_load %arg11[%get3A_1865, %get3A_1866, %get3A_1867] {strides = array<i32>} : memref<4x100x64xf32, #tpu.memory_space<vmem>>, vector<16xf32>,
      %add3A_1869 = arith.addf %add3A_1845, %get3A_1868 : vector<16xf32>
      %get3A_1870 = arith.constant 64 : i32
      %get3A_1871 = arith.index_cast %rem3A_221 : i32 to index
      %get3A_1872 = arith.index_cast %get3A_1870 : i32 to index
      %get3A_1873 = arith.constant 32 : index
      %get3A_1874 = tpu.vector_load %arg11[%get3A_1871, %get3A_1872, %get3A_1873] {strides = array<i32>} : memref<4x100x64xf32, #tpu.memory_space<vmem>>, vector<16xf32>,
      %add3A_1875 = arith.addf %add3A_1851, %get3A_1874 : vector<16xf32>
      %get3A_1876 = arith.constant 64 : i32
      %get3A_1877 = arith.index_cast %rem3A_221 : i32 to index
      %get3A_1878 = arith.index_cast %get3A_1876 : i32 to index
      %get3A_1879 = arith.constant 48 : index
      %get3A_1880 = tpu.vector_load %arg11[%get3A_1877, %get3A_1878, %get3A_1879] {strides = array<i32>} : memref<4x100x64xf32, #tpu.memory_space<vmem>>, vector<16xf32>,
      %add3A_1881 = arith.addf %add3A_1857, %get3A_1880 : vector<16xf32>
      %get3A_1882 = arith.constant 65 : i32
      %get3A_1883 = arith.index_cast %rem3A_221 : i32 to index
      %get3A_1884 = arith.index_cast %get3A_1882 : i32 to index
      %get3A_1885 = arith.constant 0 : index
      %get3A_1886 = tpu.vector_load %arg11[%get3A_1883, %get3A_1884, %get3A_1885] {strides = array<i32>} : memref<4x100x64xf32, #tpu.memory_space<vmem>>, vector<16xf32>,
      %add3A_1887 = arith.addf %add3A_1863, %get3A_1886 : vector<16xf32>
      %get3A_1888 = arith.constant 65 : i32
      %get3A_1889 = arith.index_cast %rem3A_221 : i32 to index
      %get3A_1890 = arith.index_cast %get3A_1888 : i32 to index
      %get3A_1891 = arith.constant 16 : index
      %get3A_1892 = tpu.vector_load %arg11[%get3A_1889, %get3A_1890, %get3A_1891] {strides = array<i32>} : memref<4x100x64xf32, #tpu.memory_space<vmem>>, vector<16xf32>,
      %add3A_1893 = arith.addf %add3A_1869, %get3A_1892 : vector<16xf32>
      %get3A_1894 = arith.constant 65 : i32
      %get3A_1895 = arith.index_cast %rem3A_221 : i32 to index
      %get3A_1896 = arith.index_cast %get3A_1894 : i32 to index
      %get3A_1897 = arith.constant 32 : index
      %get3A_1898 = tpu.vector_load %arg11[%get3A_1895, %get3A_1896, %get3A_1897] {strides = array<i32>} : memref<4x100x64xf32, #tpu.memory_space<vmem>>, vector<16xf32>,
      %add3A_1899 = arith.addf %add3A_1875, %get3A_1898 : vector<16xf32>
      %get3A_1900 = arith.constant 65 : i32
      %get3A_1901 = arith.index_cast %rem3A_221 : i32 to index
      %get3A_1902 = arith.index_cast %get3A_1900 : i32 to index
      %get3A_1903 = arith.constant 48 : index
      %get3A_1904 = tpu.vector_load %arg11[%get3A_1901, %get3A_1902, %get3A_1903] {strides = array<i32>} : memref<4x100x64xf32, #tpu.memory_space<vmem>>, vector<16xf32>,
      %add3A_1905 = arith.addf %add3A_1881, %get3A_1904 : vector<16xf32>
      %get3A_1906 = arith.constant 66 : i32
      %get3A_1907 = arith.index_cast %rem3A_221 : i32 to index
      %get3A_1908 = arith.index_cast %get3A_1906 : i32 to index
      %get3A_1909 = arith.constant 0 : index
      %get3A_1910 = tpu.vector_load %arg11[%get3A_1907, %get3A_1908, %get3A_1909] {strides = array<i32>} : memref<4x100x64xf32, #tpu.memory_space<vmem>>, vector<16xf32>,
      %add3A_1911 = arith.addf %add3A_1887, %get3A_1910 : vector<16xf32>
      %get3A_1912 = arith.constant 66 : i32
      %get3A_1913 = arith.index_cast %rem3A_221 : i32 to index
      %get3A_1914 = arith.index_cast %get3A_1912 : i32 to index
      %get3A_1915 = arith.constant 16 : index
      %get3A_1916 = tpu.vector_load %arg11[%get3A_1913, %get3A_1914, %get3A_1915] {strides = array<i32>} : memref<4x100x64xf32, #tpu.memory_space<vmem>>, vector<16xf32>,
      %add3A_1917 = arith.addf %add3A_1893, %get3A_1916 : vector<16xf32>
      %get3A_1918 = arith.constant 66 : i32
      %get3A_1919 = arith.index_cast %rem3A_221 : i32 to index
      %get3A_1920 = arith.index_cast %get3A_1918 : i32 to index
      %get3A_1921 = arith.constant 32 : index
      %get3A_1922 = tpu.vector_load %arg11[%get3A_1919, %get3A_1920, %get3A_1921] {strides = array<i32>} : memref<4x100x64xf32, #tpu.memory_space<vmem>>, vector<16xf32>,
      %add3A_1923 = arith.addf %add3A_1899, %get3A_1922 : vector<16xf32>
      %get3A_1924 = arith.constant 66 : i32
      %get3A_1925 = arith.index_cast %rem3A_221 : i32 to index
      %get3A_1926 = arith.index_cast %get3A_1924 : i32 to index
      %get3A_1927 = arith.constant 48 : index
      %get3A_1928 = tpu.vector_load %arg11[%get3A_1925, %get3A_1926, %get3A_1927] {strides = array<i32>} : memref<4x100x64xf32, #tpu.memory_space<vmem>>, vector<16xf32>,
      %add3A_1929 = arith.addf %add3A_1905, %get3A_1928 : vector<16xf32>
      %get3A_1930 = arith.constant 67 : i32
      %get3A_1931 = arith.index_cast %rem3A_221 : i32 to index
      %get3A_1932 = arith.index_cast %get3A_1930 : i32 to index
      %get3A_1933 = arith.constant 0 : index
      %get3A_1934 = tpu.vector_load %arg11[%get3A_1931, %get3A_1932, %get3A_1933] {strides = array<i32>} : memref<4x100x64xf32, #tpu.memory_space<vmem>>, vector<16xf32>,
      %add3A_1935 = arith.addf %add3A_1911, %get3A_1934 : vector<16xf32>
      %get3A_1936 = arith.constant 67 : i32
      %get3A_1937 = arith.index_cast %rem3A_221 : i32 to index
      %get3A_1938 = arith.index_cast %get3A_1936 : i32 to index
      %get3A_1939 = arith.constant 16 : index
      %get3A_1940 = tpu.vector_load %arg11[%get3A_1937, %get3A_1938, %get3A_1939] {strides = array<i32>} : memref<4x100x64xf32, #tpu.memory_space<vmem>>, vector<16xf32>,
      %add3A_1941 = arith.addf %add3A_1917, %get3A_1940 : vector<16xf32>
      %get3A_1942 = arith.constant 67 : i32
      %get3A_1943 = arith.index_cast %rem3A_221 : i32 to index
      %get3A_1944 = arith.index_cast %get3A_1942 : i32 to index
      %get3A_1945 = arith.constant 32 : index
      %get3A_1946 = tpu.vector_load %arg11[%get3A_1943, %get3A_1944, %get3A_1945] {strides = array<i32>} : memref<4x100x64xf32, #tpu.memory_space<vmem>>, vector<16xf32>,
      %add3A_1947 = arith.addf %add3A_1923, %get3A_1946 : vector<16xf32>
      %get3A_1948 = arith.constant 67 : i32
      %get3A_1949 = arith.index_cast %rem3A_221 : i32 to index
      %get3A_1950 = arith.index_cast %get3A_1948 : i32 to index
      %get3A_1951 = arith.constant 48 : index
      %get3A_1952 = tpu.vector_load %arg11[%get3A_1949, %get3A_1950, %get3A_1951] {strides = array<i32>} : memref<4x100x64xf32, #tpu.memory_space<vmem>>, vector<16xf32>,
      %add3A_1953 = arith.addf %add3A_1929, %get3A_1952 : vector<16xf32>
      %get3A_1954 = arith.constant 68 : i32
      %get3A_1955 = arith.index_cast %rem3A_221 : i32 to index
      %get3A_1956 = arith.index_cast %get3A_1954 : i32 to index
      %get3A_1957 = arith.constant 0 : index
      %get3A_1958 = tpu.vector_load %arg11[%get3A_1955, %get3A_1956, %get3A_1957] {strides = array<i32>} : memref<4x100x64xf32, #tpu.memory_space<vmem>>, vector<16xf32>,
      %add3A_1959 = arith.addf %add3A_1935, %get3A_1958 : vector<16xf32>
      %get3A_1960 = arith.constant 68 : i32
      %get3A_1961 = arith.index_cast %rem3A_221 : i32 to index
      %get3A_1962 = arith.index_cast %get3A_1960 : i32 to index
      %get3A_1963 = arith.constant 16 : index
      %get3A_1964 = tpu.vector_load %arg11[%get3A_1961, %get3A_1962, %get3A_1963] {strides = array<i32>} : memref<4x100x64xf32, #tpu.memory_space<vmem>>, vector<16xf32>,
      %add3A_1965 = arith.addf %add3A_1941, %get3A_1964 : vector<16xf32>
      %get3A_1966 = arith.constant 68 : i32
      %get3A_1967 = arith.index_cast %rem3A_221 : i32 to index
      %get3A_1968 = arith.index_cast %get3A_1966 : i32 to index
      %get3A_1969 = arith.constant 32 : index
      %get3A_1970 = tpu.vector_load %arg11[%get3A_1967, %get3A_1968, %get3A_1969] {strides = array<i32>} : memref<4x100x64xf32, #tpu.memory_space<vmem>>, vector<16xf32>,
      %add3A_1971 = arith.addf %add3A_1947, %get3A_1970 : vector<16xf32>
      %get3A_1972 = arith.constant 68 : i32
      %get3A_1973 = arith.index_cast %rem3A_221 : i32 to index
      %get3A_1974 = arith.index_cast %get3A_1972 : i32 to index
      %get3A_1975 = arith.constant 48 : index
      %get3A_1976 = tpu.vector_load %arg11[%get3A_1973, %get3A_1974, %get3A_1975] {strides = array<i32>} : memref<4x100x64xf32, #tpu.memory_space<vmem>>, vector<16xf32>,
      %add3A_1977 = arith.addf %add3A_1953, %get3A_1976 : vector<16xf32>
      %get3A_1978 = arith.constant 69 : i32
      %get3A_1979 = arith.index_cast %rem3A_221 : i32 to index
      %get3A_1980 = arith.index_cast %get3A_1978 : i32 to index
      %get3A_1981 = arith.constant 0 : index
      %get3A_1982 = tpu.vector_load %arg11[%get3A_1979, %get3A_1980, %get3A_1981] {strides = array<i32>} : memref<4x100x64xf32, #tpu.memory_space<vmem>>, vector<16xf32>,
      %add3A_1983 = arith.addf %add3A_1959, %get3A_1982 : vector<16xf32>
      %get3A_1984 = arith.constant 69 : i32
      %get3A_1985 = arith.index_cast %rem3A_221 : i32 to index
      %get3A_1986 = arith.index_cast %get3A_1984 : i32 to index
      %get3A_1987 = arith.constant 16 : index
      %get3A_1988 = tpu.vector_load %arg11[%get3A_1985, %get3A_1986, %get3A_1987] {strides = array<i32>} : memref<4x100x64xf32, #tpu.memory_space<vmem>>, vector<16xf32>,
      %add3A_1989 = arith.addf %add3A_1965, %get3A_1988 : vector<16xf32>
      %get3A_1990 = arith.constant 69 : i32
      %get3A_1991 = arith.index_cast %rem3A_221 : i32 to index
      %get3A_1992 = arith.index_cast %get3A_1990 : i32 to index
      %get3A_1993 = arith.constant 32 : index
      %get3A_1994 = tpu.vector_load %arg11[%get3A_1991, %get3A_1992, %get3A_1993] {strides = array<i32>} : memref<4x100x64xf32, #tpu.memory_space<vmem>>, vector<16xf32>,
      %add3A_1995 = arith.addf %add3A_1971, %get3A_1994 : vector<16xf32>
      %get3A_1996 = arith.constant 69 : i32
      %get3A_1997 = arith.index_cast %rem3A_221 : i32 to index
      %get3A_1998 = arith.index_cast %get3A_1996 : i32 to index
      %get3A_1999 = arith.constant 48 : index
      %get3A_2000 = tpu.vector_load %arg11[%get3A_1997, %get3A_1998, %get3A_1999] {strides = array<i32>} : memref<4x100x64xf32, #tpu.memory_space<vmem>>, vector<16xf32>,
      %add3A_2001 = arith.addf %add3A_1977, %get3A_2000 : vector<16xf32>
      %get3A_2002 = arith.constant 70 : i32
      %get3A_2003 = arith.index_cast %rem3A_221 : i32 to index
      %get3A_2004 = arith.index_cast %get3A_2002 : i32 to index
      %get3A_2005 = arith.constant 0 : index
      %get3A_2006 = tpu.vector_load %arg11[%get3A_2003, %get3A_2004, %get3A_2005] {strides = array<i32>} : memref<4x100x64xf32, #tpu.memory_space<vmem>>, vector<16xf32>,
      %add3A_2007 = arith.addf %add3A_1983, %get3A_2006 : vector<16xf32>
      %get3A_2008 = arith.constant 70 : i32
      %get3A_2009 = arith.index_cast %rem3A_221 : i32 to index
      %get3A_2010 = arith.index_cast %get3A_2008 : i32 to index
      %get3A_2011 = arith.constant 16 : index
      %get3A_2012 = tpu.vector_load %arg11[%get3A_2009, %get3A_2010, %get3A_2011] {strides = array<i32>} : memref<4x100x64xf32, #tpu.memory_space<vmem>>, vector<16xf32>,
      %add3A_2013 = arith.addf %add3A_1989, %get3A_2012 : vector<16xf32>
      %get3A_2014 = arith.constant 70 : i32
      %get3A_2015 = arith.index_cast %rem3A_221 : i32 to index
      %get3A_2016 = arith.index_cast %get3A_2014 : i32 to index
      %get3A_2017 = arith.constant 32 : index
      %get3A_2018 = tpu.vector_load %arg11[%get3A_2015, %get3A_2016, %get3A_2017] {strides = array<i32>} : memref<4x100x64xf32, #tpu.memory_space<vmem>>, vector<16xf32>,
      %add3A_2019 = arith.addf %add3A_1995, %get3A_2018 : vector<16xf32>
      %get3A_2020 = arith.constant 70 : i32
      %get3A_2021 = arith.index_cast %rem3A_221 : i32 to index
      %get3A_2022 = arith.index_cast %get3A_2020 : i32 to index
      %get3A_2023 = arith.constant 48 : index
      %get3A_2024 = tpu.vector_load %arg11[%get3A_2021, %get3A_2022, %get3A_2023] {strides = array<i32>} : memref<4x100x64xf32, #tpu.memory_space<vmem>>, vector<16xf32>,
      %add3A_2025 = arith.addf %add3A_2001, %get3A_2024 : vector<16xf32>
      %get3A_2026 = arith.constant 71 : i32
      %get3A_2027 = arith.index_cast %rem3A_221 : i32 to index
      %get3A_2028 = arith.index_cast %get3A_2026 : i32 to index
      %get3A_2029 = arith.constant 0 : index
      %get3A_2030 = tpu.vector_load %arg11[%get3A_2027, %get3A_2028, %get3A_2029] {strides = array<i32>} : memref<4x100x64xf32, #tpu.memory_space<vmem>>, vector<16xf32>,
      %add3A_2031 = arith.addf %add3A_2007, %get3A_2030 : vector<16xf32>
      %get3A_2032 = arith.constant 71 : i32
      %get3A_2033 = arith.index_cast %rem3A_221 : i32 to index
      %get3A_2034 = arith.index_cast %get3A_2032 : i32 to index
      %get3A_2035 = arith.constant 16 : index
      %get3A_2036 = tpu.vector_load %arg11[%get3A_2033, %get3A_2034, %get3A_2035] {strides = array<i32>} : memref<4x100x64xf32, #tpu.memory_space<vmem>>, vector<16xf32>,
      %add3A_2037 = arith.addf %add3A_2013, %get3A_2036 : vector<16xf32>
      %get3A_2038 = arith.constant 71 : i32
      %get3A_2039 = arith.index_cast %rem3A_221 : i32 to index
      %get3A_2040 = arith.index_cast %get3A_2038 : i32 to index
      %get3A_2041 = arith.constant 32 : index
      %get3A_2042 = tpu.vector_load %arg11[%get3A_2039, %get3A_2040, %get3A_2041] {strides = array<i32>} : memref<4x100x64xf32, #tpu.memory_space<vmem>>, vector<16xf32>,
      %add3A_2043 = arith.addf %add3A_2019, %get3A_2042 : vector<16xf32>
      %get3A_2044 = arith.constant 71 : i32
      %get3A_2045 = arith.index_cast %rem3A_221 : i32 to index
      %get3A_2046 = arith.index_cast %get3A_2044 : i32 to index
      %get3A_2047 = arith.constant 48 : index
      %get3A_2048 = tpu.vector_load %arg11[%get3A_2045, %get3A_2046, %get3A_2047] {strides = array<i32>} : memref<4x100x64xf32, #tpu.memory_space<vmem>>, vector<16xf32>,
      %add3A_2049 = arith.addf %add3A_2025, %get3A_2048 : vector<16xf32>
      %get3A_2050 = arith.constant 72 : i32
      %get3A_2051 = arith.index_cast %rem3A_221 : i32 to index
      %get3A_2052 = arith.index_cast %get3A_2050 : i32 to index
      %get3A_2053 = arith.constant 0 : index
      %get3A_2054 = tpu.vector_load %arg11[%get3A_2051, %get3A_2052, %get3A_2053] {strides = array<i32>} : memref<4x100x64xf32, #tpu.memory_space<vmem>>, vector<16xf32>,
      %add3A_2055 = arith.addf %add3A_2031, %get3A_2054 : vector<16xf32>
      %get3A_2056 = arith.constant 72 : i32
      %get3A_2057 = arith.index_cast %rem3A_221 : i32 to index
      %get3A_2058 = arith.index_cast %get3A_2056 : i32 to index
      %get3A_2059 = arith.constant 16 : index
      %get3A_2060 = tpu.vector_load %arg11[%get3A_2057, %get3A_2058, %get3A_2059] {strides = array<i32>} : memref<4x100x64xf32, #tpu.memory_space<vmem>>, vector<16xf32>,
      %add3A_2061 = arith.addf %add3A_2037, %get3A_2060 : vector<16xf32>
      %get3A_2062 = arith.constant 72 : i32
      %get3A_2063 = arith.index_cast %rem3A_221 : i32 to index
      %get3A_2064 = arith.index_cast %get3A_2062 : i32 to index
      %get3A_2065 = arith.constant 32 : index
      %get3A_2066 = tpu.vector_load %arg11[%get3A_2063, %get3A_2064, %get3A_2065] {strides = array<i32>} : memref<4x100x64xf32, #tpu.memory_space<vmem>>, vector<16xf32>,
      %add3A_2067 = arith.addf %add3A_2043, %get3A_2066 : vector<16xf32>
      %get3A_2068 = arith.constant 72 : i32
      %get3A_2069 = arith.index_cast %rem3A_221 : i32 to index
      %get3A_2070 = arith.index_cast %get3A_2068 : i32 to index
      %get3A_2071 = arith.constant 48 : index
      %get3A_2072 = tpu.vector_load %arg11[%get3A_2069, %get3A_2070, %get3A_2071] {strides = array<i32>} : memref<4x100x64xf32, #tpu.memory_space<vmem>>, vector<16xf32>,
      %add3A_2073 = arith.addf %add3A_2049, %get3A_2072 : vector<16xf32>
      %get3A_2074 = arith.constant 73 : i32
      %get3A_2075 = arith.index_cast %rem3A_221 : i32 to index
      %get3A_2076 = arith.index_cast %get3A_2074 : i32 to index
      %get3A_2077 = arith.constant 0 : index
      %get3A_2078 = tpu.vector_load %arg11[%get3A_2075, %get3A_2076, %get3A_2077] {strides = array<i32>} : memref<4x100x64xf32, #tpu.memory_space<vmem>>, vector<16xf32>,
      %add3A_2079 = arith.addf %add3A_2055, %get3A_2078 : vector<16xf32>
      %get3A_2080 = arith.constant 73 : i32
      %get3A_2081 = arith.index_cast %rem3A_221 : i32 to index
      %get3A_2082 = arith.index_cast %get3A_2080 : i32 to index
      %get3A_2083 = arith.constant 16 : index
      %get3A_2084 = tpu.vector_load %arg11[%get3A_2081, %get3A_2082, %get3A_2083] {strides = array<i32>} : memref<4x100x64xf32, #tpu.memory_space<vmem>>, vector<16xf32>,
      %add3A_2085 = arith.addf %add3A_2061, %get3A_2084 : vector<16xf32>
      %get3A_2086 = arith.constant 73 : i32
      %get3A_2087 = arith.index_cast %rem3A_221 : i32 to index
      %get3A_2088 = arith.index_cast %get3A_2086 : i32 to index
      %get3A_2089 = arith.constant 32 : index
      %get3A_2090 = tpu.vector_load %arg11[%get3A_2087, %get3A_2088, %get3A_2089] {strides = array<i32>} : memref<4x100x64xf32, #tpu.memory_space<vmem>>, vector<16xf32>,
      %add3A_2091 = arith.addf %add3A_2067, %get3A_2090 : vector<16xf32>
      %get3A_2092 = arith.constant 73 : i32
      %get3A_2093 = arith.index_cast %rem3A_221 : i32 to index
      %get3A_2094 = arith.index_cast %get3A_2092 : i32 to index
      %get3A_2095 = arith.constant 48 : index
      %get3A_2096 = tpu.vector_load %arg11[%get3A_2093, %get3A_2094, %get3A_2095] {strides = array<i32>} : memref<4x100x64xf32, #tpu.memory_space<vmem>>, vector<16xf32>,
      %add3A_2097 = arith.addf %add3A_2073, %get3A_2096 : vector<16xf32>
      %get3A_2098 = arith.constant 74 : i32
      %get3A_2099 = arith.index_cast %rem3A_221 : i32 to index
      %get3A_2100 = arith.index_cast %get3A_2098 : i32 to index
      %get3A_2101 = arith.constant 0 : index
      %get3A_2102 = tpu.vector_load %arg11[%get3A_2099, %get3A_2100, %get3A_2101] {strides = array<i32>} : memref<4x100x64xf32, #tpu.memory_space<vmem>>, vector<16xf32>,
      %add3A_2103 = arith.addf %add3A_2079, %get3A_2102 : vector<16xf32>
      %get3A_2104 = arith.constant 74 : i32
      %get3A_2105 = arith.index_cast %rem3A_221 : i32 to index
      %get3A_2106 = arith.index_cast %get3A_2104 : i32 to index
      %get3A_2107 = arith.constant 16 : index
      %get3A_2108 = tpu.vector_load %arg11[%get3A_2105, %get3A_2106, %get3A_2107] {strides = array<i32>} : memref<4x100x64xf32, #tpu.memory_space<vmem>>, vector<16xf32>,
      %add3A_2109 = arith.addf %add3A_2085, %get3A_2108 : vector<16xf32>
      %get3A_2110 = arith.constant 74 : i32
      %get3A_2111 = arith.index_cast %rem3A_221 : i32 to index
      %get3A_2112 = arith.index_cast %get3A_2110 : i32 to index
      %get3A_2113 = arith.constant 32 : index
      %get3A_2114 = tpu.vector_load %arg11[%get3A_2111, %get3A_2112, %get3A_2113] {strides = array<i32>} : memref<4x100x64xf32, #tpu.memory_space<vmem>>, vector<16xf32>,
      %add3A_2115 = arith.addf %add3A_2091, %get3A_2114 : vector<16xf32>
      %get3A_2116 = arith.constant 74 : i32
      %get3A_2117 = arith.index_cast %rem3A_221 : i32 to index
      %get3A_2118 = arith.index_cast %get3A_2116 : i32 to index
      %get3A_2119 = arith.constant 48 : index
      %get3A_2120 = tpu.vector_load %arg11[%get3A_2117, %get3A_2118, %get3A_2119] {strides = array<i32>} : memref<4x100x64xf32, #tpu.memory_space<vmem>>, vector<16xf32>,
      %add3A_2121 = arith.addf %add3A_2097, %get3A_2120 : vector<16xf32>
      %get3A_2122 = arith.constant 75 : i32
      %get3A_2123 = arith.index_cast %rem3A_221 : i32 to index
      %get3A_2124 = arith.index_cast %get3A_2122 : i32 to index
      %get3A_2125 = arith.constant 0 : index
      %get3A_2126 = tpu.vector_load %arg11[%get3A_2123, %get3A_2124, %get3A_2125] {strides = array<i32>} : memref<4x100x64xf32, #tpu.memory_space<vmem>>, vector<16xf32>,
      %add3A_2127 = arith.addf %add3A_2103, %get3A_2126 : vector<16xf32>
      %get3A_2128 = arith.constant 75 : i32
      %get3A_2129 = arith.index_cast %rem3A_221 : i32 to index
      %get3A_2130 = arith.index_cast %get3A_2128 : i32 to index
      %get3A_2131 = arith.constant 16 : index
      %get3A_2132 = tpu.vector_load %arg11[%get3A_2129, %get3A_2130, %get3A_2131] {strides = array<i32>} : memref<4x100x64xf32, #tpu.memory_space<vmem>>, vector<16xf32>,
      %add3A_2133 = arith.addf %add3A_2109, %get3A_2132 : vector<16xf32>
      %get3A_2134 = arith.constant 75 : i32
      %get3A_2135 = arith.index_cast %rem3A_221 : i32 to index
      %get3A_2136 = arith.index_cast %get3A_2134 : i32 to index
      %get3A_2137 = arith.constant 32 : index
      %get3A_2138 = tpu.vector_load %arg11[%get3A_2135, %get3A_2136, %get3A_2137] {strides = array<i32>} : memref<4x100x64xf32, #tpu.memory_space<vmem>>, vector<16xf32>,
      %add3A_2139 = arith.addf %add3A_2115, %get3A_2138 : vector<16xf32>
      %get3A_2140 = arith.constant 75 : i32
      %get3A_2141 = arith.index_cast %rem3A_221 : i32 to index
      %get3A_2142 = arith.index_cast %get3A_2140 : i32 to index
      %get3A_2143 = arith.constant 48 : index
      %get3A_2144 = tpu.vector_load %arg11[%get3A_2141, %get3A_2142, %get3A_2143] {strides = array<i32>} : memref<4x100x64xf32, #tpu.memory_space<vmem>>, vector<16xf32>,
      %add3A_2145 = arith.addf %add3A_2121, %get3A_2144 : vector<16xf32>
      %get3A_2146 = arith.constant 76 : i32
      %get3A_2147 = arith.index_cast %rem3A_221 : i32 to index
      %get3A_2148 = arith.index_cast %get3A_2146 : i32 to index
      %get3A_2149 = arith.constant 0 : index
      %get3A_2150 = tpu.vector_load %arg11[%get3A_2147, %get3A_2148, %get3A_2149] {strides = array<i32>} : memref<4x100x64xf32, #tpu.memory_space<vmem>>, vector<16xf32>,
      %add3A_2151 = arith.addf %add3A_2127, %get3A_2150 : vector<16xf32>
      %get3A_2152 = arith.constant 76 : i32
      %get3A_2153 = arith.index_cast %rem3A_221 : i32 to index
      %get3A_2154 = arith.index_cast %get3A_2152 : i32 to index
      %get3A_2155 = arith.constant 16 : index
      %get3A_2156 = tpu.vector_load %arg11[%get3A_2153, %get3A_2154, %get3A_2155] {strides = array<i32>} : memref<4x100x64xf32, #tpu.memory_space<vmem>>, vector<16xf32>,
      %add3A_2157 = arith.addf %add3A_2133, %get3A_2156 : vector<16xf32>
      %get3A_2158 = arith.constant 76 : i32
      %get3A_2159 = arith.index_cast %rem3A_221 : i32 to index
      %get3A_2160 = arith.index_cast %get3A_2158 : i32 to index
      %get3A_2161 = arith.constant 32 : index
      %get3A_2162 = tpu.vector_load %arg11[%get3A_2159, %get3A_2160, %get3A_2161] {strides = array<i32>} : memref<4x100x64xf32, #tpu.memory_space<vmem>>, vector<16xf32>,
      %add3A_2163 = arith.addf %add3A_2139, %get3A_2162 : vector<16xf32>
      %get3A_2164 = arith.constant 76 : i32
      %get3A_2165 = arith.index_cast %rem3A_221 : i32 to index
      %get3A_2166 = arith.index_cast %get3A_2164 : i32 to index
      %get3A_2167 = arith.constant 48 : index
      %get3A_2168 = tpu.vector_load %arg11[%get3A_2165, %get3A_2166, %get3A_2167] {strides = array<i32>} : memref<4x100x64xf32, #tpu.memory_space<vmem>>, vector<16xf32>,
      %add3A_2169 = arith.addf %add3A_2145, %get3A_2168 : vector<16xf32>
      %get3A_2170 = arith.constant 77 : i32
      %get3A_2171 = arith.index_cast %rem3A_221 : i32 to index
      %get3A_2172 = arith.index_cast %get3A_2170 : i32 to index
      %get3A_2173 = arith.constant 0 : index
      %get3A_2174 = tpu.vector_load %arg11[%get3A_2171, %get3A_2172, %get3A_2173] {strides = array<i32>} : memref<4x100x64xf32, #tpu.memory_space<vmem>>, vector<16xf32>,
      %add3A_2175 = arith.addf %add3A_2151, %get3A_2174 : vector<16xf32>
      %get3A_2176 = arith.constant 77 : i32
      %get3A_2177 = arith.index_cast %rem3A_221 : i32 to index
      %get3A_2178 = arith.index_cast %get3A_2176 : i32 to index
      %get3A_2179 = arith.constant 16 : index
      %get3A_2180 = tpu.vector_load %arg11[%get3A_2177, %get3A_2178, %get3A_2179] {strides = array<i32>} : memref<4x100x64xf32, #tpu.memory_space<vmem>>, vector<16xf32>,
      %add3A_2181 = arith.addf %add3A_2157, %get3A_2180 : vector<16xf32>
      %get3A_2182 = arith.constant 77 : i32
      %get3A_2183 = arith.index_cast %rem3A_221 : i32 to index
      %get3A_2184 = arith.index_cast %get3A_2182 : i32 to index
      %get3A_2185 = arith.constant 32 : index
      %get3A_2186 = tpu.vector_load %arg11[%get3A_2183, %get3A_2184, %get3A_2185] {strides = array<i32>} : memref<4x100x64xf32, #tpu.memory_space<vmem>>, vector<16xf32>,
      %add3A_2187 = arith.addf %add3A_2163, %get3A_2186 : vector<16xf32>
      %get3A_2188 = arith.constant 77 : i32
      %get3A_2189 = arith.index_cast %rem3A_221 : i32 to index
      %get3A_2190 = arith.index_cast %get3A_2188 : i32 to index
      %get3A_2191 = arith.constant 48 : index
      %get3A_2192 = tpu.vector_load %arg11[%get3A_2189, %get3A_2190, %get3A_2191] {strides = array<i32>} : memref<4x100x64xf32, #tpu.memory_space<vmem>>, vector<16xf32>,
      %add3A_2193 = arith.addf %add3A_2169, %get3A_2192 : vector<16xf32>
      %get3A_2194 = arith.constant 78 : i32
      %get3A_2195 = arith.index_cast %rem3A_221 : i32 to index
      %get3A_2196 = arith.index_cast %get3A_2194 : i32 to index
      %get3A_2197 = arith.constant 0 : index
      %get3A_2198 = tpu.vector_load %arg11[%get3A_2195, %get3A_2196, %get3A_2197] {strides = array<i32>} : memref<4x100x64xf32, #tpu.memory_space<vmem>>, vector<16xf32>,
      %add3A_2199 = arith.addf %add3A_2175, %get3A_2198 : vector<16xf32>
      %get3A_2200 = arith.constant 78 : i32
      %get3A_2201 = arith.index_cast %rem3A_221 : i32 to index
      %get3A_2202 = arith.index_cast %get3A_2200 : i32 to index
      %get3A_2203 = arith.constant 16 : index
      %get3A_2204 = tpu.vector_load %arg11[%get3A_2201, %get3A_2202, %get3A_2203] {strides = array<i32>} : memref<4x100x64xf32, #tpu.memory_space<vmem>>, vector<16xf32>,
      %add3A_2205 = arith.addf %add3A_2181, %get3A_2204 : vector<16xf32>
      %get3A_2206 = arith.constant 78 : i32
      %get3A_2207 = arith.index_cast %rem3A_221 : i32 to index
      %get3A_2208 = arith.index_cast %get3A_2206 : i32 to index
      %get3A_2209 = arith.constant 32 : index
      %get3A_2210 = tpu.vector_load %arg11[%get3A_2207, %get3A_2208, %get3A_2209] {strides = array<i32>} : memref<4x100x64xf32, #tpu.memory_space<vmem>>, vector<16xf32>,
      %add3A_2211 = arith.addf %add3A_2187, %get3A_2210 : vector<16xf32>
      %get3A_2212 = arith.constant 78 : i32
      %get3A_2213 = arith.index_cast %rem3A_221 : i32 to index
      %get3A_2214 = arith.index_cast %get3A_2212 : i32 to index
      %get3A_2215 = arith.constant 48 : index
      %get3A_2216 = tpu.vector_load %arg11[%get3A_2213, %get3A_2214, %get3A_2215] {strides = array<i32>} : memref<4x100x64xf32, #tpu.memory_space<vmem>>, vector<16xf32>,
      %add3A_2217 = arith.addf %add3A_2193, %get3A_2216 : vector<16xf32>
      %get3A_2218 = arith.constant 79 : i32
      %get3A_2219 = arith.index_cast %rem3A_221 : i32 to index
      %get3A_2220 = arith.index_cast %get3A_2218 : i32 to index
      %get3A_2221 = arith.constant 0 : index
      %get3A_2222 = tpu.vector_load %arg11[%get3A_2219, %get3A_2220, %get3A_2221] {strides = array<i32>} : memref<4x100x64xf32, #tpu.memory_space<vmem>>, vector<16xf32>,
      %add3A_2223 = arith.addf %add3A_2199, %get3A_2222 : vector<16xf32>
      %get3A_2224 = arith.constant 79 : i32
      %get3A_2225 = arith.index_cast %rem3A_221 : i32 to index
      %get3A_2226 = arith.index_cast %get3A_2224 : i32 to index
      %get3A_2227 = arith.constant 16 : index
      %get3A_2228 = tpu.vector_load %arg11[%get3A_2225, %get3A_2226, %get3A_2227] {strides = array<i32>} : memref<4x100x64xf32, #tpu.memory_space<vmem>>, vector<16xf32>,
      %add3A_2229 = arith.addf %add3A_2205, %get3A_2228 : vector<16xf32>
      %get3A_2230 = arith.constant 79 : i32
      %get3A_2231 = arith.index_cast %rem3A_221 : i32 to index
      %get3A_2232 = arith.index_cast %get3A_2230 : i32 to index
      %get3A_2233 = arith.constant 32 : index
      %get3A_2234 = tpu.vector_load %arg11[%get3A_2231, %get3A_2232, %get3A_2233] {strides = array<i32>} : memref<4x100x64xf32, #tpu.memory_space<vmem>>, vector<16xf32>,
      %add3A_2235 = arith.addf %add3A_2211, %get3A_2234 : vector<16xf32>
      %get3A_2236 = arith.constant 79 : i32
      %get3A_2237 = arith.index_cast %rem3A_221 : i32 to index
      %get3A_2238 = arith.index_cast %get3A_2236 : i32 to index
      %get3A_2239 = arith.constant 48 : index
      %get3A_2240 = tpu.vector_load %arg11[%get3A_2237, %get3A_2238, %get3A_2239] {strides = array<i32>} : memref<4x100x64xf32, #tpu.memory_space<vmem>>, vector<16xf32>,
      %add3A_2241 = arith.addf %add3A_2217, %get3A_2240 : vector<16xf32>
      %get3A_2242 = arith.constant 80 : i32
      %get3A_2243 = arith.index_cast %rem3A_221 : i32 to index
      %get3A_2244 = arith.index_cast %get3A_2242 : i32 to index
      %get3A_2245 = arith.constant 0 : index
      %get3A_2246 = tpu.vector_load %arg11[%get3A_2243, %get3A_2244, %get3A_2245] {strides = array<i32>} : memref<4x100x64xf32, #tpu.memory_space<vmem>>, vector<16xf32>,
      %add3A_2247 = arith.addf %add3A_2223, %get3A_2246 : vector<16xf32>
      %get3A_2248 = arith.constant 80 : i32
      %get3A_2249 = arith.index_cast %rem3A_221 : i32 to index
      %get3A_2250 = arith.index_cast %get3A_2248 : i32 to index
      %get3A_2251 = arith.constant 16 : index
      %get3A_2252 = tpu.vector_load %arg11[%get3A_2249, %get3A_2250, %get3A_2251] {strides = array<i32>} : memref<4x100x64xf32, #tpu.memory_space<vmem>>, vector<16xf32>,
      %add3A_2253 = arith.addf %add3A_2229, %get3A_2252 : vector<16xf32>
      %get3A_2254 = arith.constant 80 : i32
      %get3A_2255 = arith.index_cast %rem3A_221 : i32 to index
      %get3A_2256 = arith.index_cast %get3A_2254 : i32 to index
      %get3A_2257 = arith.constant 32 : index
      %get3A_2258 = tpu.vector_load %arg11[%get3A_2255, %get3A_2256, %get3A_2257] {strides = array<i32>} : memref<4x100x64xf32, #tpu.memory_space<vmem>>, vector<16xf32>,
      %add3A_2259 = arith.addf %add3A_2235, %get3A_2258 : vector<16xf32>
      %get3A_2260 = arith.constant 80 : i32
      %get3A_2261 = arith.index_cast %rem3A_221 : i32 to index
      %get3A_2262 = arith.index_cast %get3A_2260 : i32 to index
      %get3A_2263 = arith.constant 48 : index
      %get3A_2264 = tpu.vector_load %arg11[%get3A_2261, %get3A_2262, %get3A_2263] {strides = array<i32>} : memref<4x100x64xf32, #tpu.memory_space<vmem>>, vector<16xf32>,
      %add3A_2265 = arith.addf %add3A_2241, %get3A_2264 : vector<16xf32>
      %get3A_2266 = arith.constant 81 : i32
      %get3A_2267 = arith.index_cast %rem3A_221 : i32 to index
      %get3A_2268 = arith.index_cast %get3A_2266 : i32 to index
      %get3A_2269 = arith.constant 0 : index
      %get3A_2270 = tpu.vector_load %arg11[%get3A_2267, %get3A_2268, %get3A_2269] {strides = array<i32>} : memref<4x100x64xf32, #tpu.memory_space<vmem>>, vector<16xf32>,
      %add3A_2271 = arith.addf %add3A_2247, %get3A_2270 : vector<16xf32>
      %get3A_2272 = arith.constant 81 : i32
      %get3A_2273 = arith.index_cast %rem3A_221 : i32 to index
      %get3A_2274 = arith.index_cast %get3A_2272 : i32 to index
      %get3A_2275 = arith.constant 16 : index
      %get3A_2276 = tpu.vector_load %arg11[%get3A_2273, %get3A_2274, %get3A_2275] {strides = array<i32>} : memref<4x100x64xf32, #tpu.memory_space<vmem>>, vector<16xf32>,
      %add3A_2277 = arith.addf %add3A_2253, %get3A_2276 : vector<16xf32>
      %get3A_2278 = arith.constant 81 : i32
      %get3A_2279 = arith.index_cast %rem3A_221 : i32 to index
      %get3A_2280 = arith.index_cast %get3A_2278 : i32 to index
      %get3A_2281 = arith.constant 32 : index
      %get3A_2282 = tpu.vector_load %arg11[%get3A_2279, %get3A_2280, %get3A_2281] {strides = array<i32>} : memref<4x100x64xf32, #tpu.memory_space<vmem>>, vector<16xf32>,
      %add3A_2283 = arith.addf %add3A_2259, %get3A_2282 : vector<16xf32>
      %get3A_2284 = arith.constant 81 : i32
      %get3A_2285 = arith.index_cast %rem3A_221 : i32 to index
      %get3A_2286 = arith.index_cast %get3A_2284 : i32 to index
      %get3A_2287 = arith.constant 48 : index
      %get3A_2288 = tpu.vector_load %arg11[%get3A_2285, %get3A_2286, %get3A_2287] {strides = array<i32>} : memref<4x100x64xf32, #tpu.memory_space<vmem>>, vector<16xf32>,
      %add3A_2289 = arith.addf %add3A_2265, %get3A_2288 : vector<16xf32>
      %get3A_2290 = arith.constant 82 : i32
      %get3A_2291 = arith.index_cast %rem3A_221 : i32 to index
      %get3A_2292 = arith.index_cast %get3A_2290 : i32 to index
      %get3A_2293 = arith.constant 0 : index
      %get3A_2294 = tpu.vector_load %arg11[%get3A_2291, %get3A_2292, %get3A_2293] {strides = array<i32>} : memref<4x100x64xf32, #tpu.memory_space<vmem>>, vector<16xf32>,
      %add3A_2295 = arith.addf %add3A_2271, %get3A_2294 : vector<16xf32>
      %get3A_2296 = arith.constant 82 : i32
      %get3A_2297 = arith.index_cast %rem3A_221 : i32 to index
      %get3A_2298 = arith.index_cast %get3A_2296 : i32 to index
      %get3A_2299 = arith.constant 16 : index
      %get3A_2300 = tpu.vector_load %arg11[%get3A_2297, %get3A_2298, %get3A_2299] {strides = array<i32>} : memref<4x100x64xf32, #tpu.memory_space<vmem>>, vector<16xf32>,
      %add3A_2301 = arith.addf %add3A_2277, %get3A_2300 : vector<16xf32>
      %get3A_2302 = arith.constant 82 : i32
      %get3A_2303 = arith.index_cast %rem3A_221 : i32 to index
      %get3A_2304 = arith.index_cast %get3A_2302 : i32 to index
      %get3A_2305 = arith.constant 32 : index
      %get3A_2306 = tpu.vector_load %arg11[%get3A_2303, %get3A_2304, %get3A_2305] {strides = array<i32>} : memref<4x100x64xf32, #tpu.memory_space<vmem>>, vector<16xf32>,
      %add3A_2307 = arith.addf %add3A_2283, %get3A_2306 : vector<16xf32>
      %get3A_2308 = arith.constant 82 : i32
      %get3A_2309 = arith.index_cast %rem3A_221 : i32 to index
      %get3A_2310 = arith.index_cast %get3A_2308 : i32 to index
      %get3A_2311 = arith.constant 48 : index
      %get3A_2312 = tpu.vector_load %arg11[%get3A_2309, %get3A_2310, %get3A_2311] {strides = array<i32>} : memref<4x100x64xf32, #tpu.memory_space<vmem>>, vector<16xf32>,
      %add3A_2313 = arith.addf %add3A_2289, %get3A_2312 : vector<16xf32>
      %get3A_2314 = arith.constant 83 : i32
      %get3A_2315 = arith.index_cast %rem3A_221 : i32 to index
      %get3A_2316 = arith.index_cast %get3A_2314 : i32 to index
      %get3A_2317 = arith.constant 0 : index
      %get3A_2318 = tpu.vector_load %arg11[%get3A_2315, %get3A_2316, %get3A_2317] {strides = array<i32>} : memref<4x100x64xf32, #tpu.memory_space<vmem>>, vector<16xf32>,
      %add3A_2319 = arith.addf %add3A_2295, %get3A_2318 : vector<16xf32>
      %get3A_2320 = arith.constant 83 : i32
      %get3A_2321 = arith.index_cast %rem3A_221 : i32 to index
      %get3A_2322 = arith.index_cast %get3A_2320 : i32 to index
      %get3A_2323 = arith.constant 16 : index
      %get3A_2324 = tpu.vector_load %arg11[%get3A_2321, %get3A_2322, %get3A_2323] {strides = array<i32>} : memref<4x100x64xf32, #tpu.memory_space<vmem>>, vector<16xf32>,
      %add3A_2325 = arith.addf %add3A_2301, %get3A_2324 : vector<16xf32>
      %get3A_2326 = arith.constant 83 : i32
      %get3A_2327 = arith.index_cast %rem3A_221 : i32 to index
      %get3A_2328 = arith.index_cast %get3A_2326 : i32 to index
      %get3A_2329 = arith.constant 32 : index
      %get3A_2330 = tpu.vector_load %arg11[%get3A_2327, %get3A_2328, %get3A_2329] {strides = array<i32>} : memref<4x100x64xf32, #tpu.memory_space<vmem>>, vector<16xf32>,
      %add3A_2331 = arith.addf %add3A_2307, %get3A_2330 : vector<16xf32>
      %get3A_2332 = arith.constant 83 : i32
      %get3A_2333 = arith.index_cast %rem3A_221 : i32 to index
      %get3A_2334 = arith.index_cast %get3A_2332 : i32 to index
      %get3A_2335 = arith.constant 48 : index
      %get3A_2336 = tpu.vector_load %arg11[%get3A_2333, %get3A_2334, %get3A_2335] {strides = array<i32>} : memref<4x100x64xf32, #tpu.memory_space<vmem>>, vector<16xf32>,
      %add3A_2337 = arith.addf %add3A_2313, %get3A_2336 : vector<16xf32>
      %get3A_2338 = arith.constant 84 : i32
      %get3A_2339 = arith.index_cast %rem3A_221 : i32 to index
      %get3A_2340 = arith.index_cast %get3A_2338 : i32 to index
      %get3A_2341 = arith.constant 0 : index
      %get3A_2342 = tpu.vector_load %arg11[%get3A_2339, %get3A_2340, %get3A_2341] {strides = array<i32>} : memref<4x100x64xf32, #tpu.memory_space<vmem>>, vector<16xf32>,
      %add3A_2343 = arith.addf %add3A_2319, %get3A_2342 : vector<16xf32>
      %get3A_2344 = arith.constant 84 : i32
      %get3A_2345 = arith.index_cast %rem3A_221 : i32 to index
      %get3A_2346 = arith.index_cast %get3A_2344 : i32 to index
      %get3A_2347 = arith.constant 16 : index
      %get3A_2348 = tpu.vector_load %arg11[%get3A_2345, %get3A_2346, %get3A_2347] {strides = array<i32>} : memref<4x100x64xf32, #tpu.memory_space<vmem>>, vector<16xf32>,
      %add3A_2349 = arith.addf %add3A_2325, %get3A_2348 : vector<16xf32>
      %get3A_2350 = arith.constant 84 : i32
      %get3A_2351 = arith.index_cast %rem3A_221 : i32 to index
      %get3A_2352 = arith.index_cast %get3A_2350 : i32 to index
      %get3A_2353 = arith.constant 32 : index
      %get3A_2354 = tpu.vector_load %arg11[%get3A_2351, %get3A_2352, %get3A_2353] {strides = array<i32>} : memref<4x100x64xf32, #tpu.memory_space<vmem>>, vector<16xf32>,
      %add3A_2355 = arith.addf %add3A_2331, %get3A_2354 : vector<16xf32>
      %get3A_2356 = arith.constant 84 : i32
      %get3A_2357 = arith.index_cast %rem3A_221 : i32 to index
      %get3A_2358 = arith.index_cast %get3A_2356 : i32 to index
      %get3A_2359 = arith.constant 48 : index
      %get3A_2360 = tpu.vector_load %arg11[%get3A_2357, %get3A_2358, %get3A_2359] {strides = array<i32>} : memref<4x100x64xf32, #tpu.memory_space<vmem>>, vector<16xf32>,
      %add3A_2361 = arith.addf %add3A_2337, %get3A_2360 : vector<16xf32>
      %get3A_2362 = arith.constant 85 : i32
      %get3A_2363 = arith.index_cast %rem3A_221 : i32 to index
      %get3A_2364 = arith.index_cast %get3A_2362 : i32 to index
      %get3A_2365 = arith.constant 0 : index
      %get3A_2366 = tpu.vector_load %arg11[%get3A_2363, %get3A_2364, %get3A_2365] {strides = array<i32>} : memref<4x100x64xf32, #tpu.memory_space<vmem>>, vector<16xf32>,
      %add3A_2367 = arith.addf %add3A_2343, %get3A_2366 : vector<16xf32>
      %get3A_2368 = arith.constant 85 : i32
      %get3A_2369 = arith.index_cast %rem3A_221 : i32 to index
      %get3A_2370 = arith.index_cast %get3A_2368 : i32 to index
      %get3A_2371 = arith.constant 16 : index
      %get3A_2372 = tpu.vector_load %arg11[%get3A_2369, %get3A_2370, %get3A_2371] {strides = array<i32>} : memref<4x100x64xf32, #tpu.memory_space<vmem>>, vector<16xf32>,
      %add3A_2373 = arith.addf %add3A_2349, %get3A_2372 : vector<16xf32>
      %get3A_2374 = arith.constant 85 : i32
      %get3A_2375 = arith.index_cast %rem3A_221 : i32 to index
      %get3A_2376 = arith.index_cast %get3A_2374 : i32 to index
      %get3A_2377 = arith.constant 32 : index
      %get3A_2378 = tpu.vector_load %arg11[%get3A_2375, %get3A_2376, %get3A_2377] {strides = array<i32>} : memref<4x100x64xf32, #tpu.memory_space<vmem>>, vector<16xf32>,
      %add3A_2379 = arith.addf %add3A_2355, %get3A_2378 : vector<16xf32>
      %get3A_2380 = arith.constant 85 : i32
      %get3A_2381 = arith.index_cast %rem3A_221 : i32 to index
      %get3A_2382 = arith.index_cast %get3A_2380 : i32 to index
      %get3A_2383 = arith.constant 48 : index
      %get3A_2384 = tpu.vector_load %arg11[%get3A_2381, %get3A_2382, %get3A_2383] {strides = array<i32>} : memref<4x100x64xf32, #tpu.memory_space<vmem>>, vector<16xf32>,
      %add3A_2385 = arith.addf %add3A_2361, %get3A_2384 : vector<16xf32>
      %get3A_2386 = arith.constant 86 : i32
      %get3A_2387 = arith.index_cast %rem3A_221 : i32 to index
      %get3A_2388 = arith.index_cast %get3A_2386 : i32 to index
      %get3A_2389 = arith.constant 0 : index
      %get3A_2390 = tpu.vector_load %arg11[%get3A_2387, %get3A_2388, %get3A_2389] {strides = array<i32>} : memref<4x100x64xf32, #tpu.memory_space<vmem>>, vector<16xf32>,
      %add3A_2391 = arith.addf %add3A_2367, %get3A_2390 : vector<16xf32>
      %get3A_2392 = arith.constant 86 : i32
      %get3A_2393 = arith.index_cast %rem3A_221 : i32 to index
      %get3A_2394 = arith.index_cast %get3A_2392 : i32 to index
      %get3A_2395 = arith.constant 16 : index
      %get3A_2396 = tpu.vector_load %arg11[%get3A_2393, %get3A_2394, %get3A_2395] {strides = array<i32>} : memref<4x100x64xf32, #tpu.memory_space<vmem>>, vector<16xf32>,
      %add3A_2397 = arith.addf %add3A_2373, %get3A_2396 : vector<16xf32>
      %get3A_2398 = arith.constant 86 : i32
      %get3A_2399 = arith.index_cast %rem3A_221 : i32 to index
      %get3A_2400 = arith.index_cast %get3A_2398 : i32 to index
      %get3A_2401 = arith.constant 32 : index
      %get3A_2402 = tpu.vector_load %arg11[%get3A_2399, %get3A_2400, %get3A_2401] {strides = array<i32>} : memref<4x100x64xf32, #tpu.memory_space<vmem>>, vector<16xf32>,
      %add3A_2403 = arith.addf %add3A_2379, %get3A_2402 : vector<16xf32>
      %get3A_2404 = arith.constant 86 : i32
      %get3A_2405 = arith.index_cast %rem3A_221 : i32 to index
      %get3A_2406 = arith.index_cast %get3A_2404 : i32 to index
      %get3A_2407 = arith.constant 48 : index
      %get3A_2408 = tpu.vector_load %arg11[%get3A_2405, %get3A_2406, %get3A_2407] {strides = array<i32>} : memref<4x100x64xf32, #tpu.memory_space<vmem>>, vector<16xf32>,
      %add3A_2409 = arith.addf %add3A_2385, %get3A_2408 : vector<16xf32>
      %get3A_2410 = arith.constant 87 : i32
      %get3A_2411 = arith.index_cast %rem3A_221 : i32 to index
      %get3A_2412 = arith.index_cast %get3A_2410 : i32 to index
      %get3A_2413 = arith.constant 0 : index
      %get3A_2414 = tpu.vector_load %arg11[%get3A_2411, %get3A_2412, %get3A_2413] {strides = array<i32>} : memref<4x100x64xf32, #tpu.memory_space<vmem>>, vector<16xf32>,
      %add3A_2415 = arith.addf %add3A_2391, %get3A_2414 : vector<16xf32>
      %get3A_2416 = arith.constant 87 : i32
      %get3A_2417 = arith.index_cast %rem3A_221 : i32 to index
      %get3A_2418 = arith.index_cast %get3A_2416 : i32 to index
      %get3A_2419 = arith.constant 16 : index
      %get3A_2420 = tpu.vector_load %arg11[%get3A_2417, %get3A_2418, %get3A_2419] {strides = array<i32>} : memref<4x100x64xf32, #tpu.memory_space<vmem>>, vector<16xf32>,
      %add3A_2421 = arith.addf %add3A_2397, %get3A_2420 : vector<16xf32>
      %get3A_2422 = arith.constant 87 : i32
      %get3A_2423 = arith.index_cast %rem3A_221 : i32 to index
      %get3A_2424 = arith.index_cast %get3A_2422 : i32 to index
      %get3A_2425 = arith.constant 32 : index
      %get3A_2426 = tpu.vector_load %arg11[%get3A_2423, %get3A_2424, %get3A_2425] {strides = array<i32>} : memref<4x100x64xf32, #tpu.memory_space<vmem>>, vector<16xf32>,
      %add3A_2427 = arith.addf %add3A_2403, %get3A_2426 : vector<16xf32>
      %get3A_2428 = arith.constant 87 : i32
      %get3A_2429 = arith.index_cast %rem3A_221 : i32 to index
      %get3A_2430 = arith.index_cast %get3A_2428 : i32 to index
      %get3A_2431 = arith.constant 48 : index
      %get3A_2432 = tpu.vector_load %arg11[%get3A_2429, %get3A_2430, %get3A_2431] {strides = array<i32>} : memref<4x100x64xf32, #tpu.memory_space<vmem>>, vector<16xf32>,
      %add3A_2433 = arith.addf %add3A_2409, %get3A_2432 : vector<16xf32>
      %get3A_2434 = arith.constant 88 : i32
      %get3A_2435 = arith.index_cast %rem3A_221 : i32 to index
      %get3A_2436 = arith.index_cast %get3A_2434 : i32 to index
      %get3A_2437 = arith.constant 0 : index
      %get3A_2438 = tpu.vector_load %arg11[%get3A_2435, %get3A_2436, %get3A_2437] {strides = array<i32>} : memref<4x100x64xf32, #tpu.memory_space<vmem>>, vector<16xf32>,
      %add3A_2439 = arith.addf %add3A_2415, %get3A_2438 : vector<16xf32>
      %get3A_2440 = arith.constant 88 : i32
      %get3A_2441 = arith.index_cast %rem3A_221 : i32 to index
      %get3A_2442 = arith.index_cast %get3A_2440 : i32 to index
      %get3A_2443 = arith.constant 16 : index
      %get3A_2444 = tpu.vector_load %arg11[%get3A_2441, %get3A_2442, %get3A_2443] {strides = array<i32>} : memref<4x100x64xf32, #tpu.memory_space<vmem>>, vector<16xf32>,
      %add3A_2445 = arith.addf %add3A_2421, %get3A_2444 : vector<16xf32>
      %get3A_2446 = arith.constant 88 : i32
      %get3A_2447 = arith.index_cast %rem3A_221 : i32 to index
      %get3A_2448 = arith.index_cast %get3A_2446 : i32 to index
      %get3A_2449 = arith.constant 32 : index
      %get3A_2450 = tpu.vector_load %arg11[%get3A_2447, %get3A_2448, %get3A_2449] {strides = array<i32>} : memref<4x100x64xf32, #tpu.memory_space<vmem>>, vector<16xf32>,
      %add3A_2451 = arith.addf %add3A_2427, %get3A_2450 : vector<16xf32>
      %get3A_2452 = arith.constant 88 : i32
      %get3A_2453 = arith.index_cast %rem3A_221 : i32 to index
      %get3A_2454 = arith.index_cast %get3A_2452 : i32 to index
      %get3A_2455 = arith.constant 48 : index
      %get3A_2456 = tpu.vector_load %arg11[%get3A_2453, %get3A_2454, %get3A_2455] {strides = array<i32>} : memref<4x100x64xf32, #tpu.memory_space<vmem>>, vector<16xf32>,
      %add3A_2457 = arith.addf %add3A_2433, %get3A_2456 : vector<16xf32>
      %get3A_2458 = arith.constant 89 : i32
      %get3A_2459 = arith.index_cast %rem3A_221 : i32 to index
      %get3A_2460 = arith.index_cast %get3A_2458 : i32 to index
      %get3A_2461 = arith.constant 0 : index
      %get3A_2462 = tpu.vector_load %arg11[%get3A_2459, %get3A_2460, %get3A_2461] {strides = array<i32>} : memref<4x100x64xf32, #tpu.memory_space<vmem>>, vector<16xf32>,
      %add3A_2463 = arith.addf %add3A_2439, %get3A_2462 : vector<16xf32>
      %get3A_2464 = arith.constant 89 : i32
      %get3A_2465 = arith.index_cast %rem3A_221 : i32 to index
      %get3A_2466 = arith.index_cast %get3A_2464 : i32 to index
      %get3A_2467 = arith.constant 16 : index
      %get3A_2468 = tpu.vector_load %arg11[%get3A_2465, %get3A_2466, %get3A_2467] {strides = array<i32>} : memref<4x100x64xf32, #tpu.memory_space<vmem>>, vector<16xf32>,
      %add3A_2469 = arith.addf %add3A_2445, %get3A_2468 : vector<16xf32>
      %get3A_2470 = arith.constant 89 : i32
      %get3A_2471 = arith.index_cast %rem3A_221 : i32 to index
      %get3A_2472 = arith.index_cast %get3A_2470 : i32 to index
      %get3A_2473 = arith.constant 32 : index
      %get3A_2474 = tpu.vector_load %arg11[%get3A_2471, %get3A_2472, %get3A_2473] {strides = array<i32>} : memref<4x100x64xf32, #tpu.memory_space<vmem>>, vector<16xf32>,
      %add3A_2475 = arith.addf %add3A_2451, %get3A_2474 : vector<16xf32>
      %get3A_2476 = arith.constant 89 : i32
      %get3A_2477 = arith.index_cast %rem3A_221 : i32 to index
      %get3A_2478 = arith.index_cast %get3A_2476 : i32 to index
      %get3A_2479 = arith.constant 48 : index
      %get3A_2480 = tpu.vector_load %arg11[%get3A_2477, %get3A_2478, %get3A_2479] {strides = array<i32>} : memref<4x100x64xf32, #tpu.memory_space<vmem>>, vector<16xf32>,
      %add3A_2481 = arith.addf %add3A_2457, %get3A_2480 : vector<16xf32>
      %get3A_2482 = arith.constant 90 : i32
      %get3A_2483 = arith.index_cast %rem3A_221 : i32 to index
      %get3A_2484 = arith.index_cast %get3A_2482 : i32 to index
      %get3A_2485 = arith.constant 0 : index
      %get3A_2486 = tpu.vector_load %arg11[%get3A_2483, %get3A_2484, %get3A_2485] {strides = array<i32>} : memref<4x100x64xf32, #tpu.memory_space<vmem>>, vector<16xf32>,
      %add3A_2487 = arith.addf %add3A_2463, %get3A_2486 : vector<16xf32>
      %get3A_2488 = arith.constant 90 : i32
      %get3A_2489 = arith.index_cast %rem3A_221 : i32 to index
      %get3A_2490 = arith.index_cast %get3A_2488 : i32 to index
      %get3A_2491 = arith.constant 16 : index
      %get3A_2492 = tpu.vector_load %arg11[%get3A_2489, %get3A_2490, %get3A_2491] {strides = array<i32>} : memref<4x100x64xf32, #tpu.memory_space<vmem>>, vector<16xf32>,
      %add3A_2493 = arith.addf %add3A_2469, %get3A_2492 : vector<16xf32>
      %get3A_2494 = arith.constant 90 : i32
      %get3A_2495 = arith.index_cast %rem3A_221 : i32 to index
      %get3A_2496 = arith.index_cast %get3A_2494 : i32 to index
      %get3A_2497 = arith.constant 32 : index
      %get3A_2498 = tpu.vector_load %arg11[%get3A_2495, %get3A_2496, %get3A_2497] {strides = array<i32>} : memref<4x100x64xf32, #tpu.memory_space<vmem>>, vector<16xf32>,
      %add3A_2499 = arith.addf %add3A_2475, %get3A_2498 : vector<16xf32>
      %get3A_2500 = arith.constant 90 : i32
      %get3A_2501 = arith.index_cast %rem3A_221 : i32 to index
      %get3A_2502 = arith.index_cast %get3A_2500 : i32 to index
      %get3A_2503 = arith.constant 48 : index
      %get3A_2504 = tpu.vector_load %arg11[%get3A_2501, %get3A_2502, %get3A_2503] {strides = array<i32>} : memref<4x100x64xf32, #tpu.memory_space<vmem>>, vector<16xf32>,
      %add3A_2505 = arith.addf %add3A_2481, %get3A_2504 : vector<16xf32>
      %get3A_2506 = arith.constant 91 : i32
      %get3A_2507 = arith.index_cast %rem3A_221 : i32 to index
      %get3A_2508 = arith.index_cast %get3A_2506 : i32 to index
      %get3A_2509 = arith.constant 0 : index
      %get3A_2510 = tpu.vector_load %arg11[%get3A_2507, %get3A_2508, %get3A_2509] {strides = array<i32>} : memref<4x100x64xf32, #tpu.memory_space<vmem>>, vector<16xf32>,
      %add3A_2511 = arith.addf %add3A_2487, %get3A_2510 : vector<16xf32>
      %get3A_2512 = arith.constant 91 : i32
      %get3A_2513 = arith.index_cast %rem3A_221 : i32 to index
      %get3A_2514 = arith.index_cast %get3A_2512 : i32 to index
      %get3A_2515 = arith.constant 16 : index
      %get3A_2516 = tpu.vector_load %arg11[%get3A_2513, %get3A_2514, %get3A_2515] {strides = array<i32>} : memref<4x100x64xf32, #tpu.memory_space<vmem>>, vector<16xf32>,
      %add3A_2517 = arith.addf %add3A_2493, %get3A_2516 : vector<16xf32>
      %get3A_2518 = arith.constant 91 : i32
      %get3A_2519 = arith.index_cast %rem3A_221 : i32 to index
      %get3A_2520 = arith.index_cast %get3A_2518 : i32 to index
      %get3A_2521 = arith.constant 32 : index
      %get3A_2522 = tpu.vector_load %arg11[%get3A_2519, %get3A_2520, %get3A_2521] {strides = array<i32>} : memref<4x100x64xf32, #tpu.memory_space<vmem>>, vector<16xf32>,
      %add3A_2523 = arith.addf %add3A_2499, %get3A_2522 : vector<16xf32>
      %get3A_2524 = arith.constant 91 : i32
      %get3A_2525 = arith.index_cast %rem3A_221 : i32 to index
      %get3A_2526 = arith.index_cast %get3A_2524 : i32 to index
      %get3A_2527 = arith.constant 48 : index
      %get3A_2528 = tpu.vector_load %arg11[%get3A_2525, %get3A_2526, %get3A_2527] {strides = array<i32>} : memref<4x100x64xf32, #tpu.memory_space<vmem>>, vector<16xf32>,
      %add3A_2529 = arith.addf %add3A_2505, %get3A_2528 : vector<16xf32>
      %get3A_2530 = arith.constant 92 : i32
      %get3A_2531 = arith.index_cast %rem3A_221 : i32 to index
      %get3A_2532 = arith.index_cast %get3A_2530 : i32 to index
      %get3A_2533 = arith.constant 0 : index
      %get3A_2534 = tpu.vector_load %arg11[%get3A_2531, %get3A_2532, %get3A_2533] {strides = array<i32>} : memref<4x100x64xf32, #tpu.memory_space<vmem>>, vector<16xf32>,
      %add3A_2535 = arith.addf %add3A_2511, %get3A_2534 : vector<16xf32>
      %get3A_2536 = arith.constant 92 : i32
      %get3A_2537 = arith.index_cast %rem3A_221 : i32 to index
      %get3A_2538 = arith.index_cast %get3A_2536 : i32 to index
      %get3A_2539 = arith.constant 16 : index
      %get3A_2540 = tpu.vector_load %arg11[%get3A_2537, %get3A_2538, %get3A_2539] {strides = array<i32>} : memref<4x100x64xf32, #tpu.memory_space<vmem>>, vector<16xf32>,
      %add3A_2541 = arith.addf %add3A_2517, %get3A_2540 : vector<16xf32>
      %get3A_2542 = arith.constant 92 : i32
      %get3A_2543 = arith.index_cast %rem3A_221 : i32 to index
      %get3A_2544 = arith.index_cast %get3A_2542 : i32 to index
      %get3A_2545 = arith.constant 32 : index
      %get3A_2546 = tpu.vector_load %arg11[%get3A_2543, %get3A_2544, %get3A_2545] {strides = array<i32>} : memref<4x100x64xf32, #tpu.memory_space<vmem>>, vector<16xf32>,
      %add3A_2547 = arith.addf %add3A_2523, %get3A_2546 : vector<16xf32>
      %get3A_2548 = arith.constant 92 : i32
      %get3A_2549 = arith.index_cast %rem3A_221 : i32 to index
      %get3A_2550 = arith.index_cast %get3A_2548 : i32 to index
      %get3A_2551 = arith.constant 48 : index
      %get3A_2552 = tpu.vector_load %arg11[%get3A_2549, %get3A_2550, %get3A_2551] {strides = array<i32>} : memref<4x100x64xf32, #tpu.memory_space<vmem>>, vector<16xf32>,
      %add3A_2553 = arith.addf %add3A_2529, %get3A_2552 : vector<16xf32>
      %get3A_2554 = arith.constant 93 : i32
      %get3A_2555 = arith.index_cast %rem3A_221 : i32 to index
      %get3A_2556 = arith.index_cast %get3A_2554 : i32 to index
      %get3A_2557 = arith.constant 0 : index
      %get3A_2558 = tpu.vector_load %arg11[%get3A_2555, %get3A_2556, %get3A_2557] {strides = array<i32>} : memref<4x100x64xf32, #tpu.memory_space<vmem>>, vector<16xf32>,
      %add3A_2559 = arith.addf %add3A_2535, %get3A_2558 : vector<16xf32>
      %get3A_2560 = arith.constant 93 : i32
      %get3A_2561 = arith.index_cast %rem3A_221 : i32 to index
      %get3A_2562 = arith.index_cast %get3A_2560 : i32 to index
      %get3A_2563 = arith.constant 16 : index
      %get3A_2564 = tpu.vector_load %arg11[%get3A_2561, %get3A_2562, %get3A_2563] {strides = array<i32>} : memref<4x100x64xf32, #tpu.memory_space<vmem>>, vector<16xf32>,
      %add3A_2565 = arith.addf %add3A_2541, %get3A_2564 : vector<16xf32>
      %get3A_2566 = arith.constant 93 : i32
      %get3A_2567 = arith.index_cast %rem3A_221 : i32 to index
      %get3A_2568 = arith.index_cast %get3A_2566 : i32 to index
      %get3A_2569 = arith.constant 32 : index
      %get3A_2570 = tpu.vector_load %arg11[%get3A_2567, %get3A_2568, %get3A_2569] {strides = array<i32>} : memref<4x100x64xf32, #tpu.memory_space<vmem>>, vector<16xf32>,
      %add3A_2571 = arith.addf %add3A_2547, %get3A_2570 : vector<16xf32>
      %get3A_2572 = arith.constant 93 : i32
      %get3A_2573 = arith.index_cast %rem3A_221 : i32 to index
      %get3A_2574 = arith.index_cast %get3A_2572 : i32 to index
      %get3A_2575 = arith.constant 48 : index
      %get3A_2576 = tpu.vector_load %arg11[%get3A_2573, %get3A_2574, %get3A_2575] {strides = array<i32>} : memref<4x100x64xf32, #tpu.memory_space<vmem>>, vector<16xf32>,
      %add3A_2577 = arith.addf %add3A_2553, %get3A_2576 : vector<16xf32>
      %get3A_2578 = arith.constant 94 : i32
      %get3A_2579 = arith.index_cast %rem3A_221 : i32 to index
      %get3A_2580 = arith.index_cast %get3A_2578 : i32 to index
      %get3A_2581 = arith.constant 0 : index
      %get3A_2582 = tpu.vector_load %arg11[%get3A_2579, %get3A_2580, %get3A_2581] {strides = array<i32>} : memref<4x100x64xf32, #tpu.memory_space<vmem>>, vector<16xf32>,
      %add3A_2583 = arith.addf %add3A_2559, %get3A_2582 : vector<16xf32>
      %get3A_2584 = arith.constant 94 : i32
      %get3A_2585 = arith.index_cast %rem3A_221 : i32 to index
      %get3A_2586 = arith.index_cast %get3A_2584 : i32 to index
      %get3A_2587 = arith.constant 16 : index
      %get3A_2588 = tpu.vector_load %arg11[%get3A_2585, %get3A_2586, %get3A_2587] {strides = array<i32>} : memref<4x100x64xf32, #tpu.memory_space<vmem>>, vector<16xf32>,
      %add3A_2589 = arith.addf %add3A_2565, %get3A_2588 : vector<16xf32>
      %get3A_2590 = arith.constant 94 : i32
      %get3A_2591 = arith.index_cast %rem3A_221 : i32 to index
      %get3A_2592 = arith.index_cast %get3A_2590 : i32 to index
      %get3A_2593 = arith.constant 32 : index
      %get3A_2594 = tpu.vector_load %arg11[%get3A_2591, %get3A_2592, %get3A_2593] {strides = array<i32>} : memref<4x100x64xf32, #tpu.memory_space<vmem>>, vector<16xf32>,
      %add3A_2595 = arith.addf %add3A_2571, %get3A_2594 : vector<16xf32>
      %get3A_2596 = arith.constant 94 : i32
      %get3A_2597 = arith.index_cast %rem3A_221 : i32 to index
      %get3A_2598 = arith.index_cast %get3A_2596 : i32 to index
      %get3A_2599 = arith.constant 48 : index
      %get3A_2600 = tpu.vector_load %arg11[%get3A_2597, %get3A_2598, %get3A_2599] {strides = array<i32>} : memref<4x100x64xf32, #tpu.memory_space<vmem>>, vector<16xf32>,
      %add3A_2601 = arith.addf %add3A_2577, %get3A_2600 : vector<16xf32>
      %get3A_2602 = arith.constant 95 : i32
      %get3A_2603 = arith.index_cast %rem3A_221 : i32 to index
      %get3A_2604 = arith.index_cast %get3A_2602 : i32 to index
      %get3A_2605 = arith.constant 0 : index
      %get3A_2606 = tpu.vector_load %arg11[%get3A_2603, %get3A_2604, %get3A_2605] {strides = array<i32>} : memref<4x100x64xf32, #tpu.memory_space<vmem>>, vector<16xf32>,
      %add3A_2607 = arith.addf %add3A_2583, %get3A_2606 : vector<16xf32>
      %get3A_2608 = arith.constant 95 : i32
      %get3A_2609 = arith.index_cast %rem3A_221 : i32 to index
      %get3A_2610 = arith.index_cast %get3A_2608 : i32 to index
      %get3A_2611 = arith.constant 16 : index
      %get3A_2612 = tpu.vector_load %arg11[%get3A_2609, %get3A_2610, %get3A_2611] {strides = array<i32>} : memref<4x100x64xf32, #tpu.memory_space<vmem>>, vector<16xf32>,
      %add3A_2613 = arith.addf %add3A_2589, %get3A_2612 : vector<16xf32>
      %get3A_2614 = arith.constant 95 : i32
      %get3A_2615 = arith.index_cast %rem3A_221 : i32 to index
      %get3A_2616 = arith.index_cast %get3A_2614 : i32 to index
      %get3A_2617 = arith.constant 32 : index
      %get3A_2618 = tpu.vector_load %arg11[%get3A_2615, %get3A_2616, %get3A_2617] {strides = array<i32>} : memref<4x100x64xf32, #tpu.memory_space<vmem>>, vector<16xf32>,
      %add3A_2619 = arith.addf %add3A_2595, %get3A_2618 : vector<16xf32>
      %get3A_2620 = arith.constant 95 : i32
      %get3A_2621 = arith.index_cast %rem3A_221 : i32 to index
      %get3A_2622 = arith.index_cast %get3A_2620 : i32 to index
      %get3A_2623 = arith.constant 48 : index
      %get3A_2624 = tpu.vector_load %arg11[%get3A_2621, %get3A_2622, %get3A_2623] {strides = array<i32>} : memref<4x100x64xf32, #tpu.memory_space<vmem>>, vector<16xf32>,
      %add3A_2625 = arith.addf %add3A_2601, %get3A_2624 : vector<16xf32>
      %get3A_2626 = arith.constant 96 : i32
      %get3A_2627 = arith.index_cast %rem3A_221 : i32 to index
      %get3A_2628 = arith.index_cast %get3A_2626 : i32 to index
      %get3A_2629 = arith.constant 0 : index
      %get3A_2630 = tpu.vector_load %arg11[%get3A_2627, %get3A_2628, %get3A_2629] {strides = array<i32>} : memref<4x100x64xf32, #tpu.memory_space<vmem>>, vector<16xf32>,
      %add3A_2631 = arith.addf %add3A_2607, %get3A_2630 : vector<16xf32>
      %get3A_2632 = arith.constant 96 : i32
      %get3A_2633 = arith.index_cast %rem3A_221 : i32 to index
      %get3A_2634 = arith.index_cast %get3A_2632 : i32 to index
      %get3A_2635 = arith.constant 16 : index
      %get3A_2636 = tpu.vector_load %arg11[%get3A_2633, %get3A_2634, %get3A_2635] {strides = array<i32>} : memref<4x100x64xf32, #tpu.memory_space<vmem>>, vector<16xf32>,
      %add3A_2637 = arith.addf %add3A_2613, %get3A_2636 : vector<16xf32>
      %get3A_2638 = arith.constant 96 : i32
      %get3A_2639 = arith.index_cast %rem3A_221 : i32 to index
      %get3A_2640 = arith.index_cast %get3A_2638 : i32 to index
      %get3A_2641 = arith.constant 32 : index
      %get3A_2642 = tpu.vector_load %arg11[%get3A_2639, %get3A_2640, %get3A_2641] {strides = array<i32>} : memref<4x100x64xf32, #tpu.memory_space<vmem>>, vector<16xf32>,
      %add3A_2643 = arith.addf %add3A_2619, %get3A_2642 : vector<16xf32>
      %get3A_2644 = arith.constant 96 : i32
      %get3A_2645 = arith.index_cast %rem3A_221 : i32 to index
      %get3A_2646 = arith.index_cast %get3A_2644 : i32 to index
      %get3A_2647 = arith.constant 48 : index
      %get3A_2648 = tpu.vector_load %arg11[%get3A_2645, %get3A_2646, %get3A_2647] {strides = array<i32>} : memref<4x100x64xf32, #tpu.memory_space<vmem>>, vector<16xf32>,
      %add3A_2649 = arith.addf %add3A_2625, %get3A_2648 : vector<16xf32>
      %get3A_2650 = arith.constant 97 : i32
      %get3A_2651 = arith.index_cast %rem3A_221 : i32 to index
      %get3A_2652 = arith.index_cast %get3A_2650 : i32 to index
      %get3A_2653 = arith.constant 0 : index
      %get3A_2654 = tpu.vector_load %arg11[%get3A_2651, %get3A_2652, %get3A_2653] {strides = array<i32>} : memref<4x100x64xf32, #tpu.memory_space<vmem>>, vector<16xf32>,
      %add3A_2655 = arith.addf %add3A_2631, %get3A_2654 : vector<16xf32>
      %get3A_2656 = arith.constant 97 : i32
      %get3A_2657 = arith.index_cast %rem3A_221 : i32 to index
      %get3A_2658 = arith.index_cast %get3A_2656 : i32 to index
      %get3A_2659 = arith.constant 16 : index
      %get3A_2660 = tpu.vector_load %arg11[%get3A_2657, %get3A_2658, %get3A_2659] {strides = array<i32>} : memref<4x100x64xf32, #tpu.memory_space<vmem>>, vector<16xf32>,
      %add3A_2661 = arith.addf %add3A_2637, %get3A_2660 : vector<16xf32>
      %get3A_2662 = arith.constant 97 : i32
      %get3A_2663 = arith.index_cast %rem3A_221 : i32 to index
      %get3A_2664 = arith.index_cast %get3A_2662 : i32 to index
      %get3A_2665 = arith.constant 32 : index
      %get3A_2666 = tpu.vector_load %arg11[%get3A_2663, %get3A_2664, %get3A_2665] {strides = array<i32>} : memref<4x100x64xf32, #tpu.memory_space<vmem>>, vector<16xf32>,
      %add3A_2667 = arith.addf %add3A_2643, %get3A_2666 : vector<16xf32>
      %get3A_2668 = arith.constant 97 : i32
      %get3A_2669 = arith.index_cast %rem3A_221 : i32 to index
      %get3A_2670 = arith.index_cast %get3A_2668 : i32 to index
      %get3A_2671 = arith.constant 48 : index
      %get3A_2672 = tpu.vector_load %arg11[%get3A_2669, %get3A_2670, %get3A_2671] {strides = array<i32>} : memref<4x100x64xf32, #tpu.memory_space<vmem>>, vector<16xf32>,
      %add3A_2673 = arith.addf %add3A_2649, %get3A_2672 : vector<16xf32>
      %get3A_2674 = arith.constant 98 : i32
      %get3A_2675 = arith.index_cast %rem3A_221 : i32 to index
      %get3A_2676 = arith.index_cast %get3A_2674 : i32 to index
      %get3A_2677 = arith.constant 0 : index
      %get3A_2678 = tpu.vector_load %arg11[%get3A_2675, %get3A_2676, %get3A_2677] {strides = array<i32>} : memref<4x100x64xf32, #tpu.memory_space<vmem>>, vector<16xf32>,
      %add3A_2679 = arith.addf %add3A_2655, %get3A_2678 : vector<16xf32>
      %get3A_2680 = arith.constant 98 : i32
      %get3A_2681 = arith.index_cast %rem3A_221 : i32 to index
      %get3A_2682 = arith.index_cast %get3A_2680 : i32 to index
      %get3A_2683 = arith.constant 16 : index
      %get3A_2684 = tpu.vector_load %arg11[%get3A_2681, %get3A_2682, %get3A_2683] {strides = array<i32>} : memref<4x100x64xf32, #tpu.memory_space<vmem>>, vector<16xf32>,
      %add3A_2685 = arith.addf %add3A_2661, %get3A_2684 : vector<16xf32>
      %get3A_2686 = arith.constant 98 : i32
      %get3A_2687 = arith.index_cast %rem3A_221 : i32 to index
      %get3A_2688 = arith.index_cast %get3A_2686 : i32 to index
      %get3A_2689 = arith.constant 32 : index
      %get3A_2690 = tpu.vector_load %arg11[%get3A_2687, %get3A_2688, %get3A_2689] {strides = array<i32>} : memref<4x100x64xf32, #tpu.memory_space<vmem>>, vector<16xf32>,
      %add3A_2691 = arith.addf %add3A_2667, %get3A_2690 : vector<16xf32>
      %get3A_2692 = arith.constant 98 : i32
      %get3A_2693 = arith.index_cast %rem3A_221 : i32 to index
      %get3A_2694 = arith.index_cast %get3A_2692 : i32 to index
      %get3A_2695 = arith.constant 48 : index
      %get3A_2696 = tpu.vector_load %arg11[%get3A_2693, %get3A_2694, %get3A_2695] {strides = array<i32>} : memref<4x100x64xf32, #tpu.memory_space<vmem>>, vector<16xf32>,
      %add3A_2697 = arith.addf %add3A_2673, %get3A_2696 : vector<16xf32>
      %get3A_2698 = arith.constant 99 : i32
      %get3A_2699 = arith.index_cast %rem3A_221 : i32 to index
      %get3A_2700 = arith.index_cast %get3A_2698 : i32 to index
      %get3A_2701 = arith.constant 0 : index
      %get3A_2702 = tpu.vector_load %arg11[%get3A_2699, %get3A_2700, %get3A_2701] {strides = array<i32>} : memref<4x100x64xf32, #tpu.memory_space<vmem>>, vector<16xf32>,
      %add3A_2703 = arith.addf %add3A_2679, %get3A_2702 : vector<16xf32>
      %get3A_2704 = arith.constant 99 : i32
      %get3A_2705 = arith.index_cast %rem3A_221 : i32 to index
      %get3A_2706 = arith.index_cast %get3A_2704 : i32 to index
      %get3A_2707 = arith.constant 16 : index
      %get3A_2708 = tpu.vector_load %arg11[%get3A_2705, %get3A_2706, %get3A_2707] {strides = array<i32>} : memref<4x100x64xf32, #tpu.memory_space<vmem>>, vector<16xf32>,
      %add3A_2709 = arith.addf %add3A_2685, %get3A_2708 : vector<16xf32>
      %get3A_2710 = arith.constant 99 : i32
      %get3A_2711 = arith.index_cast %rem3A_221 : i32 to index
      %get3A_2712 = arith.index_cast %get3A_2710 : i32 to index
      %get3A_2713 = arith.constant 32 : index
      %get3A_2714 = tpu.vector_load %arg11[%get3A_2711, %get3A_2712, %get3A_2713] {strides = array<i32>} : memref<4x100x64xf32, #tpu.memory_space<vmem>>, vector<16xf32>,
      %add3A_2715 = arith.addf %add3A_2691, %get3A_2714 : vector<16xf32>
      %get3A_2716 = arith.constant 99 : i32
      %get3A_2717 = arith.index_cast %rem3A_221 : i32 to index
      %get3A_2718 = arith.index_cast %get3A_2716 : i32 to index
      %get3A_2719 = arith.constant 48 : index
      %get3A_2720 = tpu.vector_load %arg11[%get3A_2717, %get3A_2718, %get3A_2719] {strides = array<i32>} : memref<4x100x64xf32, #tpu.memory_space<vmem>>, vector<16xf32>,
      %add3A_2721 = arith.addf %add3A_2697, %get3A_2720 : vector<16xf32>
      %mul3A_2722 = arith.constant 64 : i32
      %mul3A_2723 = arith.muli %add3A_1505, %mul3A_2722 : i32
      %add3A_2724 = arith.constant 0 : i32
      %add3A_2725 = arith.addi %mul3A_2723, %add3A_2724 : i32
      %swap3A_2726 = arith.index_cast %rem3A_223 : i32 to index
      %swap3A_2727 = arith.index_cast %add3A_2725 : i32 to index
      %swap3A_2728 = tpu.vector_load %arg10[%swap3A_2726, %swap3A_2727] {strides = array<i32>} : memref<2x1664xf32, #tpu.memory_space<vmem>>, vector<16xf32>,
      tpu.vector_store %arg10[%swap3A_2726, %swap3A_2727], %add3A_2703 {strides = array<i32>} : memref<2x1664xf32, #tpu.memory_space<vmem>>, vector<16xf32>,
      %mul3A_2729 = arith.mulf %add3A_2703, %add3A_2703 : vector<16xf32>
      %add3A_2730 = arith.addf %add3A_1501, %mul3A_2729 : vector<16xf32>
      %add3A_2731 = arith.constant 16 : i32
      %add3A_2732 = arith.addi %mul3A_2723, %add3A_2731 : i32
      %swap3A_2733 = arith.index_cast %rem3A_223 : i32 to index
      %swap3A_2734 = arith.index_cast %add3A_2732 : i32 to index
      %swap3A_2735 = tpu.vector_load %arg10[%swap3A_2733, %swap3A_2734] {strides = array<i32>} : memref<2x1664xf32, #tpu.memory_space<vmem>>, vector<16xf32>,
      tpu.vector_store %arg10[%swap3A_2733, %swap3A_2734], %add3A_2709 {strides = array<i32>} : memref<2x1664xf32, #tpu.memory_space<vmem>>, vector<16xf32>,
      %mul3A_2736 = arith.mulf %add3A_2709, %add3A_2709 : vector<16xf32>
      %add3A_2737 = arith.addf %add3A_2730, %mul3A_2736 : vector<16xf32>
      %add3A_2738 = arith.constant 32 : i32
      %add3A_2739 = arith.addi %mul3A_2723, %add3A_2738 : i32
      %swap3A_2740 = arith.index_cast %rem3A_223 : i32 to index
      %swap3A_2741 = arith.index_cast %add3A_2739 : i32 to index
      %swap3A_2742 = tpu.vector_load %arg10[%swap3A_2740, %swap3A_2741] {strides = array<i32>} : memref<2x1664xf32, #tpu.memory_space<vmem>>, vector<16xf32>,
      tpu.vector_store %arg10[%swap3A_2740, %swap3A_2741], %add3A_2715 {strides = array<i32>} : memref<2x1664xf32, #tpu.memory_space<vmem>>, vector<16xf32>,
      %mul3A_2743 = arith.mulf %add3A_2715, %add3A_2715 : vector<16xf32>
      %add3A_2744 = arith.addf %add3A_2737, %mul3A_2743 : vector<16xf32>
      %add3A_2745 = arith.constant 48 : i32
      %add3A_2746 = arith.addi %mul3A_2723, %add3A_2745 : i32
      %swap3A_2747 = arith.index_cast %rem3A_223 : i32 to index
      %swap3A_2748 = arith.index_cast %add3A_2746 : i32 to index
      %swap3A_2749 = tpu.vector_load %arg10[%swap3A_2747, %swap3A_2748] {strides = array<i32>} : memref<2x1664xf32, #tpu.memory_space<vmem>>, vector<16xf32>,
      tpu.vector_store %arg10[%swap3A_2747, %swap3A_2748], %add3A_2721 {strides = array<i32>} : memref<2x1664xf32, #tpu.memory_space<vmem>>, vector<16xf32>,
      %mul3A_2750 = arith.mulf %add3A_2721, %add3A_2721 : vector<16xf32>
      %add3A_2751 = arith.addf %add3A_2744, %mul3A_2750 : vector<16xf32>
      %lt3A = arith.constant 412 : i32
      %lt3A_2752 = arith.cmpi slt, %scan3A_199, %lt3A : i32
      %convert_element_type3A_2753 = arith.extui %lt3A_2752 : i1 to i32
      %cond3A_2754 = arith.constant 0 : i32
      %cond3A_2755 = arith.cmpi ne, %convert_element_type3A_2753, %cond3A_2754 : i32
      scf.if %cond3A_2755 {
        %add3A_2769 = arith.constant 4 : i32
        %add3A_2770 = arith.addi %scan3A_199, %add3A_2769 : i32
        %jit3A_2771 = arith.constant 13 : i32
        %div3A_2772 = arith.divsi %add3A_2770, %jit3A_2771 : i32
        %sign3A_2773 = arith.constant 0 : i32
        %sign3A_2774 = arith.cmpi sgt, %add3A_2770, %sign3A_2773 : i32
        %sign3A_2775 = arith.extui %sign3A_2774 : i1 to i32
        %sign3A_2776 = arith.constant 0 : i32
        %sign3A_2777 = arith.cmpi slt, %add3A_2770, %sign3A_2776 : i32
        %sign3A_2778 = arith.extui %sign3A_2777 : i1 to i32
        %sign3A_2779 = arith.subi %sign3A_2775, %sign3A_2778 : i32
        %sign3A_2780 = arith.constant 0 : i32
        %sign3A_2781 = arith.cmpi sgt, %jit3A_2771, %sign3A_2780 : i32
        %sign3A_2782 = arith.extui %sign3A_2781 : i1 to i32
        %sign3A_2783 = arith.constant 0 : i32
        %sign3A_2784 = arith.cmpi slt, %jit3A_2771, %sign3A_2783 : i32
        %sign3A_2785 = arith.extui %sign3A_2784 : i1 to i32
        %sign3A_2786 = arith.subi %sign3A_2782, %sign3A_2785 : i32
        %ne3A_2787 = arith.cmpi ne, %sign3A_2779, %sign3A_2786 : i32
        %rem3A_2788 = arith.remsi %add3A_2770, %jit3A_2771 : i32
        %ne3A_2789 = arith.constant 0 : i32
        %ne3A_2790 = arith.cmpi ne, %rem3A_2788, %ne3A_2789 : i32
        %and3A_2791 = arith.andi %ne3A_2787, %ne3A_2790 : i1
        %sub3A_2792 = arith.constant 1 : i32
        %sub3A_2793 = arith.subi %div3A_2772, %sub3A_2792 : i32
        %select_n3A_2794 = arith.select %and3A_2791, %sub3A_2793, %div3A_2772 : i32
        %mul3A_2795 = arith.constant 13 : i32
        %mul3A_2796 = arith.muli %select_n3A_2794, %mul3A_2795 : i32
        %sub3A_2797 = arith.subi %add3A_2770, %mul3A_2796 : i32
        %mul3A_2798 = arith.constant 2 : i32
        %mul3A_2799 = arith.muli %mul3A_2798, %sub3A_2797 : i32
        %dma_start3A_2800 = arith.constant 0 : i32
        %dma_start3A_2801 = arith.constant 0 : i32
        %dma_start3A_2802 = tpu.memref_slice %arg11[%rem3A_221, %dma_start3A_2800, %dma_start3A_2801] : memref<4x100x64xf32, #tpu.memory_space<vmem>> -> memref<1x50x64xf32, #tpu.memory_space<vmem>>
        %dma_start3A_2803 = tpu.memref_squeeze %dma_start3A_2802 : memref<1x50x64xf32, #tpu.memory_space<vmem>> -> memref<50x64xf32, #tpu.memory_space<vmem>>
        %dma_start3A_2804 = arith.constant 0 : i32
        %dma_start3A_2805 = tpu.memref_slice %arg8[%select_n3A_2794, %mul3A_2799, %dma_start3A_2804] : memref<32x26x50xi32, #tpu.memory_space<vmem>> -> memref<1x1x50xi32, #tpu.memory_space<vmem>>
        %dma_start3A_2806 = tpu.memref_squeeze %dma_start3A_2805 : memref<1x1x50xi32, #tpu.memory_space<vmem>> -> memref<50xi32, #tpu.memory_space<vmem>>
        %dma_start3A_2807 = arith.constant 0 : i32
        %dma_start3A_2808 = arith.constant 0 : i32
        %dma_start3A_2809 = tpu.memref_slice %arg5[%dma_start3A_2807, %dma_start3A_2808] : memref<100000x64xf32, #tpu.memory_space<hbm>> -> memref<100000x64xf32, #tpu.memory_space<hbm>>
        %dma_start3A_2810 = tpu.memref_slice %arg13[%rem3A_221] : memref<4x!tpu.dma_semaphore, #tpu.memory_space<semaphore_mem>> -> memref<1x!tpu.dma_semaphore, #tpu.memory_space<semaphore_mem>>
        %dma_start3A_2811 = tpu.memref_squeeze %dma_start3A_2810 : memref<1x!tpu.dma_semaphore, #tpu.memory_space<semaphore_mem>> -> memref<!tpu.dma_semaphore, #tpu.memory_space<semaphore_mem>>
        tpu.enqueue_indirect_dma source(%dma_start3A_2809 : memref<100000x64xf32, #tpu.memory_space<hbm>>) target(%dma_start3A_2803 : memref<50x64xf32, #tpu.memory_space<vmem>>) offsets(%dma_start3A_2806 : memref<50xi32, #tpu.memory_space<vmem>>) semaphore(%dma_start3A_2811 : memref<!tpu.dma_semaphore, #tpu.memory_space<semaphore_mem>>)
        %mul3A_2812 = arith.constant 2 : i32
        %mul3A_2813 = arith.muli %mul3A_2812, %sub3A_2797 : i32
        %add3A_2814 = arith.constant 1 : i32
        %add3A_2815 = arith.addi %mul3A_2813, %add3A_2814 : i32
        %dma_start3A_2816 = arith.constant 50 : i32
        %dma_start3A_2817 = arith.constant 0 : i32
        %dma_start3A_2818 = tpu.memref_slice %arg11[%rem3A_221, %dma_start3A_2816, %dma_start3A_2817] : memref<4x100x64xf32, #tpu.memory_space<vmem>> -> memref<1x50x64xf32, #tpu.memory_space<vmem>>
        %dma_start3A_2819 = tpu.memref_squeeze %dma_start3A_2818 : memref<1x50x64xf32, #tpu.memory_space<vmem>> -> memref<50x64xf32, #tpu.memory_space<vmem>>
        %dma_start3A_2820 = arith.constant 0 : i32
        %dma_start3A_2821 = tpu.memref_slice %arg8[%select_n3A_2794, %add3A_2815, %dma_start3A_2820] : memref<32x26x50xi32, #tpu.memory_space<vmem>> -> memref<1x1x50xi32, #tpu.memory_space<vmem>>
        %dma_start3A_2822 = tpu.memref_squeeze %dma_start3A_2821 : memref<1x1x50xi32, #tpu.memory_space<vmem>> -> memref<50xi32, #tpu.memory_space<vmem>>
        %dma_start3A_2823 = arith.constant 0 : i32
        %dma_start3A_2824 = arith.constant 0 : i32
        %dma_start3A_2825 = tpu.memref_slice %arg5[%dma_start3A_2823, %dma_start3A_2824] : memref<100000x64xf32, #tpu.memory_space<hbm>> -> memref<100000x64xf32, #tpu.memory_space<hbm>>
        %dma_start3A_2826 = tpu.memref_slice %arg13[%rem3A_221] : memref<4x!tpu.dma_semaphore, #tpu.memory_space<semaphore_mem>> -> memref<1x!tpu.dma_semaphore, #tpu.memory_space<semaphore_mem>>
        %dma_start3A_2827 = tpu.memref_squeeze %dma_start3A_2826 : memref<1x!tpu.dma_semaphore, #tpu.memory_space<semaphore_mem>> -> memref<!tpu.dma_semaphore, #tpu.memory_space<semaphore_mem>>
        tpu.enqueue_indirect_dma source(%dma_start3A_2825 : memref<100000x64xf32, #tpu.memory_space<hbm>>) target(%dma_start3A_2819 : memref<50x64xf32, #tpu.memory_space<vmem>>) offsets(%dma_start3A_2822 : memref<50xi32, #tpu.memory_space<vmem>>) semaphore(%dma_start3A_2827 : memref<!tpu.dma_semaphore, #tpu.memory_space<semaphore_mem>>)
      } else {
      }
      %eq3A_2756 = arith.constant 12 : i32
      %eq3A_2757 = arith.cmpi eq, %sub3A_219, %eq3A_2756 : i32
      %lt3A_2758 = arith.constant 30 : i32
      %lt3A_2759 = arith.cmpi slt, %select_n3A, %lt3A_2758 : i32
      %and3A_2760 = arith.andi %eq3A_2757, %lt3A_2759 : i1
      %convert_element_type3A_2761 = arith.extui %and3A_2760 : i1 to i32
      %cond3A_2762 = arith.constant 0 : i32
      %cond3A_2763 = arith.cmpi ne, %convert_element_type3A_2761, %cond3A_2762 : i32
      scf.if %cond3A_2763 {
        %add3A_2769 = arith.constant 2 : i32
        %add3A_2770 = arith.addi %select_n3A, %add3A_2769 : i32
        %dma_start3A_2771 = arith.constant 0 : i32
        %dma_start3A_2772 = arith.constant 0 : i32
        %dma_start3A_2773 = tpu.memref_slice %arg9[%rem3A_223, %dma_start3A_2771, %dma_start3A_2772] : memref<2x26x64xf32, #tpu.memory_space<vmem>> -> memref<1x26x64xf32, #tpu.memory_space<vmem>>
        %dma_start3A_2774 = tpu.memref_squeeze %dma_start3A_2773 : memref<1x26x64xf32, #tpu.memory_space<vmem>> -> memref<26x64xf32, #tpu.memory_space<vmem>>
        %dma_start3A_2775 = arith.constant 0 : i32
        %dma_start3A_2776 = tpu.memref_slice %arg7[%add3A_2770, %dma_start3A_2775] : memref<32x26xi32, #tpu.memory_space<vmem>> -> memref<1x26xi32, #tpu.memory_space<vmem>>
        %dma_start3A_2777 = tpu.memref_squeeze %dma_start3A_2776 : memref<1x26xi32, #tpu.memory_space<vmem>> -> memref<26xi32, #tpu.memory_space<vmem>>
        %dma_start3A_2778 = arith.constant 0 : i32
        %dma_start3A_2779 = arith.constant 0 : i32
        %dma_start3A_2780 = tpu.memref_slice %arg4[%dma_start3A_2778, %dma_start3A_2779] : memref<100000x64xf32, #tpu.memory_space<hbm>> -> memref<100000x64xf32, #tpu.memory_space<hbm>>
        %dma_start3A_2781 = tpu.memref_slice %arg12[%rem3A_223] : memref<2x!tpu.dma_semaphore, #tpu.memory_space<semaphore_mem>> -> memref<1x!tpu.dma_semaphore, #tpu.memory_space<semaphore_mem>>
        %dma_start3A_2782 = tpu.memref_squeeze %dma_start3A_2781 : memref<1x!tpu.dma_semaphore, #tpu.memory_space<semaphore_mem>> -> memref<!tpu.dma_semaphore, #tpu.memory_space<semaphore_mem>>
        tpu.enqueue_indirect_dma source(%dma_start3A_2780 : memref<100000x64xf32, #tpu.memory_space<hbm>>) target(%dma_start3A_2774 : memref<26x64xf32, #tpu.memory_space<vmem>>) offsets(%dma_start3A_2777 : memref<26xi32, #tpu.memory_space<vmem>>) semaphore(%dma_start3A_2782 : memref<!tpu.dma_semaphore, #tpu.memory_space<semaphore_mem>>)
      } else {
      }
      %eq3A_2764 = arith.constant 12 : i32
      %eq3A_2765 = arith.cmpi eq, %sub3A_219, %eq3A_2764 : i32
      %convert_element_type3A_2766 = arith.extui %eq3A_2765 : i1 to i32
      %cond3A_2767 = arith.constant 0 : i32
      %cond3A_2768 = arith.cmpi ne, %convert_element_type3A_2766, %cond3A_2767 : i32
      scf.if %cond3A_2768 {
        %reduce_sum3A = arith.constant true
        %reduce_sum3A_2769 = vector.broadcast %reduce_sum3A : i1 to vector<16xi1>
        %reduce_sum3A_2770 = tpu.scan <sum>, %add3A_2751 masked %reduce_sum3A_2769 : vector<16xf32>, vector<16xi1> -> vector<16xf32>
        %reduce_sum3A_2771 = vector.extract %reduce_sum3A_2770[15] : f32 from vector<16xf32>
        %max3A = arith.constant 1.000000e-24 : f32
        %max3A_2772 = arith.maximumf %reduce_sum3A_2771, %max3A : f32
        %broadcast_in_dim3A_2773 = vector.broadcast %max3A_2772 : f32 to vector<16xf32>
        %bitcast3A = vector.bitcast %broadcast_in_dim3A_2773 : vector<16xf32> to vector<16xi32>
        %shift_right_logical3A = arith.constant 1 : i32
        %shift_right_logical3A_2774 = vector.broadcast %shift_right_logical3A : i32 to vector<16xi32>
        %shift_right_logical3A_2775 = arith.shrui %bitcast3A, %shift_right_logical3A_2774 : vector<16xi32>
        %sub3A_2776 = arith.constant 1597463007 : i32
        %sub3A_2777 = vector.broadcast %sub3A_2776 : i32 to vector<16xi32>
        %sub3A_2778 = arith.subi %sub3A_2777, %shift_right_logical3A_2775 : vector<16xi32>
        %bitcast3A_2779 = vector.bitcast %sub3A_2778 : vector<16xi32> to vector<16xf32>
        %mul3A_2780 = arith.constant 5.000000e-01 : f32
        %mul3A_2781 = vector.broadcast %mul3A_2780 : f32 to vector<16xf32>
        %mul3A_2782 = arith.mulf %mul3A_2781, %broadcast_in_dim3A_2773 : vector<16xf32>
        %mul3A_2783 = arith.mulf %mul3A_2782, %bitcast3A_2779 : vector<16xf32>
        %mul3A_2784 = arith.mulf %mul3A_2783, %bitcast3A_2779 : vector<16xf32>
        %sub3A_2785 = arith.constant 1.500000e+00 : f32
        %sub3A_2786 = vector.broadcast %sub3A_2785 : f32 to vector<16xf32>
        %sub3A_2787 = arith.subf %sub3A_2786, %mul3A_2784 : vector<16xf32>
        %mul3A_2788 = arith.mulf %bitcast3A_2779, %sub3A_2787 : vector<16xf32>
        %mul3A_2789 = arith.constant 5.000000e-01 : f32
        %mul3A_2790 = vector.broadcast %mul3A_2789 : f32 to vector<16xf32>
        %mul3A_2791 = arith.mulf %mul3A_2790, %broadcast_in_dim3A_2773 : vector<16xf32>
        %mul3A_2792 = arith.mulf %mul3A_2791, %mul3A_2788 : vector<16xf32>
        %mul3A_2793 = arith.mulf %mul3A_2792, %mul3A_2788 : vector<16xf32>
        %sub3A_2794 = arith.constant 1.500000e+00 : f32
        %sub3A_2795 = vector.broadcast %sub3A_2794 : f32 to vector<16xf32>
        %sub3A_2796 = arith.subf %sub3A_2795, %mul3A_2793 : vector<16xf32>
        %mul3A_2797 = arith.mulf %mul3A_2788, %sub3A_2796 : vector<16xf32>
        %mul3A_2798 = arith.constant 5.000000e-01 : f32
        %mul3A_2799 = vector.broadcast %mul3A_2798 : f32 to vector<16xf32>
        %mul3A_2800 = arith.mulf %mul3A_2799, %broadcast_in_dim3A_2773 : vector<16xf32>
        %mul3A_2801 = arith.mulf %mul3A_2800, %mul3A_2797 : vector<16xf32>
        %mul3A_2802 = arith.mulf %mul3A_2801, %mul3A_2797 : vector<16xf32>
        %sub3A_2803 = arith.constant 1.500000e+00 : f32
        %sub3A_2804 = vector.broadcast %sub3A_2803 : f32 to vector<16xf32>
        %sub3A_2805 = arith.subf %sub3A_2804, %mul3A_2802 : vector<16xf32>
        %mul3A_2806 = arith.mulf %mul3A_2797, %sub3A_2805 : vector<16xf32>
        %scan3A_2807 = arith.constant 0 : i32
        %scan3A_2808 = arith.constant 0 : i32
        %scan3A_2809 = arith.constant 104 : i32
        %scan3A_2810 = arith.addi %scan3A_2808, %scan3A_2809 : i32
        %scan3A_2811 = arith.constant 1 : i32
        scf.for %scan3A_2828 = %scan3A_2808 to %scan3A_2810 step %scan3A_2811  : i32 {
          %mul3A_2829 = arith.constant 16 : i32
          %mul3A_2830 = arith.muli %scan3A_2828, %mul3A_2829 : i32
          %get3A_2831 = arith.index_cast %rem3A_223 : i32 to index
          %get3A_2832 = arith.index_cast %mul3A_2830 : i32 to index
          %get3A_2833 = tpu.vector_load %arg10[%get3A_2831, %get3A_2832] {strides = array<i32>} : memref<2x1664xf32, #tpu.memory_space<vmem>>, vector<16xf32>,
          %mul3A_2834 = arith.mulf %get3A_2833, %mul3A_2806 : vector<16xf32>
          %mul3A_2835 = arith.constant 16 : i32
          %mul3A_2836 = arith.muli %scan3A_2828, %mul3A_2835 : i32
          %swap3A_2837 = arith.index_cast %rem3A_223 : i32 to index
          %swap3A_2838 = arith.index_cast %mul3A_2836 : i32 to index
          %swap3A_2839 = tpu.vector_load %arg10[%swap3A_2837, %swap3A_2838] {strides = array<i32>} : memref<2x1664xf32, #tpu.memory_space<vmem>>, vector<16xf32>,
          tpu.vector_store %arg10[%swap3A_2837, %swap3A_2838], %mul3A_2834 {strides = array<i32>} : memref<2x1664xf32, #tpu.memory_space<vmem>>, vector<16xf32>,
        }
        %scan3A_2812 = arith.constant 104 : i32
        %add3A_2813 = arith.addi %mul3A_2, %select_n3A : i32
        %dma_start3A_2814 = arith.constant 0 : i32
        %dma_start3A_2815 = tpu.memref_slice %arg10[%rem3A_223, %dma_start3A_2814] : memref<2x1664xf32, #tpu.memory_space<vmem>> -> memref<1x1664xf32, #tpu.memory_space<vmem>>
        %dma_start3A_2816 = tpu.memref_squeeze %dma_start3A_2815 : memref<1x1664xf32, #tpu.memory_space<vmem>> -> memref<1664xf32, #tpu.memory_space<vmem>>
        %dma_start3A_2817 = arith.constant 0 : i32
        %dma_start3A_2818 = tpu.memref_slice %arg6[%add3A_2813, %dma_start3A_2817] : memref<1024x1664xf32, #tpu.memory_space<hbm>> -> memref<1x1664xf32, #tpu.memory_space<hbm>>
        %dma_start3A_2819 = tpu.memref_squeeze %dma_start3A_2818 : memref<1x1664xf32, #tpu.memory_space<hbm>> -> memref<1664xf32, #tpu.memory_space<hbm>>
        %dma_start3A_2820 = tpu.memref_slice %arg14[%rem3A_223] : memref<2x!tpu.dma_semaphore, #tpu.memory_space<semaphore_mem>> -> memref<1x!tpu.dma_semaphore, #tpu.memory_space<semaphore_mem>>
        %dma_start3A_2821 = tpu.memref_squeeze %dma_start3A_2820 : memref<1x!tpu.dma_semaphore, #tpu.memory_space<semaphore_mem>> -> memref<!tpu.dma_semaphore, #tpu.memory_space<semaphore_mem>>
        %dma_start3A_2822 = arith.constant 0 : i32
        %dma_start3A_2823 = tpu.memref_slice %arg6[%add3A_2813, %dma_start3A_2822] : memref<1024x1664xf32, #tpu.memory_space<hbm>> -> memref<1x1664xf32, #tpu.memory_space<hbm>>
        %dma_start3A_2824 = tpu.memref_squeeze %dma_start3A_2823 : memref<1x1664xf32, #tpu.memory_space<hbm>> -> memref<1664xf32, #tpu.memory_space<hbm>>
        %dma_start3A_2825 = arith.constant 0 : i32
        %dma_start3A_2826 = tpu.memref_slice %arg10[%rem3A_223, %dma_start3A_2825] : memref<2x1664xf32, #tpu.memory_space<vmem>> -> memref<1x1664xf32, #tpu.memory_space<vmem>>
        %dma_start3A_2827 = tpu.memref_squeeze %dma_start3A_2826 : memref<1x1664xf32, #tpu.memory_space<vmem>> -> memref<1664xf32, #tpu.memory_space<vmem>>
        tpu.enqueue_dma source(%dma_start3A_2827 : memref<1664xf32, #tpu.memory_space<vmem>>) target(%dma_start3A_2824 : memref<1664xf32, #tpu.memory_space<hbm>>) target_semaphore(%dma_start3A_2821 : memref<!tpu.dma_semaphore, #tpu.memory_space<semaphore_mem>>)
      } else {
      }
      scf.yield %add3A_2751 : vector<16xf32>
    }
    %scan3A_165 = arith.constant 416 : i32
    %dma_wait3A = arith.constant 0 : i32
    %dma_wait3A_166 = arith.constant 0 : i32
    %dma_wait3A_167 = arith.constant 0 : i32
    %dma_wait3A_168 = arith.constant 0 : i32
    %dma_wait3A_169 = tpu.memref_slice %arg10[%dma_wait3A_166, %dma_wait3A_168] : memref<2x1664xf32, #tpu.memory_space<vmem>> -> memref<1x1664xf32, #tpu.memory_space<vmem>>
    %dma_wait3A_170 = tpu.memref_squeeze %dma_wait3A_169 : memref<1x1664xf32, #tpu.memory_space<vmem>> -> memref<1664xf32, #tpu.memory_space<vmem>>
    %dma_wait3A_171 = arith.constant 0 : i32
    %dma_wait3A_172 = tpu.memref_slice %arg6[%dma_wait3A, %dma_wait3A_171] : memref<1024x1664xf32, #tpu.memory_space<hbm>> -> memref<1x1664xf32, #tpu.memory_space<hbm>>
    %dma_wait3A_173 = tpu.memref_squeeze %dma_wait3A_172 : memref<1x1664xf32, #tpu.memory_space<hbm>> -> memref<1664xf32, #tpu.memory_space<hbm>>
    %dma_wait3A_174 = tpu.memref_slice %arg14[%dma_wait3A_167] : memref<2x!tpu.dma_semaphore, #tpu.memory_space<semaphore_mem>> -> memref<1x!tpu.dma_semaphore, #tpu.memory_space<semaphore_mem>>
    %dma_wait3A_175 = tpu.memref_squeeze %dma_wait3A_174 : memref<1x!tpu.dma_semaphore, #tpu.memory_space<semaphore_mem>> -> memref<!tpu.dma_semaphore, #tpu.memory_space<semaphore_mem>>
    %dma_wait3A_176 = arith.constant 0 : i32
    %dma_wait3A_177 = tpu.memref_slice %arg10[%dma_wait3A_166, %dma_wait3A_176] : memref<2x1664xf32, #tpu.memory_space<vmem>> -> memref<1x1664xf32, #tpu.memory_space<vmem>>
    %dma_wait3A_178 = tpu.memref_squeeze %dma_wait3A_177 : memref<1x1664xf32, #tpu.memory_space<vmem>> -> memref<1664xf32, #tpu.memory_space<vmem>>
    %dma_wait3A_179 = arith.constant 0 : i32
    %dma_wait3A_180 = tpu.memref_slice %arg6[%dma_wait3A, %dma_wait3A_179] : memref<1024x1664xf32, #tpu.memory_space<hbm>> -> memref<1x1664xf32, #tpu.memory_space<hbm>>
    %dma_wait3A_181 = tpu.memref_squeeze %dma_wait3A_180 : memref<1x1664xf32, #tpu.memory_space<hbm>> -> memref<1664xf32, #tpu.memory_space<hbm>>
    tpu.wait_dma2 semaphore(%dma_wait3A_175 : memref<!tpu.dma_semaphore, #tpu.memory_space<semaphore_mem>>) src(%dma_wait3A_181 : memref<1664xf32, #tpu.memory_space<hbm>>) dst(%dma_wait3A_178 : memref<1664xf32, #tpu.memory_space<vmem>>)
    %dma_wait3A_182 = arith.constant 0 : i32
    %dma_wait3A_183 = arith.constant 0 : i32
    %dma_wait3A_184 = arith.constant 1 : i32
    %dma_wait3A_185 = arith.constant 0 : i32
    %dma_wait3A_186 = tpu.memref_slice %arg10[%dma_wait3A_183, %dma_wait3A_185] : memref<2x1664xf32, #tpu.memory_space<vmem>> -> memref<1x1664xf32, #tpu.memory_space<vmem>>
    %dma_wait3A_187 = tpu.memref_squeeze %dma_wait3A_186 : memref<1x1664xf32, #tpu.memory_space<vmem>> -> memref<1664xf32, #tpu.memory_space<vmem>>
    %dma_wait3A_188 = arith.constant 0 : i32
    %dma_wait3A_189 = tpu.memref_slice %arg6[%dma_wait3A_182, %dma_wait3A_188] : memref<1024x1664xf32, #tpu.memory_space<hbm>> -> memref<1x1664xf32, #tpu.memory_space<hbm>>
    %dma_wait3A_190 = tpu.memref_squeeze %dma_wait3A_189 : memref<1x1664xf32, #tpu.memory_space<hbm>> -> memref<1664xf32, #tpu.memory_space<hbm>>
    %dma_wait3A_191 = tpu.memref_slice %arg14[%dma_wait3A_184] : memref<2x!tpu.dma_semaphore, #tpu.memory_space<semaphore_mem>> -> memref<1x!tpu.dma_semaphore, #tpu.memory_space<semaphore_mem>>
    %dma_wait3A_192 = tpu.memref_squeeze %dma_wait3A_191 : memref<1x!tpu.dma_semaphore, #tpu.memory_space<semaphore_mem>> -> memref<!tpu.dma_semaphore, #tpu.memory_space<semaphore_mem>>
    %dma_wait3A_193 = arith.constant 0 : i32
    %dma_wait3A_194 = tpu.memref_slice %arg10[%dma_wait3A_183, %dma_wait3A_193] : memref<2x1664xf32, #tpu.memory_space<vmem>> -> memref<1x1664xf32, #tpu.memory_space<vmem>>
    %dma_wait3A_195 = tpu.memref_squeeze %dma_wait3A_194 : memref<1x1664xf32, #tpu.memory_space<vmem>> -> memref<1664xf32, #tpu.memory_space<vmem>>
    %dma_wait3A_196 = arith.constant 0 : i32
    %dma_wait3A_197 = tpu.memref_slice %arg6[%dma_wait3A_182, %dma_wait3A_196] : memref<1024x1664xf32, #tpu.memory_space<hbm>> -> memref<1x1664xf32, #tpu.memory_space<hbm>>
    %dma_wait3A_198 = tpu.memref_squeeze %dma_wait3A_197 : memref<1x1664xf32, #tpu.memory_space<hbm>> -> memref<1664xf32, #tpu.memory_space<hbm>>
    tpu.wait_dma2 semaphore(%dma_wait3A_192 : memref<!tpu.dma_semaphore, #tpu.memory_space<semaphore_mem>>) src(%dma_wait3A_198 : memref<1664xf32, #tpu.memory_space<hbm>>) dst(%dma_wait3A_195 : memref<1664xf32, #tpu.memory_space<vmem>>)
    return
  }
}

</mosaic_0001>

<sc_bundles>
// kernel: kernel.3.cloned.1.call-start
scs
__scs_entry_jumppad:
0x0: {  	(pc) =	sbr.rel $0x88, $3  }
0x1: {  	(tag) =	ssettag $0x0;
	lr =	simm.s32 $0x1  }
0x2: {  	[smem:$0x3F9D] =	sst lr;
	_ =	strace $0xD0000000  }
0x3: {  	_ = 	snop  }
0x4: {  	_ = 	snop  }
0x5: {  	_ = 	snop  }
0x6: {  	_ = 	snop  }
0x7: {  	_ = 	snop  }
__scs_overlays_trampoline_lowered:
0x8: {  	[smem:$0x3FAC] =	sst s0  }
0x9: {  	[smem:$0x3FAD] =	sst s1  }
0xa: {  	[smem:$0x3FAE] =	sst s2  }
0xb: {  	[smem:$0x3FAF] =	sst s3  }
0xc: {  	[smem:$0x3FB0] =	sst s4  }
0xd: {  	[smem:$0x3FB1] =	sst s5  }
0xe: {  	[smem:$0x3FB2] =	sst s6  }
0xf: {  	[smem:$0x3FB3] =	sst s7  }
0x10: {  	[smem:$0x3FB4] =	sst s8  }
0x11: {  	[smem:$0x3FB5] =	sst s9;
	s0 =	simm.s32 @!p0 $0x0  }
0x12: {  	s1 =	sld [smem:$0x3F9B];
	s0 =	simm.s32 @p0 $0x1  }
0x13: {  	[smem:$0x3FB6] =	sst s0;
	s0 =	simm.s32 @!p1 $0x0  }
0x14: {  	s2 =	sld [smem:$0x3F9A];
	s0 =	simm.s32 @p1 $0x1  }
0x15: {  	[smem:$0x3FB7] =	sst s0;
	s0 =	simm.s32 @!p2 $0x0  }
0x16: {  	s3 =	sld [smem:$0x3FDB];
	s0 =	simm.s32 @p2 $0x1  }
0x17: {  	s4 =	simm.s32 $0x1BF5;
	[smem:$0x3FB9] =	sst s0  }
0x18: {  	s0 =	sld [smem:$0x3F9C];
	_ =	swait.ge [sflag:s4], $0x0  }
0x19: {  	s7 =	sld [smem:$0x3F9D]  }
0x1a: {  	s8 =	sadd.s32 $0xFFFFE003, lr  }
0x1b: {  	s9 =	sadd.s32 $0xFFFFFEF7, lr;
	s5 =	simm.s32 $0xFFFFFFFF;
	p2 =	slt.u32 s8, $0xFFFFF086  }
0x1c: {  	p1 =	slt.u32 s9, $0xF7A;
	s5 =	simm.s32 @!p2 $0x0  }
0x1d: {  	s5 =	simm.s32 @p1 $0x1;
	p0 =	seq.s32 s7, s2  }
0x1e: {  	s7 =	smul.u32 @!p0 $0xF7A, s2;
	p2 =	seq.s32 @!p0 s5, $0x0  }
0x1f: {  	s9 =	smul.u32 $0xF7A, s1;
	s8 =	simm.s32 @!p0 $0x1BF5;
	p2 =	por !p2, p0  }
0x20: {  	[sflag:s8] =	ssyncset.s32 @!p0 $0xFFFFF086;
	s6 =	sadd.s32 @!p0 s3, s7;
	s7 =	simm.s32 @!p0 $0x108  }
0x21: {  	s3 =	sadd.s32 s3, s9;
	s6 =	sadd.s32 @!p0 $0x88, s6;
	s7 =	simm.s32 @p2 $0x1082  }
0x22: {  	[simem:s7], [sflag:s8] =	dma.local @!p0 [hbm:s6], $0xF7A  }
0x23: {  	s9 =	sor.u32 $0xD0000000, s2;
	s6 =	simm.s32 $0x108;
	_ =	swait.ge @!p0 [sflag:s8], $0x0  }
0x24: {  	s3 =	sadd.s32 $0x88, s3;
	s6 =	simm.s32 @!p1 $0x1082;
	[sflag:s4] =	ssyncset.s32 $0xFFFFF086  }
0x25: {  	[simem:s6], [sflag:s4] =	dma.local [hbm:s3], $0xF7A  }
0x26: {  	[smem:$0x3F9D] =	sst s1;
	(tag) =	ssettag s2;
	_ =	strace s9  }
0x27: {  	s1 =	sld [smem:$0x3FAD]  }
0x28: {  	s2 =	sld [smem:$0x3FAE]  }
0x29: {  	s4 =	sld [smem:$0x3FB0]  }
0x2a: {  	p0 =	seq.s32 s5, $0x0;
	s5 =	sld [smem:$0x3FB1]  }
0x2b: {  	s6 =	sld [smem:$0x3FB2]  }
0x2c: {  	s7 =	sld [smem:$0x3FB3]  }
0x2d: {  	s3 =	simm.s32 $0x108;
	s8 =	sld [smem:$0x3FB4]  }
0x2e: {  	s3 =	simm.s32 @!p0 $0x1082;
	s9 =	sld [smem:$0x3FB5]  }
0x2f: {  	lr =	sadd.s32 s0, s3;
	s0 =	sld [smem:$0x3FAC]  }
0x30: {  	s3 =	sld [smem:$0x3FAF]  }
0x31: {  	[smem:$0x3FB8] =	sst s10  }
0x32: {  	s10 =	sld [smem:$0x3FB6];
	_ =	sdelay $0x3  }
0x33: {  	p0 =	seq.s32 s10, $0x1;
	s10 =	sld [smem:$0x3FB8];
	_ =	sdelay $0x3  }
0x34: {  	[smem:$0x3FB8] =	sst s10  }
0x35: {  	s10 =	sld [smem:$0x3FB7];
	_ =	sdelay $0x3  }
0x36: {  	p1 =	seq.s32 s10, $0x1;
	s10 =	sld [smem:$0x3FB8];
	_ =	sdelay $0x3  }
0x37: {  	[smem:$0x3FB8] =	sst s10  }
0x38: {  	s10 =	sld [smem:$0x3FB9]  }
0x39: {  	_ = 	snop;
	(pc) =	sbr.ind lr, $3  }
0x3a: {  	_ = 	snop  }
0x3b: {  	_ = 	snop  }
0x3c: {  	p2 =	seq.s32 s10, $0x1;
	s10 =	sld [smem:$0x3FB8]  }
0x3d: {  	_ =	shalt  }
0x3e: {  	_ =	shalt  }
0x3f: {  	_ =	shalt  }
0x40: {  	_ =	shalt  }
0x41: {  	_ =	shalt  }
0x42: {  	_ =	shalt  }
0x43: {  	_ =	shalt  }
0x44: {  	_ =	shalt  }
0x45: {  	_ =	shalt  }
0x46: {  	_ =	shalt  }
0x47: {  	_ =	shalt  }
0x48: {  	_ =	shalt  }
0x49: {  	_ =	shalt  }
0x4a: {  	_ =	shalt  }
0x4b: {  	_ =	shalt  }
0x4c: {  	_ =	shalt  }
0x4d: {  	_ =	shalt  }
0x4e: {  	_ =	shalt  }
0x4f: {  	_ =	shalt  }
0x50: {  	_ =	shalt  }
0x51: {  	_ =	shalt  }
0x52: {  	_ =	shalt  }
0x53: {  	_ =	shalt  }
0x54: {  	_ =	shalt  }
0x55: {  	_ =	shalt  }
0x56: {  	_ =	shalt  }
0x57: {  	_ =	shalt  }
0x58: {  	_ =	shalt  }
0x59: {  	_ =	shalt  }
0x5a: {  	_ =	shalt  }
0x5b: {  	_ =	shalt  }
0x5c: {  	_ =	shalt  }
0x5d: {  	_ =	shalt  }
0x5e: {  	_ =	shalt  }
0x5f: {  	_ =	shalt  }
0x60: {  	_ =	shalt  }
0x61: {  	_ =	shalt  }
0x62: {  	_ =	shalt  }
0x63: {  	_ =	shalt  }
0x64: {  	_ =	shalt  }
0x65: {  	_ =	shalt  }
0x66: {  	_ =	shalt  }
0x67: {  	_ =	shalt  }
0x68: {  	_ =	shalt  }
0x69: {  	_ =	shalt  }
0x6a: {  	_ =	shalt  }
0x6b: {  	_ =	shalt  }
0x6c: {  	_ =	shalt  }
0x6d: {  	_ =	shalt  }
0x6e: {  	_ =	shalt  }
0x6f: {  	_ =	shalt  }
0x70: {  	_ =	shalt  }
0x71: {  	_ =	shalt  }
0x72: {  	_ =	shalt  }
0x73: {  	_ =	shalt  }
0x74: {  	_ =	shalt  }
0x75: {  	_ =	shalt  }
0x76: {  	_ =	shalt  }
0x77: {  	_ =	shalt  }
0x78: {  	_ =	shalt  }
0x79: {  	_ =	shalt  }
0x7a: {  	_ =	shalt  }
0x7b: {  	_ =	shalt  }
0x7c: {  	_ =	shalt  }
0x7d: {  	_ =	shalt  }
0x7e: {  	_ =	shalt  }
0x7f: {  	_ =	shalt  }
0x80: {  	_ =	shalt  }
0x81: {  	_ =	shalt  }
0x82: {  	_ =	shalt  }
0x83: {  	_ =	shalt  }
0x84: {  	_ =	shalt  }
0x85: {  	_ =	shalt  }
0x86: {  	_ =	shalt  }
0x87: {  	_ =	shalt  }
.Lfunc_end0:
.L_simem_size_0:
called_computation_lowered:
.L_overlay_start_0:
0x88: {  	s2 =	sld [smem:$0x3FD9]  }
0x89: {  	s3 =	sld [smem:$0x3FFE];
	_ =	sdelay $0x1  }
0x8a: {  	s1 =	srdreg.scid  }
0x8b: {  	s0 =	sand.u32 $0x1, s1  }
0x8c: {  	s17 =	sshll.u32 s0, $0xA;
	s2 =	sadd.s32 s3, s2  }
0x8d: {  	s2 =	sadd.s32 s2, s17  }
0x8e: {  	[smem:$0x3FC4] =	sst s2  }
0x8f: {  	_ = 	snop  }
0x90: {  	s2 =	sld [smem:$0x3FD0];
	(tm) =	ssettm $0x1  }
0x91: {  	s18 =	sld [smem:$0x3FFB];
	_ =	sdelay $0x3  }
0x92: {  	_ =	strace s18  }
0x93: {  	s3 =	sld [smem:$0x3FFC];
	_ =	sdelay $0x3  }
0x94: {  	_ =	strace s3  }
0x95: {  	s3 =	sld [smem:$0x3FFD];
	_ =	sdelay $0x3  }
0x96: {  	_ =	strace s3  }
0x97: {  	_ =	strace $0x8FFFFFFF  }
0x98: {  	s19 =	sld [smem:$0x3FDB];
	_ =	sdelay $0x1  }
0x99: {  	s4 =	simm.s32 $_scs_section_size  }
0x9a: {  	s5 =	simm.s32 $_size__tile_overlayer_lowered;
	s6 =	simm.s32 $_tile_overlayer_lowered  }
0x9b: {  	s22 =	simm.s32 $0x1BFF;
	s21 =	sshll.u32 s6, $0x1;
	s3 =	sadd.s32 s4, s19  }
0x9c: {  	s7 =	simm.s32 $0x0;
	s20 =	sshll.u32 s5, $0x1;
	s5 =	sadd.s32 s21, s3  }
0x9d: {  	[timem:s7], [sflag:s22] =	dma.local [hbm:s5], s20  }
0x9e: {  	_ =	swait.ge [sflag:s22], s20  }
0x9f: {  	s4 =	ssub.s32 $0x0, s20;
	[sflag:s22] =	ssyncset.done $0x0  }
0xa0: {  	[sflag:s22] =	ssyncadd.s32 s4;
	_ =	sdelay $0x1  }
0xa1: {  	s23 =	simm.s32 $0x1B8B  }
0xa2: {  	_ =	swait.ge [sflag:s23], $0x1  }
0xa3: {  	[sflag:s23] =	ssyncset.done $0x0  }
0xa4: {  	s25 =	simm.s32 $0x1B8E;
	s24 =	sld [smem:$0x3FFE];
	[sflag:s23] =	ssyncadd.s32 $0xFFFFFFFF  }
0xa5: {  	s26 =	simm.s32 $execute0_lowered;
	[smem:$0x3FD2] =	sst s25  }
0xa6: {  	s5 =	sshll.u32 s26, $0x1;
	_ =	strace $0x80000046;
	[dreg:$0x1] =	wrdreg $0xFFFFFFFF  }
0xa7: {  	s28 =	simm.s32 $_size_execute0_lowered;
	s3 =	sadd.s32 s3, s5;
	[dreg:$0x0] =	wrdreg $0x0  }
0xa8: {  	s5 =	sshll.u32 s28, $0x1;
	[dreg:$0x2] =	wrdreg s3  }
0xa9: {  	[dreg:$0x3] =	wrdreg s5  }
0xaa: {  	[dreg:$0x4] =	wrdreg $0xC0  }
0xab: {  	_ =	task [dreg:s7], $0x5FFFF  }
0xac: {  	[dreg:$0x1] =	wrdreg $0xFFFFFFFF  }
0xad: {  	[dreg:$0x0] =	wrdreg $0x60  }
0xae: {  	[dreg:$0x2] =	wrdreg s24  }
0xaf: {  	[dreg:$0x3] =	wrdreg s2  }
0xb0: {  	[dreg:$0x4] =	wrdreg $0x9  }
0xb1: {  	_ =	task.clear_ibuf [dreg:s7], $0x5FFFF;
	_ =	strace $0x90000046  }
0xb2: {  	s29 =	simm.s32 $0x9;
	_ =	strace $0x80000048  }
0xb3: {  	_ =	swait.ge [sflag:s29], $0x1  }
0xb4: {  	[sflag:s29] =	ssyncadd.s32 $0xFFFFFFFF  }
0xb5: {  	_ =	strace $0x90000048  }
0xb6: {  	_ =	sfence  }
0xb7: {  	s30 =	sld [smem:$0x0];
	_ =	sdelay $0x2  }
0xb8: {  	s31 =	sshll.u32 s1, $0xD;
	s1 =	sshrl.u32 s1, $0x2  }
0xb9: {  	s3 =	sand.u32 $0x4000, s31;
	s1 =	sadd.s32 s1, s30  }
0xba: {  	s0 =	sor.u32 s3, s0;
	s1 =	sshll.u32 s1, $0x11  }
0xbb: {  	s0 =	sor.u32 s1, s0  }
0xbc: {  	s0 =	sadd.s32 $0x8F2B, s0  }
0xbd: {  	[sflag:s0] =	ssyncadd.remote.s32 $0x1  }
0xbe: {  	_ =	sfence.sel $0xFFFF  }
0xbf: {  	[dreg:$0x0] =	wrdreg $0xFFFFFFFF;
	(pc) =	sbr.abs _section_cstart, $3  }
0xc0: {  	[dreg:$0x1] =	wrdreg $0xFFFFFFFF  }
0xc1: {  	_ =	task.clear_ibuf [dreg:s7], $0x2FFFF;
	_ =	strace $0x9FFFFFFF  }
0xc2: {  	(tm) =	ssettm $0x7FFFFFFF  }
0xc3: {  	_ =	shalt  }
tec
execute0_lowered:
.L_overlay_start_1:
0x0: {  	(tag) =	ssettag $0x1  }
0x1: {  	s0 =	rddreg [dreg:$0x0]  }
0x2: {  	s1 =	rddreg [dreg:$0x1]  }
0x3: {  	s2 =	srdreg.scid;
	s3 =	stileid.u32;
	s11 =	simm.s32 $0x400  }
0x4: {  	s12 =	simm.s32 $0x1A;
	s16 =	simm.s32 $0x32;
	s29 =	simm.s32 $0x550  }
0x5: {  	s30 =	simm.s32 $0x11F00;
	s31 =	simm.s32 $0x588;
	s13 =	simm.s32 $0x8  }
0x6: {  	s14 =	simm.s32 $0x0;
	s5 =	sand.u32 $0x1, s2;
	s2 =	simm.s32 $0x0  }
0x7: {  	s3 =	sshll.u32 s3, $0x6;
	s6 =	sadd.s32 $0x3A00, s0;
	s4 =	sshll.u32 s5, $0x5  }
0x8: {  	[smem:$0x7FF] =	sst s2;
	s8 =	ssub.s32 $0x2, s5;
	s5 =	sadd.s32 $0x189400, s0  }
.Ltmp0:
0x9: {  	s3 =	sor.u32 s4, s3;
	_ =	strace $0x80000047;
	(pc) =	sbr.rel .LBB2_1-.Ltmp0, $4  }
0xa: {  	s9 =	sshrl.u32 s8, $0x1;
	s4 =	sshll.u32 s3, $0x2;
	s10 =	smul.u32 $0xB6, s3  }
0xb: {  	s28 =	ssub.s32 s8, s9;
	s7 =	sadd.s32 s4, s0;
	s4 =	sadd.s32 $0x24CA00, s0  }
0xc: {  	s9 =	smax.u32 s28, $0x1;
	s0 =	simm.s32 $0x12B80;
	s7 =	sadd.s32 $0x2A00, s7  }
0xd: {  	s8 =	sadd.s32 s1, s10;
	s10 =	simm.s32 $0x9;
	s1 =	simm.s32 $0x7  }
.LBB2_15:
0xe: {  	s14 =	sadd.s32 $0x1, s14  }
0xf: {  	_ =	swait.ge [sflag:s1], $0x680;
	p0 =	sne.s32 s14, s9  }
.Ltmp1:
0x10: {  	[sflag:s1] =	ssyncset.done $0x0;
	(pc) =	sbr.rel @!p0 .LBB2_16-.Ltmp1, $4  }
0x11: {  	[sflag:s1] =	ssyncadd.s32 $0xFFFFF980  }
0x12: {  	_ =	swait.ge [sflag:s13], $0x680  }
0x13: {  	[sflag:s13] =	ssyncset.done $0x0  }
0x14: {  	[sflag:s13] =	ssyncadd.s32 $0xFFFFF980  }
.LBB2_1:
0x15: {  	[tilespmem:s2], [sflag:$0x9] =	stream.linear.gather [hbm4b:s7+s2], $0x400, $0x38;
	[tilespmem:$0x13800] =	vst v63  }
0x16: {  	_ =	swait.ge [sflag:s10], $0x400  }
0x17: {  	[sflag:s10] =	ssyncset.done $0x0  }
0x18: {  	[sflag:s10] =	ssyncadd.s32 $0xFFFFFC00  }
0x19: {  	[tilespmem:s11], [sflag:$0x9] =	stream.linear.gather [hbm4b:s8+s2], $0xB600, $0x38;
	[tilespmem:$0x13800] =	vst v63  }
0x1a: {  	_ =	swait.ge [sflag:s10], $0xB600  }
0x1b: {  	[sflag:s10] =	ssyncset.done $0x0  }
0x1c: {  	s15 =	simm.s32 $0xBA00;
	[sflag:s10] =	ssyncadd.s32 $0xFFFF4A00  }
0x1d: {  	[tilespmem:s15], [sflag:$0x1] =	stream.indirect.gather [hbm4b:s4+s12], $0x40, s2, s12, $0xb8;
	[tilespmem:$0x13800] =	vst v63  }
0x1e: {  	s28 =	simm.s32 $0x20;
	s17 =	simm.s32 $0xC080  }
0x1f: {  	[tilespmem:s17], [sflag:$0x2] =	stream.indirect.gather [hbm4b:s4+s12], $0x40, s28, s12, $0xb8;
	[tilespmem:$0x13800] =	vst v63  }
0x20: {  	s17 =	simm.s32 $0xD400  }
0x21: {  	[tilespmem:s17], [sflag:$0x3] =	stream.indirect.gather [hbm4b:s5+s16], $0x40, s11, s16, $0xb8;
	[tilespmem:$0x13800] =	vst v63  }
0x22: {  	s18 =	simm.s32 $0x438;
	s19 =	simm.s32 $0xE080  }
0x23: {  	[tilespmem:s19], [sflag:$0x3] =	stream.indirect.gather [hbm4b:s5+s16], $0x40, s18, s16, $0xb8;
	[tilespmem:$0x13800] =	vst v63  }
0x24: {  	s20 =	simm.s32 $0x470;
	s21 =	simm.s32 $0xED00  }
0x25: {  	[tilespmem:s21], [sflag:$0x4] =	stream.indirect.gather [hbm4b:s5+s16], $0x40, s20, s16, $0xb8;
	[tilespmem:$0x13800] =	vst v63  }
0x26: {  	s22 =	simm.s32 $0x4A8;
	s23 =	simm.s32 $0xF980  }
0x27: {  	[tilespmem:s23], [sflag:$0x4] =	stream.indirect.gather [hbm4b:s5+s16], $0x40, s22, s16, $0xb8;
	[tilespmem:$0x13800] =	vst v63  }
0x28: {  	s24 =	simm.s32 $0x4E0;
	s25 =	simm.s32 $0x10600  }
0x29: {  	[tilespmem:s25], [sflag:$0x5] =	stream.indirect.gather [hbm4b:s5+s16], $0x40, s24, s16, $0xb8;
	[tilespmem:$0x13800] =	vst v63  }
0x2a: {  	s26 =	simm.s32 $0x518;
	s28 =	simm.s32 $0x11280  }
0x2b: {  	[tilespmem:s28], [sflag:$0x5] =	stream.indirect.gather [hbm4b:s5+s16], $0x40, s26, s16, $0xb8;
	[tilespmem:$0x13800] =	vst v63  }
.Ltmp2:
0x2c: {  	_ = 	snop;
	(pc) =	sbr.rel .LBB2_2-.Ltmp2, $4  }
0x2d: {  	_ = 	snop  }
0x2e: {  	[tilespmem:s30], [sflag:$0x6] =	stream.indirect.gather [hbm4b:s5+s16], $0x40, s29, s16, $0xb8;
	[tilespmem:$0x13800] =	vst v63  }
0x2f: {  	s15 =	simm.s32 $0x0  }
0x30: {  	v3 =	vimm.f32 $0.0e+00;
	[tilespmem:s0], [sflag:$0x6] =	stream.indirect.gather [hbm4b:s5+s16], $0x40, s31, s16, $0xb8;
	[tilespmem:$0x13800] =	vst v63  }
.LBB2_14:
0x31: {  	s15 =	sadd.s32 $0x1, s15  }
0x32: {  	p0 =	sne.s32 s15, $0x1A0  }
.Ltmp3:
0x33: {  	_ = 	snop;
	(pc) =	sbr.rel @!p0 .LBB2_15-.Ltmp3, $1  }
0x34: {  	_ =	sdelay $0x3  }
.LBB2_2:
0x35: {  	s17 =	smul.u32 $0x4EC5, s15;
	_ =	sdelay $0x1  }
0x36: {  	s17 =	sshrl.u32 s17, $0x12  }
0x37: {  	s18 =	smul.u32 $0xFFFFFFF3, s17;
	_ =	sdelay $0x1  }
0x38: {  	p0 =	slt.u32 s15, $0x1A;
	s19 =	sadd.s32 s15, s18  }
0x39: {  	p1 =	sne.s32 @!p0 s19, $0x0  }
0x3a: {  	p0 =	por p0, p1  }
.Ltmp4:
0x3b: {  	_ = 	snop;
	(pc) =	sbr.rel @p0 .LBB2_4-.Ltmp4, $3  }
0x3c: {  	_ =	sdelay $0x1  }
0x3d: {  	s20 =	sand.u32 $0x1, s17  }
0x3e: {  	s18 =	sadd.s32 $0x7, s20  }
0x3f: {  	_ =	swait.ge [sflag:s18], $0x680  }
0x40: {  	[sflag:s18] =	ssyncset.done $0x0  }
0x41: {  	[sflag:s18] =	ssyncadd.s32 $0xFFFFF980  }
.LBB2_5:
.Ltmp5:
0x42: {  	(pc) =	sbr.rel .LBB2_6-.Ltmp5, $4  }
0x43: {  	s21 =	sadd.s32 $0x1, s20  }
0x44: {  	_ =	swait.ge [sflag:s21], $0x680  }
0x45: {  	[sflag:s21] =	ssyncset.done $0x0  }
0x46: {  	v3 =	vimm.f32 $0.0e+00;
	[sflag:s21] =	ssyncadd.s32 $0xFFFFF980  }
.LBB2_4:
0x47: {  	p0 =	sne.s32 s19, $0x0  }
.Ltmp6:
0x48: {  	_ = 	snop;
	(pc) =	sbr.rel @!p0 .LBB2_5-.Ltmp6, $1  }
0x49: {  	_ =	sdelay $0x3  }
.LBB2_6:
0x4a: {  	s23 =	sand.u32 $0x3, s15  }
0x4b: {  	[tilespmem:$0x1FCE0] =	vst v3;
	s22 =	sadd.s32 $0x3, s23  }
0x4c: {  	s23 =	smul.u32 $0x6400, s23;
	_ =	swait.ge [sflag:s22], $0x1900  }
0x4d: {  	[sflag:s22] =	ssyncset.done $0x0  }
0x4e: {  	s23 =	sshrl.u32 s23, $0x2;
	[sflag:s22] =	ssyncadd.s32 $0xFFFFE700  }
0x4f: {  	v58 =	vld [tilespmem:s23+$0xD7B0];
	_ =	sdelay $0x4  }
0x50: {  	[tilespmem:$0x1FA30] =	vst v58;
	v58 =	vld [tilespmem:s23+$0xD7D0];
	_ =	sdelay $0x4  }
0x51: {  	[tilespmem:$0x1FA40] =	vst v58;
	v58 =	vld [tilespmem:s23+$0xD7E0];
	_ =	sdelay $0x2  }
0x52: {  	s24 =	smul.u32 $0x680, s20;
	_ =	sdelay $0x1  }
0x53: {  	s26 =	sshll.u32 s19, $0x7;
	s21 =	sadd.s32 $0xBA00, s24;
	[tilespmem:$0x1FA50] =	vst v58;
	v58 =	vld [tilespmem:s23+$0xD7F0]  }
0x54: {  	s25 =	sadd.s32 s26, s21  }
0x55: {  	v9 =	vld [tilespmem:s25+$0x0]  }
0x56: {  	v10 =	vld [tilespmem:s25+$0x10]  }
0x57: {  	v13 =	vld [tilespmem:s25+$0x20]  }
0x58: {  	[tilespmem:$0x1FA70] =	vst v58;
	v58 =	vld [tilespmem:s23+$0xD800]  }
0x59: {  	v14 =	vld [tilespmem:s25+$0x30]  }
0x5a: {  	v25 =	vld [tilespmem:s23+$0xD400]  }
0x5b: {  	v26 =	vld [tilespmem:s23+$0xD410]  }
0x5c: {  	v29 =	vld [tilespmem:s23+$0xD420]  }
0x5d: {  	[tilespmem:$0x1FA60] =	vst v58;
	v58 =	vld [tilespmem:s23+$0xD810]  }
0x5e: {  	v30 =	vld [tilespmem:s23+$0xD430]  }
0x5f: {  	v41 =	vld [tilespmem:s23+$0xD440]  }
0x60: {  	v42 =	vld [tilespmem:s23+$0xD450]  }
0x61: {  	v45 =	vld [tilespmem:s23+$0xD460]  }
0x62: {  	[tilespmem:$0x1FA80] =	vst v58;
	v58 =	vld [tilespmem:s23+$0xD820]  }
0x63: {  	v46 =	vld [tilespmem:s23+$0xD470]  }
0x64: {  	v56 =	vld [tilespmem:s23+$0xD480]  }
0x65: {  	v57 =	vld [tilespmem:s23+$0xD490]  }
0x66: {  	v61 =	vld [tilespmem:s23+$0xD4A0]  }
0x67: {  	[tilespmem:$0x1FA90] =	vst v58;
	v58 =	vld [tilespmem:s23+$0xD830]  }
0x68: {  	v62 =	vld [tilespmem:s23+$0xD4B0]  }
0x69: {  	v0 =	vld [tilespmem:s23+$0xD4C0]  }
0x6a: {  	v1 =	vld [tilespmem:s23+$0xD4D0]  }
0x6b: {  	v3 =	vld [tilespmem:s23+$0xD4E0]  }
0x6c: {  	[tilespmem:$0x1FAB0] =	vst v58;
	v58 =	vld [tilespmem:s23+$0xD840]  }
0x6d: {  	v7 =	vld [tilespmem:s23+$0xD4F0]  }
0x6e: {  	v2 =	vld [tilespmem:s23+$0xD500]  }
0x6f: {  	v4 =	vld [tilespmem:s23+$0xD510]  }
0x70: {  	v6 =	vld [tilespmem:s23+$0xD520]  }
0x71: {  	[tilespmem:$0x1FAA0] =	vst v58;
	v58 =	vld [tilespmem:s23+$0xD850]  }
0x72: {  	v15 =	vld [tilespmem:s23+$0xD530]  }
0x73: {  	v5 =	vld [tilespmem:s23+$0xD540]  }
0x74: {  	v8 =	vld [tilespmem:s23+$0xD550]  }
0x75: {  	v12 =	vld [tilespmem:s23+$0xD560]  }
0x76: {  	[tilespmem:$0x1FAC0] =	vst v58;
	v58 =	vld [tilespmem:s23+$0xD860]  }
0x77: {  	v19 =	vld [tilespmem:s23+$0xD570]  }
0x78: {  	v11 =	vld [tilespmem:s23+$0xD580]  }
0x79: {  	v16 =	vld [tilespmem:s23+$0xD590]  }
0x7a: {  	v18 =	vld [tilespmem:s23+$0xD5A0]  }
0x7b: {  	[tilespmem:$0x1FAD0] =	vst v58;
	v58 =	vld [tilespmem:s23+$0xD870]  }
0x7c: {  	v23 =	vld [tilespmem:s23+$0xD5B0]  }
0x7d: {  	v17 =	vld [tilespmem:s23+$0xD5C0]  }
0x7e: {  	v20 =	vld [tilespmem:s23+$0xD5D0]  }
0x7f: {  	v22 =	vld [tilespmem:s23+$0xD5E0]  }
0x80: {  	[tilespmem:$0x1FAF0] =	vst v58;
	v58 =	vld [tilespmem:s23+$0xD880]  }
0x81: {  	v31 =	vld [tilespmem:s23+$0xD5F0]  }
0x82: {  	v21 =	vld [tilespmem:s23+$0xD600]  }
0x83: {  	v24 =	vld [tilespmem:s23+$0xD610]  }
0x84: {  	v28 =	vld [tilespmem:s23+$0xD620]  }
0x85: {  	[tilespmem:$0x1FAE0] =	vst v58;
	v58 =	vld [tilespmem:s23+$0xD890]  }
0x86: {  	v35 =	vld [tilespmem:s23+$0xD630]  }
0x87: {  	v27 =	vld [tilespmem:s23+$0xD640]  }
0x88: {  	v32 =	vld [tilespmem:s23+$0xD650]  }
0x89: {  	v34 =	vld [tilespmem:s23+$0xD660]  }
0x8a: {  	[tilespmem:$0x1FB00] =	vst v58;
	v58 =	vld [tilespmem:s23+$0xD8A0]  }
0x8b: {  	v39 =	vld [tilespmem:s23+$0xD670]  }
0x8c: {  	v33 =	vld [tilespmem:s23+$0xD680]  }
0x8d: {  	v36 =	vld [tilespmem:s23+$0xD690]  }
0x8e: {  	v38 =	vld [tilespmem:s23+$0xD6A0]  }
0x8f: {  	[tilespmem:$0x1FB10] =	vst v58;
	v58 =	vld [tilespmem:s23+$0xD8B0]  }
0x90: {  	v47 =	vld [tilespmem:s23+$0xD6B0]  }
0x91: {  	v37 =	vld [tilespmem:s23+$0xD6C0]  }
0x92: {  	v40 =	vld [tilespmem:s23+$0xD6D0]  }
0x93: {  	v44 =	vld [tilespmem:s23+$0xD6E0]  }
0x94: {  	[tilespmem:$0x1FB30] =	vst v58;
	v58 =	vld [tilespmem:s23+$0xD8C0]  }
0x95: {  	v50 =	vld [tilespmem:s23+$0xD6F0]  }
0x96: {  	v43 =	vld [tilespmem:s23+$0xD700]  }
0x97: {  	v48 =	vld [tilespmem:s23+$0xD710]  }
0x98: {  	v51 =	vld [tilespmem:s23+$0xD720]  }
0x99: {  	[tilespmem:$0x1FB20] =	vst v58;
	v58 =	vld [tilespmem:s23+$0xD8D0]  }
0x9a: {  	v54 =	vld [tilespmem:s23+$0xD730]  }
0x9b: {  	v49 =	vld [tilespmem:s23+$0xD740]  }
0x9c: {  	v52 =	vld [tilespmem:s23+$0xD750]  }
0x9d: {  	v53 =	vld [tilespmem:s23+$0xD770]  }
0x9e: {  	[tilespmem:$0x1FB40] =	vst v58;
	v58 =	vld [tilespmem:s23+$0xD8E0]  }
0x9f: {  	v55 =	vld [tilespmem:s23+$0xD760]  }
0xa0: {  	v63 =	vld [tilespmem:s23+$0xD790]  }
0xa1: {  	v60 =	vld [tilespmem:s23+$0xD7A0]  }
0xa2: {  	v59 =	vld [tilespmem:s23+$0xD7C0];
	[tilespmem:$0x1FA20] =	vst v53  }
0xa3: {  	v53 =	vld [tilespmem:s23+$0xD780];
	[tilespmem:$0x1FB50] =	vst v58  }
0xa4: {  	v58 =	vld [tilespmem:s23+$0xD8F0];
	_ =	sdelay $0x2  }
0xa5: {  	v25 =	vadd.f32 v25, v9;
	v9 =	vld [tilespmem:s23+$0xDA70]  }
0xa6: {  	v26 =	vadd.f32 v26, v10;
	v10 =	vld [tilespmem:s23+$0xDA90]  }
0xa7: {  	[tilespmem:$0x1FB70] =	vst v58;
	v58 =	vld [tilespmem:s23+$0xD900]  }
0xa8: {  	v29 =	vadd.f32 v29, v13;
	v25 =	vadd.f32 v41, v25;
	v13 =	vld [tilespmem:s23+$0xDAA0]  }
0xa9: {  	v30 =	vadd.f32 v30, v14;
	v26 =	vadd.f32 v42, v26;
	v14 =	vld [tilespmem:s23+$0xDAB0]  }
0xaa: {  	v41 =	vadd.f32 v56, v25;
	v25 =	vld [tilespmem:s23+$0xDAC0]  }
0xab: {  	v29 =	vadd.f32 v45, v29;
	v42 =	vadd.f32 v57, v26;
	v26 =	vld [tilespmem:s23+$0xDAD0]  }
0xac: {  	v30 =	vadd.f32 v46, v30;
	[tilespmem:$0x1FB60] =	vst v58;
	v58 =	vld [tilespmem:s23+$0xD910]  }
0xad: {  	v45 =	vadd.f32 v61, v29;
	v29 =	vld [tilespmem:s23+$0xDAE0]  }
0xae: {  	v46 =	vadd.f32 v62, v30;
	v30 =	vld [tilespmem:s23+$0xDAF0]  }
0xaf: {  	v0 =	vadd.f32 v0, v41;
	v41 =	vld [tilespmem:s23+$0xDB00]  }
0xb0: {  	v1 =	vadd.f32 v1, v42;
	v42 =	vld [tilespmem:s23+$0xDB10]  }
0xb1: {  	[tilespmem:$0x1FB80] =	vst v58;
	v58 =	vld [tilespmem:s23+$0xD920]  }
0xb2: {  	v3 =	vadd.f32 v3, v45;
	v45 =	vld [tilespmem:s23+$0xDB20]  }
0xb3: {  	v0 =	vadd.f32 v2, v0;
	v2 =	vadd.f32 v7, v46;
	v46 =	vld [tilespmem:s23+$0xDB30]  }
0xb4: {  	v56 =	vld [tilespmem:s23+$0xDB40]  }
0xb5: {  	v57 =	vld [tilespmem:s23+$0xDB50]  }
0xb6: {  	[tilespmem:$0x1FB90] =	vst v58;
	v58 =	vld [tilespmem:s23+$0xD930]  }
0xb7: {  	v61 =	vld [tilespmem:s23+$0xDB60]  }
0xb8: {  	v3 =	vadd.f32 v6, v3;
	v62 =	vld [tilespmem:s23+$0xDB70]  }
0xb9: {  	v1 =	vadd.f32 v4, v1;
	v4 =	vld [tilespmem:s23+$0xDB80]  }
0xba: {  	v0 =	vadd.f32 v5, v0;
	v3 =	vadd.f32 v12, v3;
	v5 =	vld [tilespmem:s23+$0xDB90]  }
0xbb: {  	[tilespmem:$0x1FBB0] =	vst v58;
	v58 =	vld [tilespmem:s23+$0xD940]  }
0xbc: {  	v1 =	vadd.f32 v8, v1;
	v3 =	vadd.f32 v18, v3;
	v6 =	vld [tilespmem:s23+$0xDBA0]  }
0xbd: {  	v0 =	vadd.f32 v11, v0;
	v7 =	vld [tilespmem:s23+$0xDBB0]  }
0xbe: {  	v1 =	vadd.f32 v16, v1;
	v3 =	vadd.f32 v22, v3;
	v8 =	vld [tilespmem:s23+$0xDBC0]  }
0xbf: {  	v2 =	vadd.f32 v15, v2;
	v0 =	vadd.f32 v17, v0;
	v11 =	vld [tilespmem:s23+$0xDBD0]  }
0xc0: {  	v1 =	vadd.f32 v20, v1;
	v3 =	vadd.f32 v28, v3;
	[tilespmem:$0x1FBA0] =	vst v58;
	v58 =	vld [tilespmem:s23+$0xD950]  }
0xc1: {  	v2 =	vadd.f32 v19, v2;
	v0 =	vadd.f32 v21, v0;
	v12 =	vld [tilespmem:s23+$0xDBE0]  }
0xc2: {  	v1 =	vadd.f32 v24, v1;
	v3 =	vadd.f32 v34, v3;
	v15 =	vld [tilespmem:s23+$0xDBF0]  }
0xc3: {  	v2 =	vadd.f32 v23, v2;
	v0 =	vadd.f32 v27, v0;
	v16 =	vld [tilespmem:s23+$0xDC00]  }
0xc4: {  	v1 =	vadd.f32 v32, v1;
	v3 =	vadd.f32 v38, v3;
	v17 =	vld [tilespmem:s23+$0xDC10]  }
0xc5: {  	v2 =	vadd.f32 v31, v2;
	v0 =	vadd.f32 v33, v0;
	[tilespmem:$0x1FBC0] =	vst v58;
	v58 =	vld [tilespmem:s23+$0xD960]  }
0xc6: {  	v1 =	vadd.f32 v36, v1;
	v3 =	vadd.f32 v44, v3;
	v18 =	vld [tilespmem:s23+$0xDC20]  }
0xc7: {  	v2 =	vadd.f32 v35, v2;
	v0 =	vadd.f32 v37, v0;
	v19 =	vld [tilespmem:s23+$0xDC30]  }
0xc8: {  	v1 =	vadd.f32 v40, v1;
	v3 =	vadd.f32 v51, v3;
	v51 =	vld [tilespmem:$0x1FA20]  }
0xc9: {  	v0 =	vadd.f32 v43, v0;
	v20 =	vld [tilespmem:s23+$0xDC40]  }
0xca: {  	v2 =	vadd.f32 v39, v2;
	v1 =	vadd.f32 v48, v1;
	[tilespmem:$0x1FBD0] =	vst v58;
	v58 =	vld [tilespmem:s23+$0xD970]  }
0xcb: {  	v0 =	vadd.f32 v49, v0;
	v21 =	vld [tilespmem:s23+$0xDC50]  }
0xcc: {  	v2 =	vadd.f32 v47, v2;
	v1 =	vadd.f32 v52, v1;
	v52 =	vld [tilespmem:$0x1FA30]  }
0xcd: {  	v0 =	vadd.f32 v53, v0;
	v53 =	vld [tilespmem:$0x1FA40]  }
0xce: {  	v2 =	vadd.f32 v50, v2;
	v22 =	vld [tilespmem:s23+$0xDC60]  }
0xcf: {  	[tilespmem:$0x1FBF0] =	vst v58;
	v58 =	vld [tilespmem:s23+$0xD980]  }
0xd0: {  	v2 =	vadd.f32 v54, v2;
	v54 =	vld [tilespmem:$0x1FA50]  }
0xd1: {  	v3 =	vadd.f32 v55, v3;
	v55 =	vld [tilespmem:$0x1FA60]  }
0xd2: {  	v23 =	vld [tilespmem:s23+$0xDC70]  }
0xd3: {  	v0 =	vadd.f32 v59, v0;
	v59 =	vld [tilespmem:$0x1FA70]  }
0xd4: {  	[tilespmem:$0x1FBE0] =	vst v58;
	v58 =	vld [tilespmem:s23+$0xD990]  }
0xd5: {  	v3 =	vadd.f32 v60, v3;
	v60 =	vld [tilespmem:$0x1FA80]  }
0xd6: {  	v24 =	vld [tilespmem:s23+$0xDC80]  }
0xd7: {  	v1 =	vadd.f32 v63, v1;
	v63 =	vld [tilespmem:$0x1FA90]  }
0xd8: {  	v31 =	vld [tilespmem:$0x1FAA0]  }
0xd9: {  	[tilespmem:$0x1FC00] =	vst v58;
	v58 =	vld [tilespmem:s23+$0xD9A0]  }
0xda: {  	v27 =	vld [tilespmem:s23+$0xDC90]  }
0xdb: {  	v32 =	vld [tilespmem:$0x1FAB0]  }
0xdc: {  	v33 =	vld [tilespmem:$0x1FAC0]  }
0xdd: {  	v28 =	vld [tilespmem:s23+$0xDCA0]  }
0xde: {  	[tilespmem:$0x1FC10] =	vst v58;
	v58 =	vld [tilespmem:s23+$0xD9B0]  }
0xdf: {  	v34 =	vld [tilespmem:$0x1FAD0]  }
0xe0: {  	v35 =	vld [tilespmem:$0x1FAE0]  }
0xe1: {  	v36 =	vld [tilespmem:$0x1FAF0]  }
0xe2: {  	v37 =	vld [tilespmem:$0x1FB00]  }
0xe3: {  	[tilespmem:$0x1FC30] =	vst v58;
	v58 =	vld [tilespmem:s23+$0xD9C0]  }
0xe4: {  	v38 =	vld [tilespmem:$0x1FB10]  }
0xe5: {  	v39 =	vld [tilespmem:$0x1FB20]  }
0xe6: {  	v40 =	vld [tilespmem:$0x1FB30]  }
0xe7: {  	v43 =	vld [tilespmem:$0x1FB40]  }
0xe8: {  	[tilespmem:$0x1FC20] =	vst v58;
	v58 =	vld [tilespmem:s23+$0xD9D0]  }
0xe9: {  	v44 =	vld [tilespmem:$0x1FB50]  }
0xea: {  	[tilespmem:$0x1FCD0] =	vst v9;
	v9 =	vld [tilespmem:s23+$0xDA80];
	v1 =	vadd.f32 v53, v1;
	v0 =	vadd.f32 v55, v0  }
0xeb: {  	v2 =	vadd.f32 v51, v2;
	v3 =	vadd.f32 v54, v3;
	v48 =	vld [tilespmem:$0x1FB70]  }
0xec: {  	v1 =	vadd.f32 v60, v1;
	v0 =	vadd.f32 v31, v0;
	v31 =	vld [tilespmem:s23+$0xDCB0]  }
0xed: {  	v2 =	vadd.f32 v52, v2;
	v3 =	vadd.f32 v63, v3;
	[tilespmem:$0x1FC40] =	vst v58;
	v58 =	vld [tilespmem:s23+$0xD9E0]  }
0xee: {  	v1 =	vadd.f32 v33, v1;
	v33 =	vld [tilespmem:s23+$0xDCD0]  }
0xef: {  	v2 =	vadd.f32 v59, v2;
	v3 =	vadd.f32 v34, v3;
	v34 =	vld [tilespmem:s23+$0xDCE0]  }
0xf0: {  	v0 =	vadd.f32 v35, v0;
	v35 =	vld [tilespmem:s23+$0xDCF0]  }
0xf1: {  	v2 =	vadd.f32 v32, v2;
	v32 =	vld [tilespmem:s23+$0xDCC0]  }
0xf2: {  	[tilespmem:$0x1FC50] =	vst v58;
	v58 =	vld [tilespmem:s23+$0xD9F0]  }
0xf3: {  	v47 =	vld [tilespmem:$0x1FB60]  }
0xf4: {  	v1 =	vadd.f32 v37, v1;
	v37 =	vld [tilespmem:s23+$0xDD10]  }
0xf5: {  	v3 =	vadd.f32 v38, v3;
	v38 =	vld [tilespmem:s23+$0xDD20]  }
0xf6: {  	v0 =	vadd.f32 v39, v0;
	v39 =	vld [tilespmem:s23+$0xDD30]  }
0xf7: {  	[tilespmem:$0x1FC70] =	vst v58;
	v58 =	vld [tilespmem:s23+$0xDA00]  }
0xf8: {  	v2 =	vadd.f32 v36, v2;
	v36 =	vld [tilespmem:s23+$0xDD00]  }
0xf9: {  	v1 =	vadd.f32 v43, v1;
	v43 =	vld [tilespmem:s23+$0xDD50]  }
0xfa: {  	v3 =	vadd.f32 v44, v3;
	v44 =	vld [tilespmem:s23+$0xDD60]  }
0xfb: {  	v2 =	vadd.f32 v40, v2;
	v40 =	vld [tilespmem:s23+$0xDD40]  }
0xfc: {  	[tilespmem:$0x1FC60] =	vst v58;
	v58 =	vld [tilespmem:s23+$0xDA10]  }
0xfd: {  	v49 =	vld [tilespmem:$0x1FB80]  }
0xfe: {  	v50 =	vld [tilespmem:$0x1FB90]  }
0xff: {  	v52 =	vld [tilespmem:$0x1FBB0]  }
0x100: {  	v51 =	vld [tilespmem:$0x1FBA0]  }
0x101: {  	[tilespmem:$0x1FC80] =	vst v58;
	v58 =	vld [tilespmem:s23+$0xDA20]  }
0x102: {  	v53 =	vld [tilespmem:$0x1FBC0]  }
0x103: {  	v54 =	vld [tilespmem:$0x1FBD0]  }
0x104: {  	v59 =	vld [tilespmem:$0x1FBF0]  }
0x105: {  	v55 =	vld [tilespmem:$0x1FBE0]  }
0x106: {  	[tilespmem:$0x1FC90] =	vst v58;
	v58 =	vld [tilespmem:s23+$0xDA30]  }
0x107: {  	v60 =	vld [tilespmem:$0x1FC00]  }
0x108: {  	v63 =	vld [tilespmem:$0x1FC10]  }
0x109: {  	v2 =	vadd.f32 v48, v2;
	v48 =	vld [tilespmem:$0x1FC30]  }
0x10a: {  	v0 =	vadd.f32 v47, v0;
	v47 =	vld [tilespmem:$0x1FC20]  }
0x10b: {  	[tilespmem:$0x1FCB0] =	vst v58;
	v58 =	vld [tilespmem:s23+$0xDA40]  }
0x10c: {  	v1 =	vadd.f32 v49, v1;
	v49 =	vld [tilespmem:$0x1FC40]  }
0x10d: {  	v3 =	vadd.f32 v50, v3;
	v50 =	vld [tilespmem:$0x1FC50]  }
0x10e: {  	v2 =	vadd.f32 v52, v2;
	v52 =	vld [tilespmem:$0x1FC70]  }
0x10f: {  	v0 =	vadd.f32 v51, v0;
	v51 =	vld [tilespmem:$0x1FC60]  }
0x110: {  	[tilespmem:$0x1FCA0] =	vst v58;
	v58 =	vld [tilespmem:s23+$0xDA50]  }
0x111: {  	v1 =	vadd.f32 v53, v1;
	v53 =	vld [tilespmem:$0x1FC80]  }
0x112: {  	v3 =	vadd.f32 v54, v3;
	v54 =	vld [tilespmem:$0x1FC90]  }
0x113: {  	v2 =	vadd.f32 v59, v2;
	v59 =	vld [tilespmem:$0x1FCB0]  }
0x114: {  	v0 =	vadd.f32 v55, v0;
	v55 =	vld [tilespmem:$0x1FCA0]  }
0x115: {  	v1 =	vadd.f32 v60, v1;
	v3 =	vadd.f32 v63, v3;
	[tilespmem:$0x1FCC0] =	vst v58;
	v58 =	vld [tilespmem:s23+$0xDA60]  }
0x116: {  	v2 =	vadd.f32 v48, v2;
	v0 =	vadd.f32 v47, v0;
	v60 =	vld [tilespmem:$0x1FCC0]  }
0x117: {  	v63 =	vld [tilespmem:$0x1FCD0];
	v1 =	vadd.f32 v49, v1;
	v3 =	vadd.f32 v50, v3  }
0x118: {  	v48 =	vld [tilespmem:s23+$0xDD80];
	v2 =	vadd.f32 v52, v2;
	v0 =	vadd.f32 v51, v0  }
0x119: {  	v47 =	vld [tilespmem:s23+$0xDD70];
	v1 =	vadd.f32 v53, v1;
	v3 =	vadd.f32 v54, v3  }
0x11a: {  	v49 =	vld [tilespmem:s23+$0xDD90];
	v2 =	vadd.f32 v59, v2;
	v0 =	vadd.f32 v55, v0  }
0x11b: {  	v50 =	vld [tilespmem:s23+$0xDDA0];
	v3 =	vadd.f32 v58, v3;
	v1 =	vadd.f32 v60, v1  }
0x11c: {  	v52 =	vld [tilespmem:s23+$0xDDF0];
	v2 =	vadd.f32 v63, v2;
	v0 =	vadd.f32 v9, v0  }
0x11d: {  	v51 =	vld [tilespmem:s23+$0xDDE0];
	v3 =	vadd.f32 v13, v3;
	v1 =	vadd.f32 v10, v1  }
0x11e: {  	v53 =	vld [tilespmem:s23+$0xDE00];
	v2 =	vadd.f32 v14, v2;
	v0 =	vadd.f32 v25, v0  }
0x11f: {  	v54 =	vld [tilespmem:s23+$0xDE10];
	v3 =	vadd.f32 v29, v3;
	v1 =	vadd.f32 v26, v1  }
0x120: {  	v59 =	vld [tilespmem:s23+$0xDE80];
	v2 =	vadd.f32 v30, v2;
	v0 =	vadd.f32 v41, v0  }
0x121: {  	v63 =	vld [tilespmem:s23+$0xDEC0];
	v3 =	vadd.f32 v45, v3;
	v1 =	vadd.f32 v42, v1  }
0x122: {  	v55 =	vld [tilespmem:s23+$0xDE20];
	v2 =	vadd.f32 v46, v2;
	v0 =	vadd.f32 v56, v0  }
0x123: {  	v9 =	vld [tilespmem:s23+$0xDDB0];
	v3 =	vadd.f32 v61, v3;
	v1 =	vadd.f32 v57, v1  }
0x124: {  	v46 =	vld [tilespmem:s23+$0xDFD0];
	v2 =	vadd.f32 v62, v2;
	v0 =	vadd.f32 v4, v0  }
0x125: {  	v58 =	vld [tilespmem:s23+$0xDE70];
	v3 =	vadd.f32 v6, v3;
	v1 =	vadd.f32 v5, v1  }
0x126: {  	v60 =	vld [tilespmem:s23+$0xDE90];
	v2 =	vadd.f32 v7, v2;
	v0 =	vadd.f32 v8, v0  }
0x127: {  	v62 =	vld [tilespmem:s23+$0xDEB0];
	v3 =	vadd.f32 v12, v3;
	v1 =	vadd.f32 v11, v1  }
0x128: {  	v13 =	vld [tilespmem:s23+$0xDDD0];
	v2 =	vadd.f32 v15, v2;
	v0 =	vadd.f32 v16, v0  }
0x129: {  	v41 =	vld [tilespmem:s23+$0xDF60];
	v3 =	vadd.f32 v18, v3;
	v1 =	vadd.f32 v17, v1  }
0x12a: {  	v10 =	vld [tilespmem:s23+$0xDDC0];
	v2 =	vadd.f32 v19, v2;
	v0 =	vadd.f32 v20, v0  }
0x12b: {  	v56 =	vld [tilespmem:s23+$0xDE50];
	v3 =	vadd.f32 v22, v3;
	v1 =	vadd.f32 v21, v1  }
0x12c: {  	v4 =	vld [tilespmem:s23+$0xDE30];
	v2 =	vadd.f32 v23, v2;
	v0 =	vadd.f32 v24, v0  }
0x12d: {  	v45 =	vld [tilespmem:s23+$0xDFC0];
	v3 =	vadd.f32 v28, v3;
	v1 =	vadd.f32 v27, v1  }
0x12e: {  	v42 =	vld [tilespmem:s23+$0xDF70];
	v2 =	vadd.f32 v31, v2;
	v0 =	vadd.f32 v32, v0  }
0x12f: {  	v61 =	vld [tilespmem:s23+$0xDEA0];
	v3 =	vadd.f32 v34, v3;
	v1 =	vadd.f32 v33, v1  }
0x130: {  	v57 =	vld [tilespmem:s23+$0xDE60];
	v2 =	vadd.f32 v35, v2;
	v0 =	vadd.f32 v36, v0  }
0x131: {  	v5 =	vld [tilespmem:s23+$0xDE40];
	v3 =	vadd.f32 v38, v3;
	v1 =	vadd.f32 v37, v1  }
0x132: {  	v35 =	vld [tilespmem:s23+$0xDF00];
	v2 =	vadd.f32 v39, v2;
	v0 =	vadd.f32 v40, v0  }
0x133: {  	v39 =	vld [tilespmem:s23+$0xDF40];
	v3 =	vadd.f32 v44, v3;
	v1 =	vadd.f32 v43, v1  }
0x134: {  	v32 =	vld [tilespmem:s23+$0xDED0];
	v2 =	vadd.f32 v47, v2;
	v0 =	vadd.f32 v48, v0  }
0x135: {  	v47 =	vld [tilespmem:s23+$0xDFE0];
	v3 =	vadd.f32 v50, v3;
	v1 =	vadd.f32 v49, v1  }
0x136: {  	v36 =	vld [tilespmem:s23+$0xDF10];
	v2 =	vadd.f32 v9, v2;
	v0 =	vadd.f32 v10, v0  }
0x137: {  	v34 =	vld [tilespmem:s23+$0xDEF0];
	v3 =	vadd.f32 v51, v3;
	v1 =	vadd.f32 v13, v1  }
0x138: {  	v40 =	vld [tilespmem:s23+$0xDF50];
	v2 =	vadd.f32 v52, v2;
	v0 =	vadd.f32 v53, v0  }
0x139: {  	v33 =	vld [tilespmem:s23+$0xDEE0];
	v3 =	vadd.f32 v55, v3;
	v1 =	vadd.f32 v54, v1  }
0x13a: {  	v52 =	vld [tilespmem:s23+$0xE030];
	v2 =	vadd.f32 v4, v2;
	v0 =	vadd.f32 v5, v0  }
0x13b: {  	v38 =	vld [tilespmem:s23+$0xDF30];
	v3 =	vadd.f32 v57, v3;
	v1 =	vadd.f32 v56, v1  }
0x13c: {  	v37 =	vld [tilespmem:s23+$0xDF20];
	v2 =	vadd.f32 v58, v2;
	v0 =	vadd.f32 v59, v0  }
0x13d: {  	v48 =	vld [tilespmem:s23+$0xDFF0];
	v3 =	vadd.f32 v61, v3;
	v1 =	vadd.f32 v60, v1  }
0x13e: {  	v4 =	vld [tilespmem:s23+$0xDFA0];
	v2 =	vadd.f32 v62, v2;
	v0 =	vadd.f32 v63, v0  }
0x13f: {  	v43 =	vld [tilespmem:s23+$0xDF80];
	v3 =	vadd.f32 v33, v3;
	v1 =	vadd.f32 v32, v1  }
0x140: {  	v5 =	vld [tilespmem:s23+$0xDF90];
	v2 =	vadd.f32 v34, v2;
	v0 =	vadd.f32 v35, v0  }
0x141: {  	v44 =	vld [tilespmem:s23+$0xDFB0];
	v3 =	vadd.f32 v37, v3;
	v1 =	vadd.f32 v36, v1  }
0x142: {  	v50 =	vld [tilespmem:s23+$0xE010];
	v2 =	vadd.f32 v38, v2;
	v0 =	vadd.f32 v39, v0  }
0x143: {  	v49 =	vld [tilespmem:s23+$0xE000];
	v3 =	vadd.f32 v41, v3;
	v1 =	vadd.f32 v40, v1  }
0x144: {  	v51 =	vld [tilespmem:s23+$0xE020];
	v2 =	vadd.f32 v42, v2;
	v0 =	vadd.f32 v43, v0  }
0x145: {  	v3 =	vadd.f32 v4, v3;
	v1 =	vadd.f32 v5, v1;
	v5 =	vld [tilespmem:s23+$0xE040]  }
0x146: {  	v53 =	vld [tilespmem:s23+$0xE060];
	v0 =	vadd.f32 v45, v0  }
0x147: {  	v2 =	vadd.f32 v44, v2;
	v4 =	vld [tilespmem:s23+$0xE050];
	v3 =	vadd.f32 v47, v3  }
0x148: {  	v54 =	vld [tilespmem:s23+$0xE070];
	v0 =	vadd.f32 v49, v0;
	v1 =	vadd.f32 v46, v1  }
0x149: {  	v2 =	vadd.f32 v48, v2;
	v3 =	vadd.f32 v51, v3  }
0x14a: {  	s24 =	sadd.s32 $0xC700, s24;
	v1 =	vadd.f32 v50, v1;
	v5 =	vadd.f32 v5, v0  }
0x14b: {  	s25 =	sadd.s32 s26, s24;
	v0 =	vadd.f32 v52, v2;
	v11 =	vadd.f32 v53, v3  }
0x14c: {  	v2 =	vadd.f32 v4, v1;
	[tilespmem:s25+$0x0] =	vst v5  }
0x14d: {  	v0 =	vadd.f32 v54, v0;
	[tilespmem:s25+$0x20] =	vst v11  }
0x14e: {  	[tilespmem:s25+$0x10] =	vst v2  }
0x14f: {  	[tilespmem:s25+$0x30] =	vst v0  }
0x150: {  	v58 =	vld [tilespmem:s23+$0xE3E0];
	_ =	sdelay $0x4  }
0x151: {  	[tilespmem:$0x1FD10] =	vst v58;
	v58 =	vld [tilespmem:s23+$0xE430];
	_ =	sdelay $0x4  }
0x152: {  	[tilespmem:$0x1FD50] =	vst v58;
	v58 =	vld [tilespmem:s23+$0xE490];
	_ =	sdelay $0x4  }
0x153: {  	[tilespmem:$0x1FD70] =	vst v58;
	v58 =	vld [tilespmem:s23+$0xE4A0];
	_ =	sdelay $0x4  }
0x154: {  	[tilespmem:$0x1FDA0] =	vst v58;
	v58 =	vld [tilespmem:s23+$0xE4B0];
	_ =	sdelay $0x4  }
0x155: {  	[tilespmem:$0x1FDD0] =	vst v58;
	v58 =	vld [tilespmem:s23+$0xE4C0];
	_ =	sdelay $0x4  }
0x156: {  	[tilespmem:$0x1FD80] =	vst v58;
	v58 =	vld [tilespmem:s23+$0xE4D0];
	_ =	sdelay $0x4  }
0x157: {  	[tilespmem:$0x1FDB0] =	vst v58;
	v58 =	vld [tilespmem:s23+$0xE4E0];
	_ =	sdelay $0x4  }
0x158: {  	[tilespmem:$0x1FDE0] =	vst v58;
	v58 =	vld [tilespmem:s23+$0xE4F0];
	_ =	sdelay $0x4  }
0x159: {  	[tilespmem:$0x1FE10] =	vst v58;
	v58 =	vld [tilespmem:s23+$0xE500];
	_ =	sdelay $0x4  }
0x15a: {  	[tilespmem:$0x1FDC0] =	vst v58;
	v58 =	vld [tilespmem:s23+$0xE510];
	_ =	sdelay $0x4  }
0x15b: {  	[tilespmem:$0x1FDF0] =	vst v58;
	v58 =	vld [tilespmem:s23+$0xE520];
	_ =	sdelay $0x4  }
0x15c: {  	[tilespmem:$0x1FE20] =	vst v58;
	v58 =	vld [tilespmem:s23+$0xE530];
	_ =	sdelay $0x4  }
0x15d: {  	[tilespmem:$0x1FE50] =	vst v58;
	v58 =	vld [tilespmem:s23+$0xE540];
	_ =	sdelay $0x4  }
0x15e: {  	[tilespmem:$0x1FE00] =	vst v58;
	v58 =	vld [tilespmem:s23+$0xE550];
	_ =	sdelay $0x4  }
0x15f: {  	[tilespmem:$0x1FE30] =	vst v58;
	v58 =	vld [tilespmem:s23+$0xE560];
	_ =	sdelay $0x4  }
0x160: {  	[tilespmem:$0x1FE60] =	vst v58;
	v58 =	vld [tilespmem:s23+$0xE570];
	_ =	sdelay $0x4  }
0x161: {  	[tilespmem:$0x1FE90] =	vst v58;
	v58 =	vld [tilespmem:s23+$0xE580];
	_ =	sdelay $0x4  }
0x162: {  	[tilespmem:$0x1FE40] =	vst v58;
	v58 =	vld [tilespmem:s23+$0xE590];
	_ =	sdelay $0x4  }
0x163: {  	[tilespmem:$0x1FE70] =	vst v58;
	v58 =	vld [tilespmem:s23+$0xE5A0];
	_ =	sdelay $0x1  }
0x164: {  	s26 =	sor.u32 $0x40, s26  }
0x165: {  	s28 =	sadd.s32 s26, s21  }
0x166: {  	v14 =	vld [tilespmem:s28+$0x0]  }
0x167: {  	[tilespmem:$0x1FEA0] =	vst v58;
	v58 =	vld [tilespmem:s23+$0xE5B0]  }
0x168: {  	v22 =	vld [tilespmem:s28+$0x10]  }
0x169: {  	v27 =	vld [tilespmem:s28+$0x20]  }
0x16a: {  	v38 =	vld [tilespmem:s28+$0x30]  }
0x16b: {  	v30 =	vld [tilespmem:s23+$0xE080]  }
0x16c: {  	[tilespmem:$0x1FED0] =	vst v58;
	v58 =	vld [tilespmem:s23+$0xE5C0]  }
0x16d: {  	v35 =	vld [tilespmem:s23+$0xE090]  }
0x16e: {  	v43 =	vld [tilespmem:s23+$0xE0A0]  }
0x16f: {  	v46 =	vld [tilespmem:s23+$0xE0B0]  }
0x170: {  	v51 =	vld [tilespmem:s23+$0xE0C0]  }
0x171: {  	[tilespmem:$0x1FE80] =	vst v58;
	v58 =	vld [tilespmem:s23+$0xE5D0]  }
0x172: {  	v54 =	vld [tilespmem:s23+$0xE0D0]  }
0x173: {  	v59 =	vld [tilespmem:s23+$0xE0E0]  }
0x174: {  	v62 =	vld [tilespmem:s23+$0xE0F0]  }
0x175: {  	[tilespmem:$0x1FFF0] =	vst v0;
	v0 =	vld [tilespmem:s23+$0xE100]  }
0x176: {  	[tilespmem:$0x1FEB0] =	vst v58;
	v58 =	vld [tilespmem:s23+$0xE5E0]  }
0x177: {  	v3 =	vld [tilespmem:s23+$0xE110]  }
0x178: {  	v8 =	vld [tilespmem:s23+$0xE120]  }
0x179: {  	v16 =	vld [tilespmem:s23+$0xE130]  }
0x17a: {  	v1 =	vld [tilespmem:s23+$0xE140]  }
0x17b: {  	[tilespmem:$0x1FEE0] =	vst v58;
	v58 =	vld [tilespmem:s23+$0xE5F0]  }
0x17c: {  	v6 =	vld [tilespmem:s23+$0xE150]  }
0x17d: {  	v12 =	vld [tilespmem:s23+$0xE160]  }
0x17e: {  	v20 =	vld [tilespmem:s23+$0xE170]  }
0x17f: {  	v4 =	vld [tilespmem:s23+$0xE180]  }
0x180: {  	[tilespmem:$0x1FF10] =	vst v58;
	v58 =	vld [tilespmem:s23+$0xE600]  }
0x181: {  	v9 =	vld [tilespmem:s23+$0xE190]  }
0x182: {  	v17 =	vld [tilespmem:s23+$0xE1A0]  }
0x183: {  	v25 =	vld [tilespmem:s23+$0xE1B0]  }
0x184: {  	v7 =	vld [tilespmem:s23+$0xE1C0]  }
0x185: {  	[tilespmem:$0x1FEC0] =	vst v58;
	v58 =	vld [tilespmem:s23+$0xE610]  }
0x186: {  	v13 =	vld [tilespmem:s23+$0xE1D0]  }
0x187: {  	v21 =	vld [tilespmem:s23+$0xE1E0]  }
0x188: {  	v31 =	vld [tilespmem:s23+$0xE1F0]  }
0x189: {  	v10 =	vld [tilespmem:s23+$0xE200]  }
0x18a: {  	[tilespmem:$0x1FEF0] =	vst v58;
	v58 =	vld [tilespmem:s23+$0xE620]  }
0x18b: {  	v18 =	vld [tilespmem:s23+$0xE210]  }
0x18c: {  	v26 =	vld [tilespmem:s23+$0xE220]  }
0x18d: {  	v36 =	vld [tilespmem:s23+$0xE230]  }
0x18e: {  	v15 =	vld [tilespmem:s23+$0xE240]  }
0x18f: {  	[tilespmem:$0x1FF20] =	vst v58;
	v58 =	vld [tilespmem:s23+$0xE630]  }
0x190: {  	v23 =	vld [tilespmem:s23+$0xE250]  }
0x191: {  	v32 =	vld [tilespmem:s23+$0xE260]  }
0x192: {  	v41 =	vld [tilespmem:s23+$0xE270]  }
0x193: {  	v19 =	vld [tilespmem:s23+$0xE280]  }
0x194: {  	[tilespmem:$0x1FF50] =	vst v58;
	v58 =	vld [tilespmem:s23+$0xE640]  }
0x195: {  	v28 =	vld [tilespmem:s23+$0xE290]  }
0x196: {  	v37 =	vld [tilespmem:s23+$0xE2A0]  }
0x197: {  	v47 =	vld [tilespmem:s23+$0xE2B0]  }
0x198: {  	v24 =	vld [tilespmem:s23+$0xE2C0]  }
0x199: {  	[tilespmem:$0x1FF00] =	vst v58;
	v58 =	vld [tilespmem:s23+$0xE650]  }
0x19a: {  	v33 =	vld [tilespmem:s23+$0xE2D0]  }
0x19b: {  	v42 =	vld [tilespmem:s23+$0xE2E0]  }
0x19c: {  	v53 =	vld [tilespmem:s23+$0xE2F0]  }
0x19d: {  	v29 =	vld [tilespmem:s23+$0xE300]  }
0x19e: {  	[tilespmem:$0x1FF30] =	vst v58;
	v58 =	vld [tilespmem:s23+$0xE660]  }
0x19f: {  	v39 =	vld [tilespmem:s23+$0xE310]  }
0x1a0: {  	v48 =	vld [tilespmem:s23+$0xE320]  }
0x1a1: {  	v63 =	vld [tilespmem:s23+$0xE330]  }
0x1a2: {  	v34 =	vld [tilespmem:s23+$0xE340]  }
0x1a3: {  	[tilespmem:$0x1FF60] =	vst v58;
	v58 =	vld [tilespmem:s23+$0xE670]  }
0x1a4: {  	v44 =	vld [tilespmem:s23+$0xE350]  }
0x1a5: {  	v52 =	vld [tilespmem:s23+$0xE360]  }
0x1a6: {  	v55 =	vld [tilespmem:s23+$0xE370]  }
0x1a7: {  	v40 =	vld [tilespmem:s23+$0xE380]  }
0x1a8: {  	[tilespmem:$0x1FF90] =	vst v58;
	v58 =	vld [tilespmem:s23+$0xE680]  }
0x1a9: {  	v49 =	vld [tilespmem:s23+$0xE390]  }
0x1aa: {  	v57 =	vld [tilespmem:s23+$0xE3A0]  }
0x1ab: {  	v56 =	vld [tilespmem:s23+$0xE3B0]  }
0x1ac: {  	v45 =	vld [tilespmem:s23+$0xE3C0];
	v14 =	vadd.f32 v30, v14  }
0x1ad: {  	[tilespmem:$0x1FF40] =	vst v58;
	v58 =	vld [tilespmem:s23+$0xE690]  }
0x1ae: {  	v60 =	vld [tilespmem:s23+$0xE3F0];
	v14 =	vadd.f32 v51, v14  }
0x1af: {  	v61 =	vld [tilespmem:s23+$0xE420]  }
0x1b0: {  	v50 =	vld [tilespmem:s23+$0xE400];
	v0 =	vadd.f32 v0, v14  }
0x1b1: {  	[tilespmem:$0x1FD00] =	vst v56;
	v56 =	vld [tilespmem:s23+$0xE3D0]  }
0x1b2: {  	v0 =	vadd.f32 v1, v0;
	[tilespmem:$0x1FF70] =	vst v58;
	v58 =	vld [tilespmem:s23+$0xE6A0]  }
0x1b3: {  	[tilespmem:$0x1FD20] =	vst v60;
	v60 =	vld [tilespmem:s23+$0xE410]  }
0x1b4: {  	[tilespmem:$0x1FD30] =	vst v61;
	v61 =	vld [tilespmem:s23+$0xE450];
	v0 =	vadd.f32 v4, v0  }
0x1b5: {  	[tilespmem:$0x1FCF0] =	vst v55;
	v55 =	vld [tilespmem:s23+$0xE440]  }
0x1b6: {  	v30 =	vadd.f32 v35, v22;
	v35 =	vld [tilespmem:s23+$0xE6F0];
	v0 =	vadd.f32 v7, v0  }
0x1b7: {  	[tilespmem:$0x1FFA0] =	vst v58;
	v58 =	vld [tilespmem:s23+$0xE6B0]  }
0x1b8: {  	v22 =	vld [tilespmem:s23+$0xE730];
	v0 =	vadd.f32 v10, v0  }
0x1b9: {  	[tilespmem:$0x1FD40] =	vst v61;
	v61 =	vld [tilespmem:s23+$0xE460]  }
0x1ba: {  	v51 =	vld [tilespmem:s23+$0xE740];
	v0 =	vadd.f32 v15, v0  }
0x1bb: {  	v14 =	vld [tilespmem:s23+$0xE780]  }
0x1bc: {  	v0 =	vadd.f32 v19, v0;
	[tilespmem:$0x1FFC0] =	vst v58;
	v58 =	vld [tilespmem:$0x1FCE0]  }
0x1bd: {  	[tilespmem:$0x1FFE0] =	vst v35;
	v35 =	vld [tilespmem:s23+$0xE700]  }
0x1be: {  	[tilespmem:$0x1FD60] =	vst v61;
	v61 =	vld [tilespmem:s23+$0xE470];
	v0 =	vadd.f32 v24, v0  }
0x1bf: {  	v5 =	vmul.f32 v5, v5;
	v7 =	vld [tilespmem:s23+$0xE800]  }
0x1c0: {  	v10 =	vld [tilespmem:s23+$0xE830];
	v0 =	vadd.f32 v29, v0  }
0x1c1: {  	v5 =	vadd.f32 v5, v58;
	v58 =	vld [tilespmem:s23+$0xE6C0]  }
0x1c2: {  	v15 =	vld [tilespmem:s23+$0xE860];
	v0 =	vadd.f32 v34, v0  }
0x1c3: {  	[tilespmem:$0x1FD90] =	vst v61;
	v61 =	vld [tilespmem:s23+$0xE480]  }
0x1c4: {  	v19 =	vld [tilespmem:s23+$0xE8A0];
	v0 =	vadd.f32 v40, v0  }
0x1c5: {  	v24 =	vld [tilespmem:s23+$0xE8E0]  }
0x1c6: {  	v0 =	vadd.f32 v45, v0;
	[tilespmem:$0x1FF80] =	vst v58;
	v58 =	vld [tilespmem:s23+$0xE6D0]  }
0x1c7: {  	v29 =	vld [tilespmem:s23+$0xE920]  }
0x1c8: {  	v45 =	vld [tilespmem:$0x1FD00];
	v0 =	vadd.f32 v50, v0  }
0x1c9: {  	v50 =	vld [tilespmem:$0x1FD40]  }
0x1ca: {  	v0 =	vadd.f32 v55, v0;
	v55 =	vld [tilespmem:$0x1FD70]  }
0x1cb: {  	[tilespmem:$0x1FFB0] =	vst v58;
	v58 =	vld [tilespmem:s23+$0xE6E0]  }
0x1cc: {  	v2 =	vmul.f32 v2, v2;
	v0 =	vadd.f32 v61, v0;
	v61 =	vld [tilespmem:$0x1FDB0]  }
0x1cd: {  	v34 =	vld [tilespmem:$0x1FDF0]  }
0x1ce: {  	v40 =	vld [tilespmem:$0x1FE30];
	v2 =	vadd.f32 v2, v5;
	v5 =	vmul.f32 v11, v11  }
0x1cf: {  	v11 =	vld [tilespmem:s23+$0xE7F0]  }
0x1d0: {  	[tilespmem:$0x1FFD0] =	vst v58;
	v58 =	vadd.f32 v5, v2;
	v5 =	vadd.f32 v54, v30;
	v30 =	vld [tilespmem:s23+$0xE710]  }
0x1d1: {  	v2 =	vadd.f32 v43, v27;
	v27 =	vld [tilespmem:s23+$0xE720]  }
0x1d2: {  	v43 =	vadd.f32 v46, v38;
	v46 =	vld [tilespmem:s23+$0xE750]  }
0x1d3: {  	v38 =	vld [tilespmem:s23+$0xE770]  }
0x1d4: {  	v54 =	vld [tilespmem:s23+$0xE7B0]  }
0x1d5: {  	v1 =	vadd.f32 v62, v43;
	v43 =	vld [tilespmem:s23+$0xE760]  }
0x1d6: {  	v62 =	vld [tilespmem:s23+$0xE790]  }
0x1d7: {  	v2 =	vadd.f32 v59, v2;
	v3 =	vadd.f32 v3, v5;
	v59 =	vld [tilespmem:s23+$0xE7A0]  }
0x1d8: {  	v5 =	vld [tilespmem:s23+$0xE7E0]  }
0x1d9: {  	v3 =	vadd.f32 v6, v3;
	v6 =	vld [tilespmem:s23+$0xE7C0]  }
0x1da: {  	v2 =	vadd.f32 v8, v2;
	v8 =	vld [tilespmem:s23+$0xE810]  }
0x1db: {  	v1 =	vadd.f32 v16, v1;
	v16 =	vld [tilespmem:s23+$0xE870]  }
0x1dc: {  	v3 =	vadd.f32 v9, v3;
	v9 =	vld [tilespmem:s23+$0xE820]  }
0x1dd: {  	v2 =	vadd.f32 v12, v2;
	v12 =	vld [tilespmem:s23+$0xE840]  }
0x1de: {  	v1 =	vadd.f32 v20, v1;
	v20 =	vld [tilespmem:s23+$0xE8B0]  }
0x1df: {  	v3 =	vadd.f32 v13, v3;
	v13 =	vld [tilespmem:s23+$0xE850]  }
0x1e0: {  	v2 =	vadd.f32 v17, v2;
	v17 =	vld [tilespmem:s23+$0xE880]  }
0x1e1: {  	v1 =	vadd.f32 v25, v1;
	v25 =	vld [tilespmem:s23+$0xE8F0]  }
0x1e2: {  	v3 =	vadd.f32 v18, v3;
	v18 =	vld [tilespmem:s23+$0xE890]  }
0x1e3: {  	v2 =	vadd.f32 v21, v2;
	v21 =	vld [tilespmem:s23+$0xE8C0]  }
0x1e4: {  	v1 =	vadd.f32 v31, v1;
	v31 =	vld [tilespmem:s23+$0xE930]  }
0x1e5: {  	v4 =	vadd.f32 v26, v2;
	v2 =	vld [tilespmem:s23+$0xE7D0]  }
0x1e6: {  	v3 =	vadd.f32 v23, v3;
	v23 =	vld [tilespmem:s23+$0xE8D0]  }
0x1e7: {  	v26 =	vld [tilespmem:s23+$0xE900]  }
0x1e8: {  	v1 =	vadd.f32 v36, v1;
	v36 =	vld [tilespmem:$0x1FE00]  }
0x1e9: {  	v3 =	vadd.f32 v28, v3;
	v28 =	vld [tilespmem:s23+$0xE910]  }
0x1ea: {  	v4 =	vadd.f32 v32, v4;
	v1 =	vadd.f32 v41, v1;
	v32 =	vld [tilespmem:$0x1FDD0]  }
0x1eb: {  	v41 =	vld [tilespmem:$0x1FE40]  }
0x1ec: {  	v1 =	vadd.f32 v47, v1;
	v47 =	vld [tilespmem:$0x1FD10]  }
0x1ed: {  	v3 =	vadd.f32 v33, v3;
	v33 =	vld [tilespmem:$0x1FDE0]  }
0x1ee: {  	v4 =	vadd.f32 v37, v4;
	v37 =	vld [tilespmem:$0x1FE10]  }
0x1ef: {  	v1 =	vadd.f32 v53, v1;
	v53 =	vld [tilespmem:$0x1FD60]  }
0x1f0: {  	v3 =	vadd.f32 v39, v3;
	v39 =	vld [tilespmem:$0x1FE20]  }
0x1f1: {  	v4 =	vadd.f32 v42, v4;
	v42 =	vld [tilespmem:$0x1FE50]  }
0x1f2: {  	v3 =	vadd.f32 v44, v3;
	v44 =	vld [tilespmem:$0x1FCF0]  }
0x1f3: {  	v4 =	vadd.f32 v48, v4;
	v48 =	vld [tilespmem:$0x1FD20]  }
0x1f4: {  	v1 =	vadd.f32 v63, v1;
	v63 =	vld [tilespmem:$0x1FDC0]  }
0x1f5: {  	v3 =	vadd.f32 v49, v3;
	v49 =	vld [tilespmem:$0x1FD30]  }
0x1f6: {  	v4 =	vadd.f32 v52, v4;
	v52 =	vld [tilespmem:$0x1FD50]  }
0x1f7: {  	v3 =	vadd.f32 v56, v3;
	v56 =	vld [tilespmem:$0x1FD80]  }
0x1f8: {  	v4 =	vadd.f32 v57, v4;
	v57 =	vld [tilespmem:$0x1FD90]  }
0x1f9: {  	v1 =	vadd.f32 v44, v1;
	v44 =	vld [tilespmem:$0x1FE60]  }
0x1fa: {  	v3 =	vadd.f32 v60, v3;
	v60 =	vld [tilespmem:$0x1FDA0]  }
0x1fb: {  	v4 =	vadd.f32 v47, v4;
	v47 =	vld [tilespmem:$0x1FE80]  }
0x1fc: {  	v1 =	vadd.f32 v45, v1;
	v45 =	vld [tilespmem:$0x1FE70]  }
0x1fd: {  	v4 =	vadd.f32 v49, v4;
	v49 =	vld [tilespmem:$0x1FEA0]  }
0x1fe: {  	v3 =	vadd.f32 v50, v3;
	v50 =	vld [tilespmem:$0x1FEB0]  }
0x1ff: {  	v1 =	vadd.f32 v48, v1;
	v48 =	vld [tilespmem:$0x1FE90]  }
0x200: {  	v0 =	vadd.f32 v56, v0;
	v56 =	vld [tilespmem:$0x1FEF0]  }
0x201: {  	v4 =	vadd.f32 v53, v4;
	v53 =	vld [tilespmem:$0x1FED0]  }
0x202: {  	v3 =	vadd.f32 v55, v3;
	v55 =	vld [tilespmem:$0x1FEE0]  }
0x203: {  	v1 =	vadd.f32 v52, v1;
	v52 =	vld [tilespmem:$0x1FEC0]  }
0x204: {  	v0 =	vadd.f32 v63, v0;
	v63 =	vld [tilespmem:$0x1FF30]  }
0x205: {  	v4 =	vadd.f32 v60, v4;
	v60 =	vld [tilespmem:$0x1FF10]  }
0x206: {  	v3 =	vadd.f32 v61, v3;
	v61 =	vld [tilespmem:$0x1FF20]  }
0x207: {  	v0 =	vadd.f32 v36, v0;
	v36 =	vld [tilespmem:s23+$0xE970]  }
0x208: {  	v1 =	vadd.f32 v57, v1;
	v57 =	vld [tilespmem:$0x1FF00]  }
0x209: {  	v4 =	vadd.f32 v33, v4;
	v33 =	vld [tilespmem:s23+$0xE950]  }
0x20a: {  	v3 =	vadd.f32 v34, v3;
	v34 =	vld [tilespmem:s23+$0xE960]  }
0x20b: {  	v1 =	vadd.f32 v32, v1;
	v32 =	vld [tilespmem:s23+$0xE940]  }
0x20c: {  	v0 =	vadd.f32 v41, v0;
	v41 =	vld [tilespmem:s23+$0xE9B0]  }
0x20d: {  	v4 =	vadd.f32 v39, v4;
	v39 =	vld [tilespmem:s23+$0xE990]  }
0x20e: {  	v3 =	vadd.f32 v40, v3;
	v40 =	vld [tilespmem:s23+$0xE9A0]  }
0x20f: {  	v1 =	vadd.f32 v37, v1;
	v37 =	vld [tilespmem:s23+$0xE980]  }
0x210: {  	v0 =	vadd.f32 v47, v0;
	v47 =	vld [tilespmem:s23+$0xE9F0]  }
0x211: {  	v4 =	vadd.f32 v44, v4;
	v44 =	vld [tilespmem:s23+$0xE9D0]  }
0x212: {  	v3 =	vadd.f32 v45, v3;
	v45 =	vld [tilespmem:s23+$0xE9E0]  }
0x213: {  	v1 =	vadd.f32 v42, v1;
	v42 =	vld [tilespmem:s23+$0xE9C0]  }
0x214: {  	v0 =	vadd.f32 v52, v0;
	v52 =	vld [tilespmem:$0x1FF70]  }
0x215: {  	v4 =	vadd.f32 v49, v4;
	v49 =	vld [tilespmem:$0x1FF50]  }
0x216: {  	v3 =	vadd.f32 v50, v3;
	v50 =	vld [tilespmem:$0x1FF60]  }
0x217: {  	v1 =	vadd.f32 v48, v1;
	v48 =	vld [tilespmem:$0x1FF40]  }
0x218: {  	v0 =	vadd.f32 v57, v0;
	v57 =	vld [tilespmem:$0x1FFB0]  }
0x219: {  	v4 =	vadd.f32 v55, v4;
	v55 =	vld [tilespmem:$0x1FF90]  }
0x21a: {  	v1 =	vadd.f32 v53, v1;
	v53 =	vld [tilespmem:$0x1FF80]  }
0x21b: {  	v3 =	vadd.f32 v56, v3;
	v56 =	vld [tilespmem:$0x1FFA0]  }
0x21c: {  	v4 =	vadd.f32 v61, v4;
	v61 =	vld [tilespmem:$0x1FFD0];
	v1 =	vadd.f32 v60, v1  }
0x21d: {  	v3 =	vadd.f32 v63, v3;
	v60 =	vld [tilespmem:$0x1FFC0];
	v0 =	vadd.f32 v48, v0  }
0x21e: {  	v63 =	vld [tilespmem:$0x1FFE0];
	v4 =	vadd.f32 v50, v4;
	v1 =	vadd.f32 v49, v1  }
0x21f: {  	v3 =	vadd.f32 v52, v3;
	v48 =	vld [tilespmem:s23+$0xEA00];
	v0 =	vadd.f32 v53, v0  }
0x220: {  	v50 =	vld [tilespmem:s23+$0xEA50];
	v4 =	vadd.f32 v56, v4;
	v1 =	vadd.f32 v55, v1  }
0x221: {  	v52 =	vld [tilespmem:s23+$0xEA70];
	v3 =	vadd.f32 v57, v3;
	v0 =	vadd.f32 v35, v0  }
0x222: {  	v49 =	vld [tilespmem:s23+$0xEA20];
	v4 =	vadd.f32 v61, v4;
	v1 =	vadd.f32 v60, v1  }
0x223: {  	v53 =	vld [tilespmem:s23+$0xEA80];
	v3 =	vadd.f32 v30, v3;
	v0 =	vadd.f32 v51, v0  }
0x224: {  	v56 =	vld [tilespmem:s23+$0xEAC0];
	v4 =	vadd.f32 v27, v4;
	v1 =	vadd.f32 v63, v1  }
0x225: {  	v57 =	vld [tilespmem:s23+$0xEAD0];
	v3 =	vadd.f32 v46, v3;
	v0 =	vadd.f32 v14, v0  }
0x226: {  	v55 =	vld [tilespmem:s23+$0xEAB0];
	v4 =	vadd.f32 v43, v4;
	v1 =	vadd.f32 v22, v1  }
0x227: {  	v35 =	vld [tilespmem:s23+$0xEA10];
	v3 =	vadd.f32 v62, v3;
	v0 =	vadd.f32 v6, v0  }
0x228: {  	v30 =	vld [tilespmem:s23+$0xEA30];
	v4 =	vadd.f32 v59, v4;
	v1 =	vadd.f32 v38, v1  }
0x229: {  	v61 =	vld [tilespmem:s23+$0xEB00];
	v2 =	vadd.f32 v2, v3;
	v0 =	vadd.f32 v7, v0  }
0x22a: {  	v60 =	vld [tilespmem:s23+$0xEAF0];
	v4 =	vadd.f32 v5, v4;
	v1 =	vadd.f32 v54, v1  }
0x22b: {  	v27 =	vld [tilespmem:s23+$0xEA40];
	v2 =	vadd.f32 v8, v2;
	v0 =	vadd.f32 v12, v0  }
0x22c: {  	v51 =	vld [tilespmem:s23+$0xEA60];
	v4 =	vadd.f32 v9, v4;
	v1 =	vadd.f32 v11, v1  }
0x22d: {  	v46 =	vld [tilespmem:s23+$0xEBC0];
	v2 =	vadd.f32 v13, v2;
	v0 =	vadd.f32 v17, v0  }
0x22e: {  	v63 =	vld [tilespmem:s23+$0xEB20];
	v4 =	vadd.f32 v15, v4;
	v1 =	vadd.f32 v10, v1  }
0x22f: {  	v62 =	vld [tilespmem:s23+$0xEB10];
	v2 =	vadd.f32 v18, v2;
	v0 =	vadd.f32 v21, v0  }
0x230: {  	v43 =	vld [tilespmem:s23+$0xEB90];
	v4 =	vadd.f32 v19, v4;
	v1 =	vadd.f32 v16, v1  }
0x231: {  	v3 =	vld [tilespmem:s23+$0xEA90];
	v2 =	vadd.f32 v23, v2;
	v0 =	vadd.f32 v26, v0  }
0x232: {  	v59 =	vld [tilespmem:s23+$0xEAE0];
	v4 =	vadd.f32 v24, v4;
	v1 =	vadd.f32 v20, v1  }
0x233: {  	v5 =	vld [tilespmem:s23+$0xEAA0];
	v2 =	vadd.f32 v28, v2;
	v0 =	vadd.f32 v32, v0  }
0x234: {  	v54 =	vld [tilespmem:s23+$0xEC60];
	v4 =	vadd.f32 v29, v4;
	v1 =	vadd.f32 v25, v1  }
0x235: {  	v28 =	vld [tilespmem:s23+$0xEB30];
	v2 =	vadd.f32 v33, v2;
	v0 =	vadd.f32 v37, v0  }
0x236: {  	v32 =	vld [tilespmem:s23+$0xEB40];
	v4 =	vadd.f32 v34, v4;
	v1 =	vadd.f32 v31, v1  }
0x237: {  	v33 =	vld [tilespmem:s23+$0xEB50];
	v2 =	vadd.f32 v39, v2;
	v0 =	vadd.f32 v42, v0  }
0x238: {  	v37 =	vld [tilespmem:s23+$0xEB60];
	v4 =	vadd.f32 v40, v4;
	v1 =	vadd.f32 v36, v1  }
0x239: {  	v39 =	vld [tilespmem:s23+$0xEB70];
	v2 =	vadd.f32 v44, v2;
	v0 =	vadd.f32 v48, v0  }
0x23a: {  	v42 =	vld [tilespmem:s23+$0xEB80];
	v4 =	vadd.f32 v45, v4;
	v1 =	vadd.f32 v41, v1  }
0x23b: {  	v44 =	vld [tilespmem:s23+$0xEBA0];
	v2 =	vadd.f32 v35, v2;
	v0 =	vadd.f32 v27, v0  }
0x23c: {  	v45 =	vld [tilespmem:s23+$0xEBB0];
	v4 =	vadd.f32 v49, v4;
	v1 =	vadd.f32 v47, v1  }
0x23d: {  	v48 =	vld [tilespmem:s23+$0xEBE0];
	v2 =	vadd.f32 v50, v2;
	v0 =	vadd.f32 v53, v0  }
0x23e: {  	v49 =	vld [tilespmem:s23+$0xEC10];
	v4 =	vadd.f32 v51, v4;
	v1 =	vadd.f32 v30, v1  }
0x23f: {  	v50 =	vld [tilespmem:s23+$0xEC20];
	v2 =	vadd.f32 v3, v2;
	v0 =	vadd.f32 v56, v0  }
0x240: {  	v47 =	vld [tilespmem:s23+$0xEBD0];
	v4 =	vadd.f32 v5, v4;
	v1 =	vadd.f32 v52, v1  }
0x241: {  	v3 =	vld [tilespmem:s23+$0xEBF0];
	v2 =	vadd.f32 v57, v2;
	v0 =	vadd.f32 v61, v0  }
0x242: {  	v51 =	vld [tilespmem:s23+$0xEC30];
	v4 =	vadd.f32 v59, v4;
	v1 =	vadd.f32 v55, v1  }
0x243: {  	v53 =	vld [tilespmem:s23+$0xEC50];
	v2 =	vadd.f32 v62, v2;
	v0 =	vadd.f32 v32, v0  }
0x244: {  	v5 =	vld [tilespmem:s23+$0xEC00];
	v4 =	vadd.f32 v63, v4;
	v1 =	vadd.f32 v60, v1  }
0x245: {  	v56 =	vld [tilespmem:s23+$0xEC80];
	v2 =	vadd.f32 v33, v2;
	v0 =	vadd.f32 v42, v0  }
0x246: {  	v52 =	vld [tilespmem:s23+$0xEC40];
	v4 =	vadd.f32 v37, v4;
	v1 =	vadd.f32 v28, v1  }
0x247: {  	v57 =	vld [tilespmem:s23+$0xECC0];
	v2 =	vadd.f32 v43, v2;
	v0 =	vadd.f32 v46, v0  }
0x248: {  	v59 =	vld [tilespmem:s23+$0xECA0];
	v4 =	vadd.f32 v44, v4;
	v1 =	vadd.f32 v39, v1  }
0x249: {  	v61 =	vld [tilespmem:$0x1FFF0];
	v2 =	vadd.f32 v47, v2;
	v0 =	vadd.f32 v5, v0  }
0x24a: {  	v5 =	vld [tilespmem:s23+$0xEC90];
	v4 =	vadd.f32 v48, v4;
	v1 =	vadd.f32 v45, v1  }
0x24b: {  	v55 =	vld [tilespmem:s23+$0xEC70];
	v2 =	vadd.f32 v49, v2;
	v0 =	vadd.f32 v52, v0  }
0x24c: {  	v1 =	vadd.f32 v3, v1;
	v3 =	vadd.f32 v50, v4;
	v4 =	vld [tilespmem:s23+$0xECD0]  }
0x24d: {  	v60 =	vld [tilespmem:s23+$0xECB0];
	v2 =	vadd.f32 v53, v2;
	v0 =	vadd.f32 v56, v0  }
0x24e: {  	v62 =	vld [tilespmem:s23+$0xECE0];
	v8 =	vmul.f32 v61, v61;
	v1 =	vadd.f32 v51, v1;
	v3 =	vadd.f32 v54, v3  }
0x24f: {  	v2 =	vadd.f32 v5, v2;
	v0 =	vadd.f32 v57, v0  }
0x250: {  	v63 =	vld [tilespmem:s23+$0xECF0];
	v5 =	vadd.f32 v8, v58;
	v1 =	vadd.f32 v55, v1  }
0x251: {  	v3 =	vadd.f32 v59, v3;
	v2 =	vadd.f32 v4, v2;
	v4 =	vmul.f32 v0, v0  }
0x252: {  	v1 =	vadd.f32 v60, v1  }
0x253: {  	v3 =	vadd.f32 v62, v3;
	v4 =	vadd.f32 v4, v5;
	v5 =	vmul.f32 v2, v2  }
0x254: {  	p0 =	slt.u32 s15, $0x19C  }
.Ltmp7:
0x255: {  	s26 =	sadd.s32 s26, s24;
	v1 =	vadd.f32 v63, v1;
	v4 =	vadd.f32 v5, v4;
	v5 =	vmul.f32 v3, v3;
	(pc) =	sbr.rel @!p0 .LBB2_7-.Ltmp7, $4  }
0x256: {  	[tilespmem:s26+$0x0] =	vst v0  }
0x257: {  	[tilespmem:s25+$0x50] =	vst v2;
	v2 =	vmul.f32 v1, v1;
	v0 =	vadd.f32 v5, v4  }
0x258: {  	[tilespmem:s25+$0x60] =	vst v3  }
0x259: {  	[tilespmem:s25+$0x70] =	vst v1;
	v3 =	vadd.f32 v2, v0  }
0x25a: {  	s25 =	sadd.s32 $0x4, s15  }
0x25b: {  	s26 =	smul.u32 $0x4EC5, s25;
	_ =	sdelay $0x1  }
0x25c: {  	s26 =	sshrl.u32 s26, $0x12  }
0x25d: {  	s28 =	smul.u32 $0x7FFFFFF3, s26;
	_ =	sdelay $0x1  }
0x25e: {  	s26 =	smul.u32 $0x16C0, s26;
	s25 =	sadd.s32 s25, s28  }
0x25f: {  	p0 =	sgt.u32 s15, $0x185;
	s25 =	smul.u32 $0x1C0, s25  }
0x260: {  	p1 =	sne.s32 @!p0 s19, $0xC  }
0x261: {  	p0 =	por p0, p1;
	s26 =	sshrl.u32 s26, $0x2;
	s25 =	sshra.s32 s25, $0x2  }
.Ltmp8:
0x262: {  	s25 =	sadd.s32 s25, s26;
	(pc) =	sbr.rel @p0 .LBB2_10-.Ltmp8, $4  }
0x263: {  	s26 =	sadd.s32 $0xD400, s23;
	s28 =	sadd.s32 $0x400, s25  }
0x264: {  	[tilespmem:s26], [sflag:s22] =	stream.indirect.gather [hbm4b:s5+s16], $0x40, s28, s16, $0xb8;
	[tilespmem:$0x13800] =	vst v63  }
0x265: {  	s25 =	sadd.s32 $0x438, s25;
	s28 =	sadd.s32 $0xE080, s23  }
0x266: {  	[tilespmem:s28], [sflag:s22] =	stream.indirect.gather [hbm4b:s5+s16], $0x40, s25, s16, $0xb8;
	[tilespmem:$0x13800] =	vst v63  }
.Ltmp9:
0x267: {  	(pc) =	sbr.rel .LBB2_11-.Ltmp9, $4  }
0x268: {  	_ = 	snop  }
0x269: {  	s19 =	sshll.u32 s17, $0x5  }
0x26a: {  	s20 =	sadd.s32 $0x1, s20;
	s19 =	sadd.s32 $0x40, s19  }
0x26b: {  	[tilespmem:s21], [sflag:s20] =	stream.indirect.gather [hbm4b:s4+s12], $0x40, s19, s12, $0xb8;
	[tilespmem:$0x13800] =	vst v63  }
.LBB2_7:
0x26c: {  	p0 =	seq.s32 s19, $0xC  }
.Ltmp10:
0x26d: {  	_ = 	snop;
	(pc) =	sbr.rel @p0 .LBB2_11-.Ltmp10, $4  }
.Ltmp11:
0x26e: {  	_ = 	snop;
	(pc) =	sbr.rel @!p0 .LBB2_14-.Ltmp11, $4  }
0x26f: {  	_ = 	snop  }
0x270: {  	_ = 	snop  }
0x271: {  	_ = 	snop  }
0x272: {  	_ = 	snop  }
.LBB2_10:
0x273: {  	p0 =	sne.s32 s19, $0xC  }
.Ltmp12:
0x274: {  	_ = 	snop;
	(pc) =	sbr.rel @p0 .LBB2_14-.Ltmp12, $1  }
0x275: {  	_ =	sdelay $0x3  }
.LBB2_11:
0x276: {  	(xrf2) =	vadd.scan.msk.f32 $0xffff, v3;
	_ =	sdelay $0x9  }
0x277: {  	v0, _, _ =	vpop (xrf2)  }
0x278: {  	(v2sf) =	vpush v0, $0xF;
	_ =	sdelay $0xe  }
0x279: {  	s19 =	spop (v2sf)  }
0x27a: {  	s19 =	smax.f32 s19, $1.000000020e-24  }
0x27b: {  	v0 =	vmov s19  }
0x27c: {  	v1 =	vshrl.u32 v0, $0x1;
	v0 =	vmul.f32 $5.000000000e-01, v0  }
0x27d: {  	v1 =	vsub.s32 $0x5F3759DF, v1  }
0x27e: {  	v2 =	vmul.f32 v1, v0;
	_ =	sdelay $0x1  }
0x27f: {  	v2 =	vmul.f32 v1, v2;
	_ =	sdelay $0x1  }
0x280: {  	v2 =	vsub.f32 $1.500000000e+00, v2;
	_ =	sdelay $0x1  }
0x281: {  	v1 =	vmul.f32 v1, v2;
	_ =	sdelay $0x1  }
0x282: {  	v2 =	vmul.f32 v1, v0;
	_ =	sdelay $0x1  }
0x283: {  	v2 =	vmul.f32 v2, v1;
	_ =	sdelay $0x1  }
0x284: {  	v2 =	vsub.f32 $1.500000000e+00, v2;
	_ =	sdelay $0x1  }
0x285: {  	s28 =	smulhi.u32 $0x4EC4EC4F, s15;
	v1 =	vmul.f32 v2, v1;
	_ =	sdelay $0x1  }
0x286: {  	s19 =	sshrl.u32 s28, $0x2;
	v0 =	vmul.f32 v1, v0  }
0x287: {  	s19 =	sand.u32 $0x1, s19  }
0x288: {  	s19 =	smul.u32 $0x1A00, s19;
	v0 =	vmul.f32 v0, v1;
	_ =	sdelay $0x1  }
0x289: {  	s19 =	sshrl.u32 s19, $0x2;
	v0 =	vsub.f32 $1.500000000e+00, v0  }
0x28a: {  	s19 =	sadd.s32 $0xC700, s19  }
0x28b: {  	v1 =	vmul.f32 v0, v1;
	v0 =	vmov s19;
	_ =	sdelay $0x3  }
0x28c: {  	s20 =	simm.s32 $0x40;
	s19 =	simm.s32 $0x0  }
.LBB2_12:
0x28d: {  	p0 =	sne.s32 s20, $0x19C0;
	v2 =	vld.idx.msk [tilespmem:v0+s19+$0x0 ss:$0x1], $0xffff;
	_ =	sdelay $0x3  }
.Ltmp13:
0x28e: {  	(pc) =	sbr.rel @p0 .LBB2_12-.Ltmp13, $3  }
0x28f: {  	_ = 	snop  }
0x290: {  	v2 =	vmul.f32 v2, v1;
	_ =	sdelay $0x1  }
0x291: {  	[tilespmem:v0+s19+$0x0 ss:$0x1] =	vst.idx.msk $0xffff, v2;
	s19 =	sshra.s32 s20, $0x2;
	s20 =	sadd.s32 $0x40, s20  }
0x292: {  	_ =	sdelay $0x3  }
0x293: {  	v2 =	vld.idx.msk [tilespmem:v0+s19+$0x0 ss:$0x1], $0xffff;
	_ =	sdelay $0x3  }
.Ltmp14:
0x294: {  	s17 =	sadd.s32 s17, s3;
	(pc) =	sbr.rel .LBB2_14-.Ltmp14, $3  }
0x295: {  	s17 =	smul.u32 $0xD0, s17;
	v1 =	vmul.f32 v2, v1;
	_ =	sdelay $0x1  }
0x296: {  	s17 =	sadd.s32 s6, s17;
	[tilespmem:v0+s19+$0x0 ss:$0x1] =	vst.idx.msk $0xffff, v1  }
0x297: {  	[hbm4b:s17+s2] =	stream.linear.scatter [tilespmem:s24], [sflag:s18], $0x680, $0x38;
	[tilespmem:$0x13800] =	vst v63  }
.LBB2_16:
0x298: {  	_ =	sfence.sel $0x180000  }
0x299: {  	[bflag:$0x0] =	sbarrier.arrive $0xFFFF  }
0x29a: {  	_ =	strace $0x90000047  }
0x29b: {  	s0 =	stileid.u32;
	[bflag:$0x2] =	sbarrier.arrive $0xFFFF  }
0x29c: {  	p0 =	sne.s32 s0, $0x0;
	s0 =	rddreg [dreg:$0x2]  }
0x29d: {  	s0 =	sadd.s32 @!p0 $0x100000, s0  }
0x29e: {  	[sflag:s0] =	ssyncadd.tile.s32 @!p0 $0x1;
	_ =	shalt  }
.Lfunc_end2:
_tile_overlayer_lowered:
.L_overlay_start_2:
0x29f: {  	(tag) =	ssettag $0x2  }
0x2a0: {  	s0 =	rddreg [dreg:$0x0];
	s2 =	stileid.u32  }
0x2a1: {  	s1 =	rddreg [dreg:$0x1];
	p0 =	sne.s32 s2, $0x0  }
0x2a2: {  	s3 =	rddreg [dreg:$0x2];
	[bflag:$0x3] =	sbarrier.arrive $0xFFFF;
	s2 =	simm.s32 @!p0 $0x1C09  }
0x2a3: {  	[timem:s3], [sflag:s2] =	dma.local @!p0 [hbm:s0], s1  }
0x2a4: {  	s0 =	simm.s32 @!p0 $0x9  }
0x2a5: {  	_ =	swait.ge @!p0 [sflag:s0], s1  }
0x2a6: {  	s1 =	ssub.s32 @!p0 $0x0, s1;
	[sflag:s0] =	ssyncset.done @!p0 $0x0  }
0x2a7: {  	[sflag:s0] =	ssyncadd.s32 @!p0 s1  }
0x2a8: {  	[bflag:$0x3] =	sbarrier.arrive $0xFFFF  }
0x2a9: {  	_ =	shalt  }

</sc_bundles>
